<compile_context>
chip_gen: v7x
topology: tpu7x:2x2x1
jax: 0.10.2.dev20260603
libtpu: 0.0.44.dev20260713+nightly
codegen_flags: <defaults>
</compile_context>

<pallas_src>
import functools

import jax
import jax.numpy as jnp
from jax import lax
from jax.experimental import pallas as pl
from jax.experimental.pallas import tpu as pltpu
from jax.experimental.pallas import tpu_sc as plsc

N = 16384
D = 512
C = 28
CP = 32
JB = 2048
IB = 512
NJ = N // JB
NIT = N // IB
TPB = JB // IB
RB = 2048
NB = N // RB
P = 1024

_HI = jax.lax.Precision.HIGHEST
_BIG = 2 ** 30


def _medoid_kernel(s1_ref, mci_ref, mcj_ref, cent_ref,
                   accj_ref, csa_ref, csb_ref):
    j = pl.program_id(0)

    @pl.when(j == 0)
    def _init():
        csb_ref[...] = jnp.zeros((NIT, CP, IB), jnp.float32)

    xj = s1_ref[pl.ds(j * JB, JB), :]
    sqj = jax.lax.dot_general(jnp.ones((1, D), jnp.float32), xj * xj,
                              (((1,), (1,)), ((), ())),
                              precision=_HI)
    masktj = mcj_ref[j]
    accj_ref[...] = jnp.zeros((CP, JB), jnp.float32)

    def tile_chain(t):
        i0 = t * IB
        xi = s1_ref[pl.ds(i0, IB), :]
        sqi = jnp.sum(xi * xi, axis=1, keepdims=True)
        g = jax.lax.dot_general(xi, xj, (((1,), (1,)), ((), ())))
        d2 = sqi + sqj - 2.0 * g
        dist = jnp.sqrt(jnp.maximum(d2, 0.0)
                        ).astype(jnp.bfloat16)
        maskti = mci_ref[t]
        u1 = jax.lax.dot_general(maskti, dist, (((1,), (0,)), ((), ())),
                                 preferred_element_type=jnp.float32)
        return u1, dist

    def body(p, carry):
        res = [tile_chain(TPB * p + k) for k in range(TPB)]
        accj_ref[...] += sum(r[0] for r in res)

        @pl.when(p < j)
        def _lower():
            for k in range(TPB):
                u2 = jax.lax.dot_general(masktj, res[k][1],
                                         (((1,), (1,)), ((), ())),
                                         preferred_element_type=jnp.float32)
                csb_ref[TPB * p + k] += u2

        return carry

    jax.lax.fori_loop(0, j + 1, body, 0)

    for k in range(TPB):
        csa_ref[j * TPB + k] = accj_ref[:, k * IB:(k + 1) * IB]

    @pl.when(j == NJ - 1)
    def _finish():
        lane = jax.lax.broadcasted_iota(jnp.int32, (CP, IB), 1)

        def abody(t, carry):
            mv, mi = carry
            cs = csa_ref[t] + csb_ref[t]
            m = jnp.where(mci_ref[t] > 0, cs, jnp.inf)
            bm = jnp.min(m, axis=1, keepdims=True)
            bi = jnp.min(jnp.where(m == bm, lane + t * IB, _BIG),
                         axis=1, keepdims=True)
            upd = bm < mv
            return (jnp.where(upd, bm, mv), jnp.where(upd, bi, mi))

        _, amin = jax.lax.fori_loop(
            0, NIT, abody,
            (jnp.full((CP, 1), jnp.inf, jnp.float32),
             jnp.zeros((CP, 1), jnp.int32)))

        def gbody(t, cacc):
            i0 = t * IB
            xi = s1_ref[pl.ds(i0, IB), :]
            sel = (lane + i0 == amin).astype(jnp.float32)
            return cacc + jax.lax.dot_general(
                sel, xi, (((1,), (0,)), ((), ())), precision=_HI)

        cent = jax.lax.fori_loop(0, NIT, gbody,
                                 jnp.zeros((CP, D), jnp.float32))
        cent_ref[...] = cent


_NW = 32
_RPW = N // _NW
_BR = 16


def _make_simmean_sc():
    mesh = plsc.VectorSubcoreMesh(core_axis_name="c", subcore_axis_name="s")

    @functools.partial(
        pl.kernel, mesh=mesh,
        out_type=jax.ShapeDtypeStruct((N,), jnp.float32),
        scratch_types=[
            pltpu.VMEM((_BR * P,), jnp.float32),
            pltpu.VMEM((_BR,), jnp.float32),
        ],
    )
    def simmean(sim_hbm, out_hbm, buf_v, acc_v):
        wid = lax.axis_index("s") * 2 + lax.axis_index("c")
        base = wid * _RPW
        lane = lax.iota(jnp.int32, _BR)

        def block(b, carry):
            r0 = base + b * _BR
            pltpu.sync_copy(sim_hbm.at[pl.ds(r0 * P, _BR * P)], buf_v)
            acc = jnp.zeros((_BR,), jnp.float32)
            for i in range(_BR):
                def col(k, a):
                    return a + buf_v[pl.ds(i * P + k * _BR, _BR)]

                r = lax.fori_loop(0, P // _BR, col,
                                  jnp.zeros((_BR,), jnp.float32))
                for sh in (8, 4, 2, 1):
                    r = r + r.at[lane ^ sh].get(mode="promise_in_bounds")
                acc = jnp.where(lane == i, r, acc)
            acc_v[...] = acc * (1.0 / P)
            pltpu.sync_copy(acc_v, out_hbm.at[pl.ds(r0, _BR)])
            return carry

        lax.fori_loop(0, _RPW // _BR, block, 0)

    return simmean


def _loss_kernel(s1_ref, s2_ref, segc_ref, w_ref, cent_ref, out_ref,
                 accl_ref, accg_ref):
    b = pl.program_id(0)

    @pl.when(b == 0)
    def _init():
        accl_ref[...] = jnp.zeros((1, 1), jnp.float32)
        accg_ref[...] = jnp.zeros((1, 1), jnp.float32)

    w = w_ref[...]
    centb = cent_ref[...].astype(jnp.bfloat16)
    col = jax.lax.broadcasted_iota(jnp.int32, (RB, CP), 1)
    valid = col < C
    seg = segc_ref[...]
    inv_t = jnp.float32(1.0 / 0.07)

    def ce_weighted(x_ref):
        logits = jax.lax.dot_general(
            x_ref[...], centb, (((1,), (1,)), ((), ())),
            preferred_element_type=jnp.float32) * inv_t
        lm = jnp.where(valid, logits, -jnp.inf)
        m = jnp.max(lm, axis=1, keepdims=True)
        lse = m + jnp.log(jnp.sum(jnp.exp(lm - m), axis=1, keepdims=True))
        picked = jnp.sum(jnp.where(col == seg, logits, 0.0),
                         axis=1, keepdims=True)
        return jnp.sum((lse - picked) * w)

    accl_ref[...] += ce_weighted(s1_ref).reshape(1, 1)
    accg_ref[...] += ce_weighted(s2_ref).reshape(1, 1)

    @pl.when(b == NB - 1)
    def _fin():
        local = accl_ref[0, 0] * (1.0 / N)
        glob = accg_ref[0, 0] * (1.0 / N)
        out_ref[...] = (((1.0 - 0.7) * local + 0.7 * glob) * 0.5
                        ).reshape(1, 1)


@jax.jit
def kernel(S1, S2, segmentation_map, similarity_matrix,
           learned_centroids, prototypes):
    del learned_centroids, prototypes
    seg = segmentation_map.reshape(-1)
    segcol = seg.reshape(N, 1)
    sim2d = similarity_matrix.reshape(N, P)
    wcol = _make_simmean_sc()(sim2d.reshape(-1)).reshape(N, 1)
    S1b = S1.astype(jnp.bfloat16)
    S2b = S2.astype(jnp.bfloat16)
    maskc = (jnp.arange(CP, dtype=seg.dtype)[:, None] == seg[None, :]
             ).astype(jnp.bfloat16)
    mci = maskc.reshape(CP, NIT, IB).transpose(1, 0, 2)
    mcj = maskc.reshape(CP, NJ, JB).transpose(1, 0, 2)

    cent = pl.pallas_call(
        _medoid_kernel,
        grid=(NJ,),
        in_specs=[
            pl.BlockSpec((N, D), lambda j: (0, 0)),
            pl.BlockSpec((NIT, CP, IB), lambda j: (0, 0, 0)),
            pl.BlockSpec((NJ, CP, JB), lambda j: (0, 0, 0)),
        ],
        out_specs=pl.BlockSpec((CP, D), lambda j: (0, 0)),
        out_shape=jax.ShapeDtypeStruct((CP, D), jnp.float32),
        scratch_shapes=[
            pltpu.VMEM((CP, JB), jnp.float32),
            pltpu.VMEM((NIT, CP, IB), jnp.float32),
            pltpu.VMEM((NIT, CP, IB), jnp.float32),
        ],
        compiler_params=pltpu.CompilerParams(
            vmem_limit_bytes=63 * 1024 * 1024),
    )(S1, mci, mcj)

    out = pl.pallas_call(
        _loss_kernel,
        grid=(NB,),
        in_specs=[
            pl.BlockSpec((RB, D), lambda b: (b, 0)),
            pl.BlockSpec((RB, D), lambda b: (b, 0)),
            pl.BlockSpec((RB, 1), lambda b: (b, 0)),
            pl.BlockSpec((RB, 1), lambda b: (b, 0)),
            pl.BlockSpec((CP, D), lambda b: (0, 0)),
        ],
        out_specs=pl.BlockSpec((1, 1), lambda b: (0, 0)),
        out_shape=jax.ShapeDtypeStruct((1, 1), jnp.float32),
        scratch_shapes=[
            pltpu.VMEM((1, 1), jnp.float32),
            pltpu.VMEM((1, 1), jnp.float32),
        ],
    )(S1b, S2b, segcol, wcol, cent)

    return out.reshape(())

# --- scband reference (transcript-rebuilt; emitter-appended) ---
"""Pipeline reference for scband-new-local-global-info-nce-50362786513096 (READ-ONLY COPY).

The authoritative reference and input builder live on the scoring server;
editing this copy changes nothing except your own understanding.
"""

import jax, jax.numpy as jnp
import numpy as np

B, P, D, C = 16, 1024, 512, 28

def _cdist(x):
    sq = jnp.sum(x * x, axis=1)
    d2 = sq[:, None] + sq[None, :] - 2.0 * (x @ x.T)
    return jnp.sqrt(jnp.maximum(d2, 0.0))

def _compute_centroids(features, seg, prototypes):
    num_classes = prototypes.shape[0]
    pairwise_dist = jax.lax.stop_gradient(_cdist(features))
    class_mask = (seg[None, :] == jnp.arange(num_classes, dtype=seg.dtype)[:, None])
    col_sums = class_mask.astype(features.dtype) @ pairwise_dist
    masked_sums = jnp.where(class_mask, col_sums, jnp.inf)
    amin = jnp.argmin(masked_sums, axis=1)
    centroids = features[amin]
    present = class_mask.any(axis=1)
    prototypes = jnp.where(present[:, None], centroids, prototypes)
    return centroids, prototypes

def _ce_none(logits, labels):
    logp = jax.nn.log_softmax(logits, axis=-1)
    return -jnp.take_along_axis(logp, labels[:, None], axis=1)[:, 0]

def setup_inputs(seed: int = 0):
    key = jax.random.key(seed)
    ks = jax.random.split(key, 6)
    N = B * P
    S1 = jax.random.normal(ks[0], (N, D), dtype=jnp.float32)
    S2 = jax.random.normal(ks[1], (N, D), dtype=jnp.float32)
    segmentation_map = jax.random.randint(ks[2], (B, P), 0, C, dtype=jnp.int32)
    similarity_matrix = jax.random.uniform(ks[3], (B, P, P), dtype=jnp.float32)
    learned_centroids = jax.random.normal(ks[4], (C, D), dtype=jnp.float32)
    prototypes = jax.random.normal(ks[5], (C, D), dtype=jnp.float32)
    return {"S1": S1, "S2": S2, "segmentation_map": segmentation_map, "similarity_matrix": similarity_matrix, "learned_centroids": learned_centroids, "prototypes": prototypes}

def reference(S1, S2, segmentation_map, similarity_matrix, learned_centroids, prototypes):
    seg = segmentation_map.reshape(-1)
    S1_centroids, prototypes = _compute_centroids(S1, seg, prototypes)
    local_logits = (S1 @ S1_centroids.T) / 0.07
    global_logits = (S2 @ S1_centroids.T) / 0.07
    uniq = jnp.arange(prototypes.shape[0], dtype=seg.dtype)
    mask = (seg[:, None] == uniq[None, :]).astype(jnp.float32)
    labels = jnp.argmax(mask, axis=1)
    local_weights = similarity_matrix.mean(axis=2).reshape(-1) * 1.0
    global_weights = similarity_matrix.mean(axis=2).reshape(-1) * 1.0
    local_loss = (_ce_none(local_logits, labels) * local_weights).mean()
    global_loss = (_ce_none(global_logits, labels) * global_weights).mean()
    total_loss = ((1 - 0.7) * local_loss + 0.7 * global_loss) / 2
    return total_loss

if __name__ == "__main__":
    import jax
    _d = setup_inputs()
    print(jax.jit(kernel)(*tuple(_d.values())))

</pallas_src>

<mosaic_0001>
#map = affine_map<(d0, d1) -> (0)>
module attributes {stable_mosaic.version = 14 : i64} {
  func.func @simmean(%arg0: i32, %arg1: i32, %arg2: memref<16777216xf32, #tpu.memory_space<hbm>>, %arg3: memref<16384xf32, #tpu.memory_space<hbm>>, %arg4: memref<16384xf32, #tpu.memory_space<vmem>>, %arg5: memref<16xf32, #tpu.memory_space<vmem>>) attributes {dimension_semantics = [#tpu.dimension_semantics<core_parallel>, #tpu.dimension_semantics<subcore_parallel>], iteration_bounds = array<i64: 2, 16>, scalar_prefetch = 0 : i64, scratch_operands = 2 : i64, tpu.core_type = #tpu.core_type<sc_vector_subcore>, window_params = [{transform_indices = #map}, {transform_indices = #map}]} {
    %mul3A = arith.constant 2 : i32
    %mul3A_0 = arith.muli %arg1, %mul3A : i32
    %add3A = arith.addi %mul3A_0, %arg0 : i32
    %mul3A_1 = arith.constant 512 : i32
    %mul3A_2 = arith.muli %add3A, %mul3A_1 : i32
    %iota3A = tpu.iota {dimensions = array<i32: 0>} : vector<16xi32>
    %scan3A = arith.constant 0 : i32
    %scan3A_3 = arith.constant 0 : i32
    %scan3A_4 = arith.constant 32 : i32
    %scan3A_5 = arith.addi %scan3A_3, %scan3A_4 : i32
    %scan3A_6 = arith.constant 1 : i32
    scf.for %scan3A_8 = %scan3A_3 to %scan3A_5 step %scan3A_6  : i32 {
      %mul3A_9 = arith.constant 16 : i32
      %mul3A_10 = arith.muli %scan3A_8, %mul3A_9 : i32
      %add3A_11 = arith.addi %mul3A_2, %mul3A_10 : i32
      %mul3A_12 = arith.constant 1024 : i32
      %mul3A_13 = arith.muli %add3A_11, %mul3A_12 : i32
      "tpu.region"() ({
        %run_scoped3A = tpu.sem_alloc : memref<!tpu.dma_semaphore, #tpu.memory_space<semaphore_mem>>
        %dma_start3A = tpu.memref_slice %arg2[%mul3A_13] : memref<16777216xf32, #tpu.memory_space<hbm>> -> memref<16384xf32, #tpu.memory_space<hbm>>
        %dma_start3A_1104 = tpu.memref_slice %arg2[%mul3A_13] : memref<16777216xf32, #tpu.memory_space<hbm>> -> memref<16384xf32, #tpu.memory_space<hbm>>
        tpu.enqueue_dma source(%dma_start3A_1104 : memref<16384xf32, #tpu.memory_space<hbm>>) target(%arg4 : memref<16384xf32, #tpu.memory_space<vmem>>) target_semaphore(%run_scoped3A : memref<!tpu.dma_semaphore, #tpu.memory_space<semaphore_mem>>)
        %dma_wait3A = tpu.memref_slice %arg2[%mul3A_13] : memref<16777216xf32, #tpu.memory_space<hbm>> -> memref<16384xf32, #tpu.memory_space<hbm>>
        %dma_wait3A_1105 = tpu.memref_slice %arg2[%mul3A_13] : memref<16777216xf32, #tpu.memory_space<hbm>> -> memref<16384xf32, #tpu.memory_space<hbm>>
        tpu.wait_dma2 semaphore(%run_scoped3A : memref<!tpu.dma_semaphore, #tpu.memory_space<semaphore_mem>>) src(%dma_wait3A_1105 : memref<16384xf32, #tpu.memory_space<hbm>>) dst(%arg4 : memref<16384xf32, #tpu.memory_space<vmem>>)
        tpu.yield
      }) : () -> ()
      %broadcast_in_dim3A = arith.constant 0.000000e+00 : f32
      %broadcast_in_dim3A_14 = vector.broadcast %broadcast_in_dim3A : f32 to vector<16xf32>
      %broadcast_in_dim3A_15 = arith.constant 0.000000e+00 : f32
      %broadcast_in_dim3A_16 = vector.broadcast %broadcast_in_dim3A_15 : f32 to vector<16xf32>
      %scan3A_17 = arith.constant 0 : i32
      %scan3A_18 = arith.constant 64 : i32
      %scan3A_19 = arith.addi %scan3A_17, %scan3A_18 : i32
      %scan3A_20 = arith.constant 1 : i32
      %scan3A_21 = scf.for %scan3A_1104 = %scan3A_17 to %scan3A_19 step %scan3A_20 iter_args(%scan3A_1105 = %broadcast_in_dim3A_16) -> (vector<16xf32>)  : i32 {
        %mul3A_1106 = arith.constant 16 : i32
        %mul3A_1107 = arith.muli %scan3A_1104, %mul3A_1106 : i32
        %add3A_1108 = arith.constant 0 : i32
        %add3A_1109 = arith.addi %add3A_1108, %mul3A_1107 : i32
        %get3A = arith.index_cast %add3A_1109 : i32 to index
        %get3A_1110 = tpu.vector_load %arg4[%get3A] {strides = array<i32>} : memref<16384xf32, #tpu.memory_space<vmem>>, vector<16xf32>,
        %get3A_1111 = vector.shape_cast %get3A_1110 : vector<16xf32> to vector<16xf32>
        %add3A_1112 = arith.addf %scan3A_1105, %get3A_1111 : vector<16xf32>
        scf.yield %add3A_1112 : vector<16xf32>
      }
      %scan3A_22 = arith.constant 64 : i32
      %xor3A = arith.constant 8 : i32
      %xor3A_23 = vector.broadcast %xor3A : i32 to vector<16xi32>
      %xor3A_24 = arith.xori %iota3A, %xor3A_23 : vector<16xi32>
      %lt3A = arith.constant 0 : i32
      %lt3A_25 = vector.broadcast %lt3A : i32 to vector<16xi32>
      %lt3A_26 = arith.cmpi slt, %xor3A_24, %lt3A_25 : vector<16xi32>
      %add3A_27 = arith.constant 16 : i32
      %add3A_28 = vector.broadcast %add3A_27 : i32 to vector<16xi32>
      %add3A_29 = arith.addi %xor3A_24, %add3A_28 : vector<16xi32>
      %select_n3A = arith.select %lt3A_26, %add3A_29, %xor3A_24 : vector<16xi1>, vector<16xi32>
      %broadcast_in_dim3A_30 = vector.shape_cast %select_n3A : vector<16xi32> to vector<16x1xi32>
      %gather3A = vector.shape_cast %broadcast_in_dim3A_30 : vector<16x1xi32> to vector<16xi32>
      %gather3A_31 = tpu.dynamic_gather %scan3A_21[%gather3A] in [0] : vector<16xf32>, vector<16xi32> -> vector<16xf32>
      %add3A_32 = arith.addf %scan3A_21, %gather3A_31 : vector<16xf32>
      %xor3A_33 = arith.constant 4 : i32
      %xor3A_34 = vector.broadcast %xor3A_33 : i32 to vector<16xi32>
      %xor3A_35 = arith.xori %iota3A, %xor3A_34 : vector<16xi32>
      %lt3A_36 = arith.constant 0 : i32
      %lt3A_37 = vector.broadcast %lt3A_36 : i32 to vector<16xi32>
      %lt3A_38 = arith.cmpi slt, %xor3A_35, %lt3A_37 : vector<16xi32>
      %add3A_39 = arith.constant 16 : i32
      %add3A_40 = vector.broadcast %add3A_39 : i32 to vector<16xi32>
      %add3A_41 = arith.addi %xor3A_35, %add3A_40 : vector<16xi32>
      %select_n3A_42 = arith.select %lt3A_38, %add3A_41, %xor3A_35 : vector<16xi1>, vector<16xi32>
      %broadcast_in_dim3A_43 = vector.shape_cast %select_n3A_42 : vector<16xi32> to vector<16x1xi32>
      %gather3A_44 = vector.shape_cast %broadcast_in_dim3A_43 : vector<16x1xi32> to vector<16xi32>
      %gather3A_45 = tpu.dynamic_gather %add3A_32[%gather3A_44] in [0] : vector<16xf32>, vector<16xi32> -> vector<16xf32>
      %add3A_46 = arith.addf %add3A_32, %gather3A_45 : vector<16xf32>
      %xor3A_47 = arith.constant 2 : i32
      %xor3A_48 = vector.broadcast %xor3A_47 : i32 to vector<16xi32>
      %xor3A_49 = arith.xori %iota3A, %xor3A_48 : vector<16xi32>
      %lt3A_50 = arith.constant 0 : i32
      %lt3A_51 = vector.broadcast %lt3A_50 : i32 to vector<16xi32>
      %lt3A_52 = arith.cmpi slt, %xor3A_49, %lt3A_51 : vector<16xi32>
      %add3A_53 = arith.constant 16 : i32
      %add3A_54 = vector.broadcast %add3A_53 : i32 to vector<16xi32>
      %add3A_55 = arith.addi %xor3A_49, %add3A_54 : vector<16xi32>
      %select_n3A_56 = arith.select %lt3A_52, %add3A_55, %xor3A_49 : vector<16xi1>, vector<16xi32>
      %broadcast_in_dim3A_57 = vector.shape_cast %select_n3A_56 : vector<16xi32> to vector<16x1xi32>
      %gather3A_58 = vector.shape_cast %broadcast_in_dim3A_57 : vector<16x1xi32> to vector<16xi32>
      %gather3A_59 = tpu.dynamic_gather %add3A_46[%gather3A_58] in [0] : vector<16xf32>, vector<16xi32> -> vector<16xf32>
      %add3A_60 = arith.addf %add3A_46, %gather3A_59 : vector<16xf32>
      %xor3A_61 = arith.constant 1 : i32
      %xor3A_62 = vector.broadcast %xor3A_61 : i32 to vector<16xi32>
      %xor3A_63 = arith.xori %iota3A, %xor3A_62 : vector<16xi32>
      %lt3A_64 = arith.constant 0 : i32
      %lt3A_65 = vector.broadcast %lt3A_64 : i32 to vector<16xi32>
      %lt3A_66 = arith.cmpi slt, %xor3A_63, %lt3A_65 : vector<16xi32>
      %add3A_67 = arith.constant 16 : i32
      %add3A_68 = vector.broadcast %add3A_67 : i32 to vector<16xi32>
      %add3A_69 = arith.addi %xor3A_63, %add3A_68 : vector<16xi32>
      %select_n3A_70 = arith.select %lt3A_66, %add3A_69, %xor3A_63 : vector<16xi1>, vector<16xi32>
      %broadcast_in_dim3A_71 = vector.shape_cast %select_n3A_70 : vector<16xi32> to vector<16x1xi32>
      %gather3A_72 = vector.shape_cast %broadcast_in_dim3A_71 : vector<16x1xi32> to vector<16xi32>
      %gather3A_73 = tpu.dynamic_gather %add3A_60[%gather3A_72] in [0] : vector<16xf32>, vector<16xi32> -> vector<16xf32>
      %add3A_74 = arith.addf %add3A_60, %gather3A_73 : vector<16xf32>
      %eq3A = arith.constant 0 : i32
      %eq3A_75 = vector.broadcast %eq3A : i32 to vector<16xi32>
      %eq3A_76 = arith.cmpi eq, %iota3A, %eq3A_75 : vector<16xi32>
      %select_n3A_77 = arith.select %eq3A_76, %add3A_74, %broadcast_in_dim3A_14 : vector<16xi1>, vector<16xf32>
      %broadcast_in_dim3A_78 = arith.constant 0.000000e+00 : f32
      %broadcast_in_dim3A_79 = vector.broadcast %broadcast_in_dim3A_78 : f32 to vector<16xf32>
      %scan3A_80 = arith.constant 0 : i32
      %scan3A_81 = arith.constant 64 : i32
      %scan3A_82 = arith.addi %scan3A_80, %scan3A_81 : i32
      %scan3A_83 = arith.constant 1 : i32
      %scan3A_84 = scf.for %scan3A_1104 = %scan3A_80 to %scan3A_82 step %scan3A_83 iter_args(%scan3A_1105 = %broadcast_in_dim3A_79) -> (vector<16xf32>)  : i32 {
        %mul3A_1106 = arith.constant 16 : i32
        %mul3A_1107 = arith.muli %scan3A_1104, %mul3A_1106 : i32
        %add3A_1108 = arith.constant 1024 : i32
        %add3A_1109 = arith.addi %add3A_1108, %mul3A_1107 : i32
        %get3A = arith.index_cast %add3A_1109 : i32 to index
        %get3A_1110 = tpu.vector_load %arg4[%get3A] {strides = array<i32>} : memref<16384xf32, #tpu.memory_space<vmem>>, vector<16xf32>,
        %get3A_1111 = vector.shape_cast %get3A_1110 : vector<16xf32> to vector<16xf32>
        %add3A_1112 = arith.addf %scan3A_1105, %get3A_1111 : vector<16xf32>
        scf.yield %add3A_1112 : vector<16xf32>
      }
      %scan3A_85 = arith.constant 64 : i32
      %xor3A_86 = arith.constant 8 : i32
      %xor3A_87 = vector.broadcast %xor3A_86 : i32 to vector<16xi32>
      %xor3A_88 = arith.xori %iota3A, %xor3A_87 : vector<16xi32>
      %lt3A_89 = arith.constant 0 : i32
      %lt3A_90 = vector.broadcast %lt3A_89 : i32 to vector<16xi32>
      %lt3A_91 = arith.cmpi slt, %xor3A_88, %lt3A_90 : vector<16xi32>
      %add3A_92 = arith.constant 16 : i32
      %add3A_93 = vector.broadcast %add3A_92 : i32 to vector<16xi32>
      %add3A_94 = arith.addi %xor3A_88, %add3A_93 : vector<16xi32>
      %select_n3A_95 = arith.select %lt3A_91, %add3A_94, %xor3A_88 : vector<16xi1>, vector<16xi32>
      %broadcast_in_dim3A_96 = vector.shape_cast %select_n3A_95 : vector<16xi32> to vector<16x1xi32>
      %gather3A_97 = vector.shape_cast %broadcast_in_dim3A_96 : vector<16x1xi32> to vector<16xi32>
      %gather3A_98 = tpu.dynamic_gather %scan3A_84[%gather3A_97] in [0] : vector<16xf32>, vector<16xi32> -> vector<16xf32>
      %add3A_99 = arith.addf %scan3A_84, %gather3A_98 : vector<16xf32>
      %xor3A_100 = arith.constant 4 : i32
      %xor3A_101 = vector.broadcast %xor3A_100 : i32 to vector<16xi32>
      %xor3A_102 = arith.xori %iota3A, %xor3A_101 : vector<16xi32>
      %lt3A_103 = arith.constant 0 : i32
      %lt3A_104 = vector.broadcast %lt3A_103 : i32 to vector<16xi32>
      %lt3A_105 = arith.cmpi slt, %xor3A_102, %lt3A_104 : vector<16xi32>
      %add3A_106 = arith.constant 16 : i32
      %add3A_107 = vector.broadcast %add3A_106 : i32 to vector<16xi32>
      %add3A_108 = arith.addi %xor3A_102, %add3A_107 : vector<16xi32>
      %select_n3A_109 = arith.select %lt3A_105, %add3A_108, %xor3A_102 : vector<16xi1>, vector<16xi32>
      %broadcast_in_dim3A_110 = vector.shape_cast %select_n3A_109 : vector<16xi32> to vector<16x1xi32>
      %gather3A_111 = vector.shape_cast %broadcast_in_dim3A_110 : vector<16x1xi32> to vector<16xi32>
      %gather3A_112 = tpu.dynamic_gather %add3A_99[%gather3A_111] in [0] : vector<16xf32>, vector<16xi32> -> vector<16xf32>
      %add3A_113 = arith.addf %add3A_99, %gather3A_112 : vector<16xf32>
      %xor3A_114 = arith.constant 2 : i32
      %xor3A_115 = vector.broadcast %xor3A_114 : i32 to vector<16xi32>
      %xor3A_116 = arith.xori %iota3A, %xor3A_115 : vector<16xi32>
      %lt3A_117 = arith.constant 0 : i32
      %lt3A_118 = vector.broadcast %lt3A_117 : i32 to vector<16xi32>
      %lt3A_119 = arith.cmpi slt, %xor3A_116, %lt3A_118 : vector<16xi32>
      %add3A_120 = arith.constant 16 : i32
      %add3A_121 = vector.broadcast %add3A_120 : i32 to vector<16xi32>
      %add3A_122 = arith.addi %xor3A_116, %add3A_121 : vector<16xi32>
      %select_n3A_123 = arith.select %lt3A_119, %add3A_122, %xor3A_116 : vector<16xi1>, vector<16xi32>
      %broadcast_in_dim3A_124 = vector.shape_cast %select_n3A_123 : vector<16xi32> to vector<16x1xi32>
      %gather3A_125 = vector.shape_cast %broadcast_in_dim3A_124 : vector<16x1xi32> to vector<16xi32>
      %gather3A_126 = tpu.dynamic_gather %add3A_113[%gather3A_125] in [0] : vector<16xf32>, vector<16xi32> -> vector<16xf32>
      %add3A_127 = arith.addf %add3A_113, %gather3A_126 : vector<16xf32>
      %xor3A_128 = arith.constant 1 : i32
      %xor3A_129 = vector.broadcast %xor3A_128 : i32 to vector<16xi32>
      %xor3A_130 = arith.xori %iota3A, %xor3A_129 : vector<16xi32>
      %lt3A_131 = arith.constant 0 : i32
      %lt3A_132 = vector.broadcast %lt3A_131 : i32 to vector<16xi32>
      %lt3A_133 = arith.cmpi slt, %xor3A_130, %lt3A_132 : vector<16xi32>
      %add3A_134 = arith.constant 16 : i32
      %add3A_135 = vector.broadcast %add3A_134 : i32 to vector<16xi32>
      %add3A_136 = arith.addi %xor3A_130, %add3A_135 : vector<16xi32>
      %select_n3A_137 = arith.select %lt3A_133, %add3A_136, %xor3A_130 : vector<16xi1>, vector<16xi32>
      %broadcast_in_dim3A_138 = vector.shape_cast %select_n3A_137 : vector<16xi32> to vector<16x1xi32>
      %gather3A_139 = vector.shape_cast %broadcast_in_dim3A_138 : vector<16x1xi32> to vector<16xi32>
      %gather3A_140 = tpu.dynamic_gather %add3A_127[%gather3A_139] in [0] : vector<16xf32>, vector<16xi32> -> vector<16xf32>
      %add3A_141 = arith.addf %add3A_127, %gather3A_140 : vector<16xf32>
      %eq3A_142 = arith.constant 1 : i32
      %eq3A_143 = vector.broadcast %eq3A_142 : i32 to vector<16xi32>
      %eq3A_144 = arith.cmpi eq, %iota3A, %eq3A_143 : vector<16xi32>
      %select_n3A_145 = arith.select %eq3A_144, %add3A_141, %select_n3A_77 : vector<16xi1>, vector<16xf32>
      %broadcast_in_dim3A_146 = arith.constant 0.000000e+00 : f32
      %broadcast_in_dim3A_147 = vector.broadcast %broadcast_in_dim3A_146 : f32 to vector<16xf32>
      %scan3A_148 = arith.constant 0 : i32
      %scan3A_149 = arith.constant 64 : i32
      %scan3A_150 = arith.addi %scan3A_148, %scan3A_149 : i32
      %scan3A_151 = arith.constant 1 : i32
      %scan3A_152 = scf.for %scan3A_1104 = %scan3A_148 to %scan3A_150 step %scan3A_151 iter_args(%scan3A_1105 = %broadcast_in_dim3A_147) -> (vector<16xf32>)  : i32 {
        %mul3A_1106 = arith.constant 16 : i32
        %mul3A_1107 = arith.muli %scan3A_1104, %mul3A_1106 : i32
        %add3A_1108 = arith.constant 2048 : i32
        %add3A_1109 = arith.addi %add3A_1108, %mul3A_1107 : i32
        %get3A = arith.index_cast %add3A_1109 : i32 to index
        %get3A_1110 = tpu.vector_load %arg4[%get3A] {strides = array<i32>} : memref<16384xf32, #tpu.memory_space<vmem>>, vector<16xf32>,
        %get3A_1111 = vector.shape_cast %get3A_1110 : vector<16xf32> to vector<16xf32>
        %add3A_1112 = arith.addf %scan3A_1105, %get3A_1111 : vector<16xf32>
        scf.yield %add3A_1112 : vector<16xf32>
      }
      %scan3A_153 = arith.constant 64 : i32
      %xor3A_154 = arith.constant 8 : i32
      %xor3A_155 = vector.broadcast %xor3A_154 : i32 to vector<16xi32>
      %xor3A_156 = arith.xori %iota3A, %xor3A_155 : vector<16xi32>
      %lt3A_157 = arith.constant 0 : i32
      %lt3A_158 = vector.broadcast %lt3A_157 : i32 to vector<16xi32>
      %lt3A_159 = arith.cmpi slt, %xor3A_156, %lt3A_158 : vector<16xi32>
      %add3A_160 = arith.constant 16 : i32
      %add3A_161 = vector.broadcast %add3A_160 : i32 to vector<16xi32>
      %add3A_162 = arith.addi %xor3A_156, %add3A_161 : vector<16xi32>
      %select_n3A_163 = arith.select %lt3A_159, %add3A_162, %xor3A_156 : vector<16xi1>, vector<16xi32>
      %broadcast_in_dim3A_164 = vector.shape_cast %select_n3A_163 : vector<16xi32> to vector<16x1xi32>
      %gather3A_165 = vector.shape_cast %broadcast_in_dim3A_164 : vector<16x1xi32> to vector<16xi32>
      %gather3A_166 = tpu.dynamic_gather %scan3A_152[%gather3A_165] in [0] : vector<16xf32>, vector<16xi32> -> vector<16xf32>
      %add3A_167 = arith.addf %scan3A_152, %gather3A_166 : vector<16xf32>
      %xor3A_168 = arith.constant 4 : i32
      %xor3A_169 = vector.broadcast %xor3A_168 : i32 to vector<16xi32>
      %xor3A_170 = arith.xori %iota3A, %xor3A_169 : vector<16xi32>
      %lt3A_171 = arith.constant 0 : i32
      %lt3A_172 = vector.broadcast %lt3A_171 : i32 to vector<16xi32>
      %lt3A_173 = arith.cmpi slt, %xor3A_170, %lt3A_172 : vector<16xi32>
      %add3A_174 = arith.constant 16 : i32
      %add3A_175 = vector.broadcast %add3A_174 : i32 to vector<16xi32>
      %add3A_176 = arith.addi %xor3A_170, %add3A_175 : vector<16xi32>
      %select_n3A_177 = arith.select %lt3A_173, %add3A_176, %xor3A_170 : vector<16xi1>, vector<16xi32>
      %broadcast_in_dim3A_178 = vector.shape_cast %select_n3A_177 : vector<16xi32> to vector<16x1xi32>
      %gather3A_179 = vector.shape_cast %broadcast_in_dim3A_178 : vector<16x1xi32> to vector<16xi32>
      %gather3A_180 = tpu.dynamic_gather %add3A_167[%gather3A_179] in [0] : vector<16xf32>, vector<16xi32> -> vector<16xf32>
      %add3A_181 = arith.addf %add3A_167, %gather3A_180 : vector<16xf32>
      %xor3A_182 = arith.constant 2 : i32
      %xor3A_183 = vector.broadcast %xor3A_182 : i32 to vector<16xi32>
      %xor3A_184 = arith.xori %iota3A, %xor3A_183 : vector<16xi32>
      %lt3A_185 = arith.constant 0 : i32
      %lt3A_186 = vector.broadcast %lt3A_185 : i32 to vector<16xi32>
      %lt3A_187 = arith.cmpi slt, %xor3A_184, %lt3A_186 : vector<16xi32>
      %add3A_188 = arith.constant 16 : i32
      %add3A_189 = vector.broadcast %add3A_188 : i32 to vector<16xi32>
      %add3A_190 = arith.addi %xor3A_184, %add3A_189 : vector<16xi32>
      %select_n3A_191 = arith.select %lt3A_187, %add3A_190, %xor3A_184 : vector<16xi1>, vector<16xi32>
      %broadcast_in_dim3A_192 = vector.shape_cast %select_n3A_191 : vector<16xi32> to vector<16x1xi32>
      %gather3A_193 = vector.shape_cast %broadcast_in_dim3A_192 : vector<16x1xi32> to vector<16xi32>
      %gather3A_194 = tpu.dynamic_gather %add3A_181[%gather3A_193] in [0] : vector<16xf32>, vector<16xi32> -> vector<16xf32>
      %add3A_195 = arith.addf %add3A_181, %gather3A_194 : vector<16xf32>
      %xor3A_196 = arith.constant 1 : i32
      %xor3A_197 = vector.broadcast %xor3A_196 : i32 to vector<16xi32>
      %xor3A_198 = arith.xori %iota3A, %xor3A_197 : vector<16xi32>
      %lt3A_199 = arith.constant 0 : i32
      %lt3A_200 = vector.broadcast %lt3A_199 : i32 to vector<16xi32>
      %lt3A_201 = arith.cmpi slt, %xor3A_198, %lt3A_200 : vector<16xi32>
      %add3A_202 = arith.constant 16 : i32
      %add3A_203 = vector.broadcast %add3A_202 : i32 to vector<16xi32>
      %add3A_204 = arith.addi %xor3A_198, %add3A_203 : vector<16xi32>
      %select_n3A_205 = arith.select %lt3A_201, %add3A_204, %xor3A_198 : vector<16xi1>, vector<16xi32>
      %broadcast_in_dim3A_206 = vector.shape_cast %select_n3A_205 : vector<16xi32> to vector<16x1xi32>
      %gather3A_207 = vector.shape_cast %broadcast_in_dim3A_206 : vector<16x1xi32> to vector<16xi32>
      %gather3A_208 = tpu.dynamic_gather %add3A_195[%gather3A_207] in [0] : vector<16xf32>, vector<16xi32> -> vector<16xf32>
      %add3A_209 = arith.addf %add3A_195, %gather3A_208 : vector<16xf32>
      %eq3A_210 = arith.constant 2 : i32
      %eq3A_211 = vector.broadcast %eq3A_210 : i32 to vector<16xi32>
      %eq3A_212 = arith.cmpi eq, %iota3A, %eq3A_211 : vector<16xi32>
      %select_n3A_213 = arith.select %eq3A_212, %add3A_209, %select_n3A_145 : vector<16xi1>, vector<16xf32>
      %broadcast_in_dim3A_214 = arith.constant 0.000000e+00 : f32
      %broadcast_in_dim3A_215 = vector.broadcast %broadcast_in_dim3A_214 : f32 to vector<16xf32>
      %scan3A_216 = arith.constant 0 : i32
      %scan3A_217 = arith.constant 64 : i32
      %scan3A_218 = arith.addi %scan3A_216, %scan3A_217 : i32
      %scan3A_219 = arith.constant 1 : i32
      %scan3A_220 = scf.for %scan3A_1104 = %scan3A_216 to %scan3A_218 step %scan3A_219 iter_args(%scan3A_1105 = %broadcast_in_dim3A_215) -> (vector<16xf32>)  : i32 {
        %mul3A_1106 = arith.constant 16 : i32
        %mul3A_1107 = arith.muli %scan3A_1104, %mul3A_1106 : i32
        %add3A_1108 = arith.constant 3072 : i32
        %add3A_1109 = arith.addi %add3A_1108, %mul3A_1107 : i32
        %get3A = arith.index_cast %add3A_1109 : i32 to index
        %get3A_1110 = tpu.vector_load %arg4[%get3A] {strides = array<i32>} : memref<16384xf32, #tpu.memory_space<vmem>>, vector<16xf32>,
        %get3A_1111 = vector.shape_cast %get3A_1110 : vector<16xf32> to vector<16xf32>
        %add3A_1112 = arith.addf %scan3A_1105, %get3A_1111 : vector<16xf32>
        scf.yield %add3A_1112 : vector<16xf32>
      }
      %scan3A_221 = arith.constant 64 : i32
      %xor3A_222 = arith.constant 8 : i32
      %xor3A_223 = vector.broadcast %xor3A_222 : i32 to vector<16xi32>
      %xor3A_224 = arith.xori %iota3A, %xor3A_223 : vector<16xi32>
      %lt3A_225 = arith.constant 0 : i32
      %lt3A_226 = vector.broadcast %lt3A_225 : i32 to vector<16xi32>
      %lt3A_227 = arith.cmpi slt, %xor3A_224, %lt3A_226 : vector<16xi32>
      %add3A_228 = arith.constant 16 : i32
      %add3A_229 = vector.broadcast %add3A_228 : i32 to vector<16xi32>
      %add3A_230 = arith.addi %xor3A_224, %add3A_229 : vector<16xi32>
      %select_n3A_231 = arith.select %lt3A_227, %add3A_230, %xor3A_224 : vector<16xi1>, vector<16xi32>
      %broadcast_in_dim3A_232 = vector.shape_cast %select_n3A_231 : vector<16xi32> to vector<16x1xi32>
      %gather3A_233 = vector.shape_cast %broadcast_in_dim3A_232 : vector<16x1xi32> to vector<16xi32>
      %gather3A_234 = tpu.dynamic_gather %scan3A_220[%gather3A_233] in [0] : vector<16xf32>, vector<16xi32> -> vector<16xf32>
      %add3A_235 = arith.addf %scan3A_220, %gather3A_234 : vector<16xf32>
      %xor3A_236 = arith.constant 4 : i32
      %xor3A_237 = vector.broadcast %xor3A_236 : i32 to vector<16xi32>
      %xor3A_238 = arith.xori %iota3A, %xor3A_237 : vector<16xi32>
      %lt3A_239 = arith.constant 0 : i32
      %lt3A_240 = vector.broadcast %lt3A_239 : i32 to vector<16xi32>
      %lt3A_241 = arith.cmpi slt, %xor3A_238, %lt3A_240 : vector<16xi32>
      %add3A_242 = arith.constant 16 : i32
      %add3A_243 = vector.broadcast %add3A_242 : i32 to vector<16xi32>
      %add3A_244 = arith.addi %xor3A_238, %add3A_243 : vector<16xi32>
      %select_n3A_245 = arith.select %lt3A_241, %add3A_244, %xor3A_238 : vector<16xi1>, vector<16xi32>
      %broadcast_in_dim3A_246 = vector.shape_cast %select_n3A_245 : vector<16xi32> to vector<16x1xi32>
      %gather3A_247 = vector.shape_cast %broadcast_in_dim3A_246 : vector<16x1xi32> to vector<16xi32>
      %gather3A_248 = tpu.dynamic_gather %add3A_235[%gather3A_247] in [0] : vector<16xf32>, vector<16xi32> -> vector<16xf32>
      %add3A_249 = arith.addf %add3A_235, %gather3A_248 : vector<16xf32>
      %xor3A_250 = arith.constant 2 : i32
      %xor3A_251 = vector.broadcast %xor3A_250 : i32 to vector<16xi32>
      %xor3A_252 = arith.xori %iota3A, %xor3A_251 : vector<16xi32>
      %lt3A_253 = arith.constant 0 : i32
      %lt3A_254 = vector.broadcast %lt3A_253 : i32 to vector<16xi32>
      %lt3A_255 = arith.cmpi slt, %xor3A_252, %lt3A_254 : vector<16xi32>
      %add3A_256 = arith.constant 16 : i32
      %add3A_257 = vector.broadcast %add3A_256 : i32 to vector<16xi32>
      %add3A_258 = arith.addi %xor3A_252, %add3A_257 : vector<16xi32>
      %select_n3A_259 = arith.select %lt3A_255, %add3A_258, %xor3A_252 : vector<16xi1>, vector<16xi32>
      %broadcast_in_dim3A_260 = vector.shape_cast %select_n3A_259 : vector<16xi32> to vector<16x1xi32>
      %gather3A_261 = vector.shape_cast %broadcast_in_dim3A_260 : vector<16x1xi32> to vector<16xi32>
      %gather3A_262 = tpu.dynamic_gather %add3A_249[%gather3A_261] in [0] : vector<16xf32>, vector<16xi32> -> vector<16xf32>
      %add3A_263 = arith.addf %add3A_249, %gather3A_262 : vector<16xf32>
      %xor3A_264 = arith.constant 1 : i32
      %xor3A_265 = vector.broadcast %xor3A_264 : i32 to vector<16xi32>
      %xor3A_266 = arith.xori %iota3A, %xor3A_265 : vector<16xi32>
      %lt3A_267 = arith.constant 0 : i32
      %lt3A_268 = vector.broadcast %lt3A_267 : i32 to vector<16xi32>
      %lt3A_269 = arith.cmpi slt, %xor3A_266, %lt3A_268 : vector<16xi32>
      %add3A_270 = arith.constant 16 : i32
      %add3A_271 = vector.broadcast %add3A_270 : i32 to vector<16xi32>
      %add3A_272 = arith.addi %xor3A_266, %add3A_271 : vector<16xi32>
      %select_n3A_273 = arith.select %lt3A_269, %add3A_272, %xor3A_266 : vector<16xi1>, vector<16xi32>
      %broadcast_in_dim3A_274 = vector.shape_cast %select_n3A_273 : vector<16xi32> to vector<16x1xi32>
      %gather3A_275 = vector.shape_cast %broadcast_in_dim3A_274 : vector<16x1xi32> to vector<16xi32>
      %gather3A_276 = tpu.dynamic_gather %add3A_263[%gather3A_275] in [0] : vector<16xf32>, vector<16xi32> -> vector<16xf32>
      %add3A_277 = arith.addf %add3A_263, %gather3A_276 : vector<16xf32>
      %eq3A_278 = arith.constant 3 : i32
      %eq3A_279 = vector.broadcast %eq3A_278 : i32 to vector<16xi32>
      %eq3A_280 = arith.cmpi eq, %iota3A, %eq3A_279 : vector<16xi32>
      %select_n3A_281 = arith.select %eq3A_280, %add3A_277, %select_n3A_213 : vector<16xi1>, vector<16xf32>
      %broadcast_in_dim3A_282 = arith.constant 0.000000e+00 : f32
      %broadcast_in_dim3A_283 = vector.broadcast %broadcast_in_dim3A_282 : f32 to vector<16xf32>
      %scan3A_284 = arith.constant 0 : i32
      %scan3A_285 = arith.constant 64 : i32
      %scan3A_286 = arith.addi %scan3A_284, %scan3A_285 : i32
      %scan3A_287 = arith.constant 1 : i32
      %scan3A_288 = scf.for %scan3A_1104 = %scan3A_284 to %scan3A_286 step %scan3A_287 iter_args(%scan3A_1105 = %broadcast_in_dim3A_283) -> (vector<16xf32>)  : i32 {
        %mul3A_1106 = arith.constant 16 : i32
        %mul3A_1107 = arith.muli %scan3A_1104, %mul3A_1106 : i32
        %add3A_1108 = arith.constant 4096 : i32
        %add3A_1109 = arith.addi %add3A_1108, %mul3A_1107 : i32
        %get3A = arith.index_cast %add3A_1109 : i32 to index
        %get3A_1110 = tpu.vector_load %arg4[%get3A] {strides = array<i32>} : memref<16384xf32, #tpu.memory_space<vmem>>, vector<16xf32>,
        %get3A_1111 = vector.shape_cast %get3A_1110 : vector<16xf32> to vector<16xf32>
        %add3A_1112 = arith.addf %scan3A_1105, %get3A_1111 : vector<16xf32>
        scf.yield %add3A_1112 : vector<16xf32>
      }
      %scan3A_289 = arith.constant 64 : i32
      %xor3A_290 = arith.constant 8 : i32
      %xor3A_291 = vector.broadcast %xor3A_290 : i32 to vector<16xi32>
      %xor3A_292 = arith.xori %iota3A, %xor3A_291 : vector<16xi32>
      %lt3A_293 = arith.constant 0 : i32
      %lt3A_294 = vector.broadcast %lt3A_293 : i32 to vector<16xi32>
      %lt3A_295 = arith.cmpi slt, %xor3A_292, %lt3A_294 : vector<16xi32>
      %add3A_296 = arith.constant 16 : i32
      %add3A_297 = vector.broadcast %add3A_296 : i32 to vector<16xi32>
      %add3A_298 = arith.addi %xor3A_292, %add3A_297 : vector<16xi32>
      %select_n3A_299 = arith.select %lt3A_295, %add3A_298, %xor3A_292 : vector<16xi1>, vector<16xi32>
      %broadcast_in_dim3A_300 = vector.shape_cast %select_n3A_299 : vector<16xi32> to vector<16x1xi32>
      %gather3A_301 = vector.shape_cast %broadcast_in_dim3A_300 : vector<16x1xi32> to vector<16xi32>
      %gather3A_302 = tpu.dynamic_gather %scan3A_288[%gather3A_301] in [0] : vector<16xf32>, vector<16xi32> -> vector<16xf32>
      %add3A_303 = arith.addf %scan3A_288, %gather3A_302 : vector<16xf32>
      %xor3A_304 = arith.constant 4 : i32
      %xor3A_305 = vector.broadcast %xor3A_304 : i32 to vector<16xi32>
      %xor3A_306 = arith.xori %iota3A, %xor3A_305 : vector<16xi32>
      %lt3A_307 = arith.constant 0 : i32
      %lt3A_308 = vector.broadcast %lt3A_307 : i32 to vector<16xi32>
      %lt3A_309 = arith.cmpi slt, %xor3A_306, %lt3A_308 : vector<16xi32>
      %add3A_310 = arith.constant 16 : i32
      %add3A_311 = vector.broadcast %add3A_310 : i32 to vector<16xi32>
      %add3A_312 = arith.addi %xor3A_306, %add3A_311 : vector<16xi32>
      %select_n3A_313 = arith.select %lt3A_309, %add3A_312, %xor3A_306 : vector<16xi1>, vector<16xi32>
      %broadcast_in_dim3A_314 = vector.shape_cast %select_n3A_313 : vector<16xi32> to vector<16x1xi32>
      %gather3A_315 = vector.shape_cast %broadcast_in_dim3A_314 : vector<16x1xi32> to vector<16xi32>
      %gather3A_316 = tpu.dynamic_gather %add3A_303[%gather3A_315] in [0] : vector<16xf32>, vector<16xi32> -> vector<16xf32>
      %add3A_317 = arith.addf %add3A_303, %gather3A_316 : vector<16xf32>
      %xor3A_318 = arith.constant 2 : i32
      %xor3A_319 = vector.broadcast %xor3A_318 : i32 to vector<16xi32>
      %xor3A_320 = arith.xori %iota3A, %xor3A_319 : vector<16xi32>
      %lt3A_321 = arith.constant 0 : i32
      %lt3A_322 = vector.broadcast %lt3A_321 : i32 to vector<16xi32>
      %lt3A_323 = arith.cmpi slt, %xor3A_320, %lt3A_322 : vector<16xi32>
      %add3A_324 = arith.constant 16 : i32
      %add3A_325 = vector.broadcast %add3A_324 : i32 to vector<16xi32>
      %add3A_326 = arith.addi %xor3A_320, %add3A_325 : vector<16xi32>
      %select_n3A_327 = arith.select %lt3A_323, %add3A_326, %xor3A_320 : vector<16xi1>, vector<16xi32>
      %broadcast_in_dim3A_328 = vector.shape_cast %select_n3A_327 : vector<16xi32> to vector<16x1xi32>
      %gather3A_329 = vector.shape_cast %broadcast_in_dim3A_328 : vector<16x1xi32> to vector<16xi32>
      %gather3A_330 = tpu.dynamic_gather %add3A_317[%gather3A_329] in [0] : vector<16xf32>, vector<16xi32> -> vector<16xf32>
      %add3A_331 = arith.addf %add3A_317, %gather3A_330 : vector<16xf32>
      %xor3A_332 = arith.constant 1 : i32
      %xor3A_333 = vector.broadcast %xor3A_332 : i32 to vector<16xi32>
      %xor3A_334 = arith.xori %iota3A, %xor3A_333 : vector<16xi32>
      %lt3A_335 = arith.constant 0 : i32
      %lt3A_336 = vector.broadcast %lt3A_335 : i32 to vector<16xi32>
      %lt3A_337 = arith.cmpi slt, %xor3A_334, %lt3A_336 : vector<16xi32>
      %add3A_338 = arith.constant 16 : i32
      %add3A_339 = vector.broadcast %add3A_338 : i32 to vector<16xi32>
      %add3A_340 = arith.addi %xor3A_334, %add3A_339 : vector<16xi32>
      %select_n3A_341 = arith.select %lt3A_337, %add3A_340, %xor3A_334 : vector<16xi1>, vector<16xi32>
      %broadcast_in_dim3A_342 = vector.shape_cast %select_n3A_341 : vector<16xi32> to vector<16x1xi32>
      %gather3A_343 = vector.shape_cast %broadcast_in_dim3A_342 : vector<16x1xi32> to vector<16xi32>
      %gather3A_344 = tpu.dynamic_gather %add3A_331[%gather3A_343] in [0] : vector<16xf32>, vector<16xi32> -> vector<16xf32>
      %add3A_345 = arith.addf %add3A_331, %gather3A_344 : vector<16xf32>
      %eq3A_346 = arith.constant 4 : i32
      %eq3A_347 = vector.broadcast %eq3A_346 : i32 to vector<16xi32>
      %eq3A_348 = arith.cmpi eq, %iota3A, %eq3A_347 : vector<16xi32>
      %select_n3A_349 = arith.select %eq3A_348, %add3A_345, %select_n3A_281 : vector<16xi1>, vector<16xf32>
      %broadcast_in_dim3A_350 = arith.constant 0.000000e+00 : f32
      %broadcast_in_dim3A_351 = vector.broadcast %broadcast_in_dim3A_350 : f32 to vector<16xf32>
      %scan3A_352 = arith.constant 0 : i32
      %scan3A_353 = arith.constant 64 : i32
      %scan3A_354 = arith.addi %scan3A_352, %scan3A_353 : i32
      %scan3A_355 = arith.constant 1 : i32
      %scan3A_356 = scf.for %scan3A_1104 = %scan3A_352 to %scan3A_354 step %scan3A_355 iter_args(%scan3A_1105 = %broadcast_in_dim3A_351) -> (vector<16xf32>)  : i32 {
        %mul3A_1106 = arith.constant 16 : i32
        %mul3A_1107 = arith.muli %scan3A_1104, %mul3A_1106 : i32
        %add3A_1108 = arith.constant 5120 : i32
        %add3A_1109 = arith.addi %add3A_1108, %mul3A_1107 : i32
        %get3A = arith.index_cast %add3A_1109 : i32 to index
        %get3A_1110 = tpu.vector_load %arg4[%get3A] {strides = array<i32>} : memref<16384xf32, #tpu.memory_space<vmem>>, vector<16xf32>,
        %get3A_1111 = vector.shape_cast %get3A_1110 : vector<16xf32> to vector<16xf32>
        %add3A_1112 = arith.addf %scan3A_1105, %get3A_1111 : vector<16xf32>
        scf.yield %add3A_1112 : vector<16xf32>
      }
      %scan3A_357 = arith.constant 64 : i32
      %xor3A_358 = arith.constant 8 : i32
      %xor3A_359 = vector.broadcast %xor3A_358 : i32 to vector<16xi32>
      %xor3A_360 = arith.xori %iota3A, %xor3A_359 : vector<16xi32>
      %lt3A_361 = arith.constant 0 : i32
      %lt3A_362 = vector.broadcast %lt3A_361 : i32 to vector<16xi32>
      %lt3A_363 = arith.cmpi slt, %xor3A_360, %lt3A_362 : vector<16xi32>
      %add3A_364 = arith.constant 16 : i32
      %add3A_365 = vector.broadcast %add3A_364 : i32 to vector<16xi32>
      %add3A_366 = arith.addi %xor3A_360, %add3A_365 : vector<16xi32>
      %select_n3A_367 = arith.select %lt3A_363, %add3A_366, %xor3A_360 : vector<16xi1>, vector<16xi32>
      %broadcast_in_dim3A_368 = vector.shape_cast %select_n3A_367 : vector<16xi32> to vector<16x1xi32>
      %gather3A_369 = vector.shape_cast %broadcast_in_dim3A_368 : vector<16x1xi32> to vector<16xi32>
      %gather3A_370 = tpu.dynamic_gather %scan3A_356[%gather3A_369] in [0] : vector<16xf32>, vector<16xi32> -> vector<16xf32>
      %add3A_371 = arith.addf %scan3A_356, %gather3A_370 : vector<16xf32>
      %xor3A_372 = arith.constant 4 : i32
      %xor3A_373 = vector.broadcast %xor3A_372 : i32 to vector<16xi32>
      %xor3A_374 = arith.xori %iota3A, %xor3A_373 : vector<16xi32>
      %lt3A_375 = arith.constant 0 : i32
      %lt3A_376 = vector.broadcast %lt3A_375 : i32 to vector<16xi32>
      %lt3A_377 = arith.cmpi slt, %xor3A_374, %lt3A_376 : vector<16xi32>
      %add3A_378 = arith.constant 16 : i32
      %add3A_379 = vector.broadcast %add3A_378 : i32 to vector<16xi32>
      %add3A_380 = arith.addi %xor3A_374, %add3A_379 : vector<16xi32>
      %select_n3A_381 = arith.select %lt3A_377, %add3A_380, %xor3A_374 : vector<16xi1>, vector<16xi32>
      %broadcast_in_dim3A_382 = vector.shape_cast %select_n3A_381 : vector<16xi32> to vector<16x1xi32>
      %gather3A_383 = vector.shape_cast %broadcast_in_dim3A_382 : vector<16x1xi32> to vector<16xi32>
      %gather3A_384 = tpu.dynamic_gather %add3A_371[%gather3A_383] in [0] : vector<16xf32>, vector<16xi32> -> vector<16xf32>
      %add3A_385 = arith.addf %add3A_371, %gather3A_384 : vector<16xf32>
      %xor3A_386 = arith.constant 2 : i32
      %xor3A_387 = vector.broadcast %xor3A_386 : i32 to vector<16xi32>
      %xor3A_388 = arith.xori %iota3A, %xor3A_387 : vector<16xi32>
      %lt3A_389 = arith.constant 0 : i32
      %lt3A_390 = vector.broadcast %lt3A_389 : i32 to vector<16xi32>
      %lt3A_391 = arith.cmpi slt, %xor3A_388, %lt3A_390 : vector<16xi32>
      %add3A_392 = arith.constant 16 : i32
      %add3A_393 = vector.broadcast %add3A_392 : i32 to vector<16xi32>
      %add3A_394 = arith.addi %xor3A_388, %add3A_393 : vector<16xi32>
      %select_n3A_395 = arith.select %lt3A_391, %add3A_394, %xor3A_388 : vector<16xi1>, vector<16xi32>
      %broadcast_in_dim3A_396 = vector.shape_cast %select_n3A_395 : vector<16xi32> to vector<16x1xi32>
      %gather3A_397 = vector.shape_cast %broadcast_in_dim3A_396 : vector<16x1xi32> to vector<16xi32>
      %gather3A_398 = tpu.dynamic_gather %add3A_385[%gather3A_397] in [0] : vector<16xf32>, vector<16xi32> -> vector<16xf32>
      %add3A_399 = arith.addf %add3A_385, %gather3A_398 : vector<16xf32>
      %xor3A_400 = arith.constant 1 : i32
      %xor3A_401 = vector.broadcast %xor3A_400 : i32 to vector<16xi32>
      %xor3A_402 = arith.xori %iota3A, %xor3A_401 : vector<16xi32>
      %lt3A_403 = arith.constant 0 : i32
      %lt3A_404 = vector.broadcast %lt3A_403 : i32 to vector<16xi32>
      %lt3A_405 = arith.cmpi slt, %xor3A_402, %lt3A_404 : vector<16xi32>
      %add3A_406 = arith.constant 16 : i32
      %add3A_407 = vector.broadcast %add3A_406 : i32 to vector<16xi32>
      %add3A_408 = arith.addi %xor3A_402, %add3A_407 : vector<16xi32>
      %select_n3A_409 = arith.select %lt3A_405, %add3A_408, %xor3A_402 : vector<16xi1>, vector<16xi32>
      %broadcast_in_dim3A_410 = vector.shape_cast %select_n3A_409 : vector<16xi32> to vector<16x1xi32>
      %gather3A_411 = vector.shape_cast %broadcast_in_dim3A_410 : vector<16x1xi32> to vector<16xi32>
      %gather3A_412 = tpu.dynamic_gather %add3A_399[%gather3A_411] in [0] : vector<16xf32>, vector<16xi32> -> vector<16xf32>
      %add3A_413 = arith.addf %add3A_399, %gather3A_412 : vector<16xf32>
      %eq3A_414 = arith.constant 5 : i32
      %eq3A_415 = vector.broadcast %eq3A_414 : i32 to vector<16xi32>
      %eq3A_416 = arith.cmpi eq, %iota3A, %eq3A_415 : vector<16xi32>
      %select_n3A_417 = arith.select %eq3A_416, %add3A_413, %select_n3A_349 : vector<16xi1>, vector<16xf32>
      %broadcast_in_dim3A_418 = arith.constant 0.000000e+00 : f32
      %broadcast_in_dim3A_419 = vector.broadcast %broadcast_in_dim3A_418 : f32 to vector<16xf32>
      %scan3A_420 = arith.constant 0 : i32
      %scan3A_421 = arith.constant 64 : i32
      %scan3A_422 = arith.addi %scan3A_420, %scan3A_421 : i32
      %scan3A_423 = arith.constant 1 : i32
      %scan3A_424 = scf.for %scan3A_1104 = %scan3A_420 to %scan3A_422 step %scan3A_423 iter_args(%scan3A_1105 = %broadcast_in_dim3A_419) -> (vector<16xf32>)  : i32 {
        %mul3A_1106 = arith.constant 16 : i32
        %mul3A_1107 = arith.muli %scan3A_1104, %mul3A_1106 : i32
        %add3A_1108 = arith.constant 6144 : i32
        %add3A_1109 = arith.addi %add3A_1108, %mul3A_1107 : i32
        %get3A = arith.index_cast %add3A_1109 : i32 to index
        %get3A_1110 = tpu.vector_load %arg4[%get3A] {strides = array<i32>} : memref<16384xf32, #tpu.memory_space<vmem>>, vector<16xf32>,
        %get3A_1111 = vector.shape_cast %get3A_1110 : vector<16xf32> to vector<16xf32>
        %add3A_1112 = arith.addf %scan3A_1105, %get3A_1111 : vector<16xf32>
        scf.yield %add3A_1112 : vector<16xf32>
      }
      %scan3A_425 = arith.constant 64 : i32
      %xor3A_426 = arith.constant 8 : i32
      %xor3A_427 = vector.broadcast %xor3A_426 : i32 to vector<16xi32>
      %xor3A_428 = arith.xori %iota3A, %xor3A_427 : vector<16xi32>
      %lt3A_429 = arith.constant 0 : i32
      %lt3A_430 = vector.broadcast %lt3A_429 : i32 to vector<16xi32>
      %lt3A_431 = arith.cmpi slt, %xor3A_428, %lt3A_430 : vector<16xi32>
      %add3A_432 = arith.constant 16 : i32
      %add3A_433 = vector.broadcast %add3A_432 : i32 to vector<16xi32>
      %add3A_434 = arith.addi %xor3A_428, %add3A_433 : vector<16xi32>
      %select_n3A_435 = arith.select %lt3A_431, %add3A_434, %xor3A_428 : vector<16xi1>, vector<16xi32>
      %broadcast_in_dim3A_436 = vector.shape_cast %select_n3A_435 : vector<16xi32> to vector<16x1xi32>
      %gather3A_437 = vector.shape_cast %broadcast_in_dim3A_436 : vector<16x1xi32> to vector<16xi32>
      %gather3A_438 = tpu.dynamic_gather %scan3A_424[%gather3A_437] in [0] : vector<16xf32>, vector<16xi32> -> vector<16xf32>
      %add3A_439 = arith.addf %scan3A_424, %gather3A_438 : vector<16xf32>
      %xor3A_440 = arith.constant 4 : i32
      %xor3A_441 = vector.broadcast %xor3A_440 : i32 to vector<16xi32>
      %xor3A_442 = arith.xori %iota3A, %xor3A_441 : vector<16xi32>
      %lt3A_443 = arith.constant 0 : i32
      %lt3A_444 = vector.broadcast %lt3A_443 : i32 to vector<16xi32>
      %lt3A_445 = arith.cmpi slt, %xor3A_442, %lt3A_444 : vector<16xi32>
      %add3A_446 = arith.constant 16 : i32
      %add3A_447 = vector.broadcast %add3A_446 : i32 to vector<16xi32>
      %add3A_448 = arith.addi %xor3A_442, %add3A_447 : vector<16xi32>
      %select_n3A_449 = arith.select %lt3A_445, %add3A_448, %xor3A_442 : vector<16xi1>, vector<16xi32>
      %broadcast_in_dim3A_450 = vector.shape_cast %select_n3A_449 : vector<16xi32> to vector<16x1xi32>
      %gather3A_451 = vector.shape_cast %broadcast_in_dim3A_450 : vector<16x1xi32> to vector<16xi32>
      %gather3A_452 = tpu.dynamic_gather %add3A_439[%gather3A_451] in [0] : vector<16xf32>, vector<16xi32> -> vector<16xf32>
      %add3A_453 = arith.addf %add3A_439, %gather3A_452 : vector<16xf32>
      %xor3A_454 = arith.constant 2 : i32
      %xor3A_455 = vector.broadcast %xor3A_454 : i32 to vector<16xi32>
      %xor3A_456 = arith.xori %iota3A, %xor3A_455 : vector<16xi32>
      %lt3A_457 = arith.constant 0 : i32
      %lt3A_458 = vector.broadcast %lt3A_457 : i32 to vector<16xi32>
      %lt3A_459 = arith.cmpi slt, %xor3A_456, %lt3A_458 : vector<16xi32>
      %add3A_460 = arith.constant 16 : i32
      %add3A_461 = vector.broadcast %add3A_460 : i32 to vector<16xi32>
      %add3A_462 = arith.addi %xor3A_456, %add3A_461 : vector<16xi32>
      %select_n3A_463 = arith.select %lt3A_459, %add3A_462, %xor3A_456 : vector<16xi1>, vector<16xi32>
      %broadcast_in_dim3A_464 = vector.shape_cast %select_n3A_463 : vector<16xi32> to vector<16x1xi32>
      %gather3A_465 = vector.shape_cast %broadcast_in_dim3A_464 : vector<16x1xi32> to vector<16xi32>
      %gather3A_466 = tpu.dynamic_gather %add3A_453[%gather3A_465] in [0] : vector<16xf32>, vector<16xi32> -> vector<16xf32>
      %add3A_467 = arith.addf %add3A_453, %gather3A_466 : vector<16xf32>
      %xor3A_468 = arith.constant 1 : i32
      %xor3A_469 = vector.broadcast %xor3A_468 : i32 to vector<16xi32>
      %xor3A_470 = arith.xori %iota3A, %xor3A_469 : vector<16xi32>
      %lt3A_471 = arith.constant 0 : i32
      %lt3A_472 = vector.broadcast %lt3A_471 : i32 to vector<16xi32>
      %lt3A_473 = arith.cmpi slt, %xor3A_470, %lt3A_472 : vector<16xi32>
      %add3A_474 = arith.constant 16 : i32
      %add3A_475 = vector.broadcast %add3A_474 : i32 to vector<16xi32>
      %add3A_476 = arith.addi %xor3A_470, %add3A_475 : vector<16xi32>
      %select_n3A_477 = arith.select %lt3A_473, %add3A_476, %xor3A_470 : vector<16xi1>, vector<16xi32>
      %broadcast_in_dim3A_478 = vector.shape_cast %select_n3A_477 : vector<16xi32> to vector<16x1xi32>
      %gather3A_479 = vector.shape_cast %broadcast_in_dim3A_478 : vector<16x1xi32> to vector<16xi32>
      %gather3A_480 = tpu.dynamic_gather %add3A_467[%gather3A_479] in [0] : vector<16xf32>, vector<16xi32> -> vector<16xf32>
      %add3A_481 = arith.addf %add3A_467, %gather3A_480 : vector<16xf32>
      %eq3A_482 = arith.constant 6 : i32
      %eq3A_483 = vector.broadcast %eq3A_482 : i32 to vector<16xi32>
      %eq3A_484 = arith.cmpi eq, %iota3A, %eq3A_483 : vector<16xi32>
      %select_n3A_485 = arith.select %eq3A_484, %add3A_481, %select_n3A_417 : vector<16xi1>, vector<16xf32>
      %broadcast_in_dim3A_486 = arith.constant 0.000000e+00 : f32
      %broadcast_in_dim3A_487 = vector.broadcast %broadcast_in_dim3A_486 : f32 to vector<16xf32>
      %scan3A_488 = arith.constant 0 : i32
      %scan3A_489 = arith.constant 64 : i32
      %scan3A_490 = arith.addi %scan3A_488, %scan3A_489 : i32
      %scan3A_491 = arith.constant 1 : i32
      %scan3A_492 = scf.for %scan3A_1104 = %scan3A_488 to %scan3A_490 step %scan3A_491 iter_args(%scan3A_1105 = %broadcast_in_dim3A_487) -> (vector<16xf32>)  : i32 {
        %mul3A_1106 = arith.constant 16 : i32
        %mul3A_1107 = arith.muli %scan3A_1104, %mul3A_1106 : i32
        %add3A_1108 = arith.constant 7168 : i32
        %add3A_1109 = arith.addi %add3A_1108, %mul3A_1107 : i32
        %get3A = arith.index_cast %add3A_1109 : i32 to index
        %get3A_1110 = tpu.vector_load %arg4[%get3A] {strides = array<i32>} : memref<16384xf32, #tpu.memory_space<vmem>>, vector<16xf32>,
        %get3A_1111 = vector.shape_cast %get3A_1110 : vector<16xf32> to vector<16xf32>
        %add3A_1112 = arith.addf %scan3A_1105, %get3A_1111 : vector<16xf32>
        scf.yield %add3A_1112 : vector<16xf32>
      }
      %scan3A_493 = arith.constant 64 : i32
      %xor3A_494 = arith.constant 8 : i32
      %xor3A_495 = vector.broadcast %xor3A_494 : i32 to vector<16xi32>
      %xor3A_496 = arith.xori %iota3A, %xor3A_495 : vector<16xi32>
      %lt3A_497 = arith.constant 0 : i32
      %lt3A_498 = vector.broadcast %lt3A_497 : i32 to vector<16xi32>
      %lt3A_499 = arith.cmpi slt, %xor3A_496, %lt3A_498 : vector<16xi32>
      %add3A_500 = arith.constant 16 : i32
      %add3A_501 = vector.broadcast %add3A_500 : i32 to vector<16xi32>
      %add3A_502 = arith.addi %xor3A_496, %add3A_501 : vector<16xi32>
      %select_n3A_503 = arith.select %lt3A_499, %add3A_502, %xor3A_496 : vector<16xi1>, vector<16xi32>
      %broadcast_in_dim3A_504 = vector.shape_cast %select_n3A_503 : vector<16xi32> to vector<16x1xi32>
      %gather3A_505 = vector.shape_cast %broadcast_in_dim3A_504 : vector<16x1xi32> to vector<16xi32>
      %gather3A_506 = tpu.dynamic_gather %scan3A_492[%gather3A_505] in [0] : vector<16xf32>, vector<16xi32> -> vector<16xf32>
      %add3A_507 = arith.addf %scan3A_492, %gather3A_506 : vector<16xf32>
      %xor3A_508 = arith.constant 4 : i32
      %xor3A_509 = vector.broadcast %xor3A_508 : i32 to vector<16xi32>
      %xor3A_510 = arith.xori %iota3A, %xor3A_509 : vector<16xi32>
      %lt3A_511 = arith.constant 0 : i32
      %lt3A_512 = vector.broadcast %lt3A_511 : i32 to vector<16xi32>
      %lt3A_513 = arith.cmpi slt, %xor3A_510, %lt3A_512 : vector<16xi32>
      %add3A_514 = arith.constant 16 : i32
      %add3A_515 = vector.broadcast %add3A_514 : i32 to vector<16xi32>
      %add3A_516 = arith.addi %xor3A_510, %add3A_515 : vector<16xi32>
      %select_n3A_517 = arith.select %lt3A_513, %add3A_516, %xor3A_510 : vector<16xi1>, vector<16xi32>
      %broadcast_in_dim3A_518 = vector.shape_cast %select_n3A_517 : vector<16xi32> to vector<16x1xi32>
      %gather3A_519 = vector.shape_cast %broadcast_in_dim3A_518 : vector<16x1xi32> to vector<16xi32>
      %gather3A_520 = tpu.dynamic_gather %add3A_507[%gather3A_519] in [0] : vector<16xf32>, vector<16xi32> -> vector<16xf32>
      %add3A_521 = arith.addf %add3A_507, %gather3A_520 : vector<16xf32>
      %xor3A_522 = arith.constant 2 : i32
      %xor3A_523 = vector.broadcast %xor3A_522 : i32 to vector<16xi32>
      %xor3A_524 = arith.xori %iota3A, %xor3A_523 : vector<16xi32>
      %lt3A_525 = arith.constant 0 : i32
      %lt3A_526 = vector.broadcast %lt3A_525 : i32 to vector<16xi32>
      %lt3A_527 = arith.cmpi slt, %xor3A_524, %lt3A_526 : vector<16xi32>
      %add3A_528 = arith.constant 16 : i32
      %add3A_529 = vector.broadcast %add3A_528 : i32 to vector<16xi32>
      %add3A_530 = arith.addi %xor3A_524, %add3A_529 : vector<16xi32>
      %select_n3A_531 = arith.select %lt3A_527, %add3A_530, %xor3A_524 : vector<16xi1>, vector<16xi32>
      %broadcast_in_dim3A_532 = vector.shape_cast %select_n3A_531 : vector<16xi32> to vector<16x1xi32>
      %gather3A_533 = vector.shape_cast %broadcast_in_dim3A_532 : vector<16x1xi32> to vector<16xi32>
      %gather3A_534 = tpu.dynamic_gather %add3A_521[%gather3A_533] in [0] : vector<16xf32>, vector<16xi32> -> vector<16xf32>
      %add3A_535 = arith.addf %add3A_521, %gather3A_534 : vector<16xf32>
      %xor3A_536 = arith.constant 1 : i32
      %xor3A_537 = vector.broadcast %xor3A_536 : i32 to vector<16xi32>
      %xor3A_538 = arith.xori %iota3A, %xor3A_537 : vector<16xi32>
      %lt3A_539 = arith.constant 0 : i32
      %lt3A_540 = vector.broadcast %lt3A_539 : i32 to vector<16xi32>
      %lt3A_541 = arith.cmpi slt, %xor3A_538, %lt3A_540 : vector<16xi32>
      %add3A_542 = arith.constant 16 : i32
      %add3A_543 = vector.broadcast %add3A_542 : i32 to vector<16xi32>
      %add3A_544 = arith.addi %xor3A_538, %add3A_543 : vector<16xi32>
      %select_n3A_545 = arith.select %lt3A_541, %add3A_544, %xor3A_538 : vector<16xi1>, vector<16xi32>
      %broadcast_in_dim3A_546 = vector.shape_cast %select_n3A_545 : vector<16xi32> to vector<16x1xi32>
      %gather3A_547 = vector.shape_cast %broadcast_in_dim3A_546 : vector<16x1xi32> to vector<16xi32>
      %gather3A_548 = tpu.dynamic_gather %add3A_535[%gather3A_547] in [0] : vector<16xf32>, vector<16xi32> -> vector<16xf32>
      %add3A_549 = arith.addf %add3A_535, %gather3A_548 : vector<16xf32>
      %eq3A_550 = arith.constant 7 : i32
      %eq3A_551 = vector.broadcast %eq3A_550 : i32 to vector<16xi32>
      %eq3A_552 = arith.cmpi eq, %iota3A, %eq3A_551 : vector<16xi32>
      %select_n3A_553 = arith.select %eq3A_552, %add3A_549, %select_n3A_485 : vector<16xi1>, vector<16xf32>
      %broadcast_in_dim3A_554 = arith.constant 0.000000e+00 : f32
      %broadcast_in_dim3A_555 = vector.broadcast %broadcast_in_dim3A_554 : f32 to vector<16xf32>
      %scan3A_556 = arith.constant 0 : i32
      %scan3A_557 = arith.constant 64 : i32
      %scan3A_558 = arith.addi %scan3A_556, %scan3A_557 : i32
      %scan3A_559 = arith.constant 1 : i32
      %scan3A_560 = scf.for %scan3A_1104 = %scan3A_556 to %scan3A_558 step %scan3A_559 iter_args(%scan3A_1105 = %broadcast_in_dim3A_555) -> (vector<16xf32>)  : i32 {
        %mul3A_1106 = arith.constant 16 : i32
        %mul3A_1107 = arith.muli %scan3A_1104, %mul3A_1106 : i32
        %add3A_1108 = arith.constant 8192 : i32
        %add3A_1109 = arith.addi %add3A_1108, %mul3A_1107 : i32
        %get3A = arith.index_cast %add3A_1109 : i32 to index
        %get3A_1110 = tpu.vector_load %arg4[%get3A] {strides = array<i32>} : memref<16384xf32, #tpu.memory_space<vmem>>, vector<16xf32>,
        %get3A_1111 = vector.shape_cast %get3A_1110 : vector<16xf32> to vector<16xf32>
        %add3A_1112 = arith.addf %scan3A_1105, %get3A_1111 : vector<16xf32>
        scf.yield %add3A_1112 : vector<16xf32>
      }
      %scan3A_561 = arith.constant 64 : i32
      %xor3A_562 = arith.constant 8 : i32
      %xor3A_563 = vector.broadcast %xor3A_562 : i32 to vector<16xi32>
      %xor3A_564 = arith.xori %iota3A, %xor3A_563 : vector<16xi32>
      %lt3A_565 = arith.constant 0 : i32
      %lt3A_566 = vector.broadcast %lt3A_565 : i32 to vector<16xi32>
      %lt3A_567 = arith.cmpi slt, %xor3A_564, %lt3A_566 : vector<16xi32>
      %add3A_568 = arith.constant 16 : i32
      %add3A_569 = vector.broadcast %add3A_568 : i32 to vector<16xi32>
      %add3A_570 = arith.addi %xor3A_564, %add3A_569 : vector<16xi32>
      %select_n3A_571 = arith.select %lt3A_567, %add3A_570, %xor3A_564 : vector<16xi1>, vector<16xi32>
      %broadcast_in_dim3A_572 = vector.shape_cast %select_n3A_571 : vector<16xi32> to vector<16x1xi32>
      %gather3A_573 = vector.shape_cast %broadcast_in_dim3A_572 : vector<16x1xi32> to vector<16xi32>
      %gather3A_574 = tpu.dynamic_gather %scan3A_560[%gather3A_573] in [0] : vector<16xf32>, vector<16xi32> -> vector<16xf32>
      %add3A_575 = arith.addf %scan3A_560, %gather3A_574 : vector<16xf32>
      %xor3A_576 = arith.constant 4 : i32
      %xor3A_577 = vector.broadcast %xor3A_576 : i32 to vector<16xi32>
      %xor3A_578 = arith.xori %iota3A, %xor3A_577 : vector<16xi32>
      %lt3A_579 = arith.constant 0 : i32
      %lt3A_580 = vector.broadcast %lt3A_579 : i32 to vector<16xi32>
      %lt3A_581 = arith.cmpi slt, %xor3A_578, %lt3A_580 : vector<16xi32>
      %add3A_582 = arith.constant 16 : i32
      %add3A_583 = vector.broadcast %add3A_582 : i32 to vector<16xi32>
      %add3A_584 = arith.addi %xor3A_578, %add3A_583 : vector<16xi32>
      %select_n3A_585 = arith.select %lt3A_581, %add3A_584, %xor3A_578 : vector<16xi1>, vector<16xi32>
      %broadcast_in_dim3A_586 = vector.shape_cast %select_n3A_585 : vector<16xi32> to vector<16x1xi32>
      %gather3A_587 = vector.shape_cast %broadcast_in_dim3A_586 : vector<16x1xi32> to vector<16xi32>
      %gather3A_588 = tpu.dynamic_gather %add3A_575[%gather3A_587] in [0] : vector<16xf32>, vector<16xi32> -> vector<16xf32>
      %add3A_589 = arith.addf %add3A_575, %gather3A_588 : vector<16xf32>
      %xor3A_590 = arith.constant 2 : i32
      %xor3A_591 = vector.broadcast %xor3A_590 : i32 to vector<16xi32>
      %xor3A_592 = arith.xori %iota3A, %xor3A_591 : vector<16xi32>
      %lt3A_593 = arith.constant 0 : i32
      %lt3A_594 = vector.broadcast %lt3A_593 : i32 to vector<16xi32>
      %lt3A_595 = arith.cmpi slt, %xor3A_592, %lt3A_594 : vector<16xi32>
      %add3A_596 = arith.constant 16 : i32
      %add3A_597 = vector.broadcast %add3A_596 : i32 to vector<16xi32>
      %add3A_598 = arith.addi %xor3A_592, %add3A_597 : vector<16xi32>
      %select_n3A_599 = arith.select %lt3A_595, %add3A_598, %xor3A_592 : vector<16xi1>, vector<16xi32>
      %broadcast_in_dim3A_600 = vector.shape_cast %select_n3A_599 : vector<16xi32> to vector<16x1xi32>
      %gather3A_601 = vector.shape_cast %broadcast_in_dim3A_600 : vector<16x1xi32> to vector<16xi32>
      %gather3A_602 = tpu.dynamic_gather %add3A_589[%gather3A_601] in [0] : vector<16xf32>, vector<16xi32> -> vector<16xf32>
      %add3A_603 = arith.addf %add3A_589, %gather3A_602 : vector<16xf32>
      %xor3A_604 = arith.constant 1 : i32
      %xor3A_605 = vector.broadcast %xor3A_604 : i32 to vector<16xi32>
      %xor3A_606 = arith.xori %iota3A, %xor3A_605 : vector<16xi32>
      %lt3A_607 = arith.constant 0 : i32
      %lt3A_608 = vector.broadcast %lt3A_607 : i32 to vector<16xi32>
      %lt3A_609 = arith.cmpi slt, %xor3A_606, %lt3A_608 : vector<16xi32>
      %add3A_610 = arith.constant 16 : i32
      %add3A_611 = vector.broadcast %add3A_610 : i32 to vector<16xi32>
      %add3A_612 = arith.addi %xor3A_606, %add3A_611 : vector<16xi32>
      %select_n3A_613 = arith.select %lt3A_609, %add3A_612, %xor3A_606 : vector<16xi1>, vector<16xi32>
      %broadcast_in_dim3A_614 = vector.shape_cast %select_n3A_613 : vector<16xi32> to vector<16x1xi32>
      %gather3A_615 = vector.shape_cast %broadcast_in_dim3A_614 : vector<16x1xi32> to vector<16xi32>
      %gather3A_616 = tpu.dynamic_gather %add3A_603[%gather3A_615] in [0] : vector<16xf32>, vector<16xi32> -> vector<16xf32>
      %add3A_617 = arith.addf %add3A_603, %gather3A_616 : vector<16xf32>
      %eq3A_618 = arith.constant 8 : i32
      %eq3A_619 = vector.broadcast %eq3A_618 : i32 to vector<16xi32>
      %eq3A_620 = arith.cmpi eq, %iota3A, %eq3A_619 : vector<16xi32>
      %select_n3A_621 = arith.select %eq3A_620, %add3A_617, %select_n3A_553 : vector<16xi1>, vector<16xf32>
      %broadcast_in_dim3A_622 = arith.constant 0.000000e+00 : f32
      %broadcast_in_dim3A_623 = vector.broadcast %broadcast_in_dim3A_622 : f32 to vector<16xf32>
      %scan3A_624 = arith.constant 0 : i32
      %scan3A_625 = arith.constant 64 : i32
      %scan3A_626 = arith.addi %scan3A_624, %scan3A_625 : i32
      %scan3A_627 = arith.constant 1 : i32
      %scan3A_628 = scf.for %scan3A_1104 = %scan3A_624 to %scan3A_626 step %scan3A_627 iter_args(%scan3A_1105 = %broadcast_in_dim3A_623) -> (vector<16xf32>)  : i32 {
        %mul3A_1106 = arith.constant 16 : i32
        %mul3A_1107 = arith.muli %scan3A_1104, %mul3A_1106 : i32
        %add3A_1108 = arith.constant 9216 : i32
        %add3A_1109 = arith.addi %add3A_1108, %mul3A_1107 : i32
        %get3A = arith.index_cast %add3A_1109 : i32 to index
        %get3A_1110 = tpu.vector_load %arg4[%get3A] {strides = array<i32>} : memref<16384xf32, #tpu.memory_space<vmem>>, vector<16xf32>,
        %get3A_1111 = vector.shape_cast %get3A_1110 : vector<16xf32> to vector<16xf32>
        %add3A_1112 = arith.addf %scan3A_1105, %get3A_1111 : vector<16xf32>
        scf.yield %add3A_1112 : vector<16xf32>
      }
      %scan3A_629 = arith.constant 64 : i32
      %xor3A_630 = arith.constant 8 : i32
      %xor3A_631 = vector.broadcast %xor3A_630 : i32 to vector<16xi32>
      %xor3A_632 = arith.xori %iota3A, %xor3A_631 : vector<16xi32>
      %lt3A_633 = arith.constant 0 : i32
      %lt3A_634 = vector.broadcast %lt3A_633 : i32 to vector<16xi32>
      %lt3A_635 = arith.cmpi slt, %xor3A_632, %lt3A_634 : vector<16xi32>
      %add3A_636 = arith.constant 16 : i32
      %add3A_637 = vector.broadcast %add3A_636 : i32 to vector<16xi32>
      %add3A_638 = arith.addi %xor3A_632, %add3A_637 : vector<16xi32>
      %select_n3A_639 = arith.select %lt3A_635, %add3A_638, %xor3A_632 : vector<16xi1>, vector<16xi32>
      %broadcast_in_dim3A_640 = vector.shape_cast %select_n3A_639 : vector<16xi32> to vector<16x1xi32>
      %gather3A_641 = vector.shape_cast %broadcast_in_dim3A_640 : vector<16x1xi32> to vector<16xi32>
      %gather3A_642 = tpu.dynamic_gather %scan3A_628[%gather3A_641] in [0] : vector<16xf32>, vector<16xi32> -> vector<16xf32>
      %add3A_643 = arith.addf %scan3A_628, %gather3A_642 : vector<16xf32>
      %xor3A_644 = arith.constant 4 : i32
      %xor3A_645 = vector.broadcast %xor3A_644 : i32 to vector<16xi32>
      %xor3A_646 = arith.xori %iota3A, %xor3A_645 : vector<16xi32>
      %lt3A_647 = arith.constant 0 : i32
      %lt3A_648 = vector.broadcast %lt3A_647 : i32 to vector<16xi32>
      %lt3A_649 = arith.cmpi slt, %xor3A_646, %lt3A_648 : vector<16xi32>
      %add3A_650 = arith.constant 16 : i32
      %add3A_651 = vector.broadcast %add3A_650 : i32 to vector<16xi32>
      %add3A_652 = arith.addi %xor3A_646, %add3A_651 : vector<16xi32>
      %select_n3A_653 = arith.select %lt3A_649, %add3A_652, %xor3A_646 : vector<16xi1>, vector<16xi32>
      %broadcast_in_dim3A_654 = vector.shape_cast %select_n3A_653 : vector<16xi32> to vector<16x1xi32>
      %gather3A_655 = vector.shape_cast %broadcast_in_dim3A_654 : vector<16x1xi32> to vector<16xi32>
      %gather3A_656 = tpu.dynamic_gather %add3A_643[%gather3A_655] in [0] : vector<16xf32>, vector<16xi32> -> vector<16xf32>
      %add3A_657 = arith.addf %add3A_643, %gather3A_656 : vector<16xf32>
      %xor3A_658 = arith.constant 2 : i32
      %xor3A_659 = vector.broadcast %xor3A_658 : i32 to vector<16xi32>
      %xor3A_660 = arith.xori %iota3A, %xor3A_659 : vector<16xi32>
      %lt3A_661 = arith.constant 0 : i32
      %lt3A_662 = vector.broadcast %lt3A_661 : i32 to vector<16xi32>
      %lt3A_663 = arith.cmpi slt, %xor3A_660, %lt3A_662 : vector<16xi32>
      %add3A_664 = arith.constant 16 : i32
      %add3A_665 = vector.broadcast %add3A_664 : i32 to vector<16xi32>
      %add3A_666 = arith.addi %xor3A_660, %add3A_665 : vector<16xi32>
      %select_n3A_667 = arith.select %lt3A_663, %add3A_666, %xor3A_660 : vector<16xi1>, vector<16xi32>
      %broadcast_in_dim3A_668 = vector.shape_cast %select_n3A_667 : vector<16xi32> to vector<16x1xi32>
      %gather3A_669 = vector.shape_cast %broadcast_in_dim3A_668 : vector<16x1xi32> to vector<16xi32>
      %gather3A_670 = tpu.dynamic_gather %add3A_657[%gather3A_669] in [0] : vector<16xf32>, vector<16xi32> -> vector<16xf32>
      %add3A_671 = arith.addf %add3A_657, %gather3A_670 : vector<16xf32>
      %xor3A_672 = arith.constant 1 : i32
      %xor3A_673 = vector.broadcast %xor3A_672 : i32 to vector<16xi32>
      %xor3A_674 = arith.xori %iota3A, %xor3A_673 : vector<16xi32>
      %lt3A_675 = arith.constant 0 : i32
      %lt3A_676 = vector.broadcast %lt3A_675 : i32 to vector<16xi32>
      %lt3A_677 = arith.cmpi slt, %xor3A_674, %lt3A_676 : vector<16xi32>
      %add3A_678 = arith.constant 16 : i32
      %add3A_679 = vector.broadcast %add3A_678 : i32 to vector<16xi32>
      %add3A_680 = arith.addi %xor3A_674, %add3A_679 : vector<16xi32>
      %select_n3A_681 = arith.select %lt3A_677, %add3A_680, %xor3A_674 : vector<16xi1>, vector<16xi32>
      %broadcast_in_dim3A_682 = vector.shape_cast %select_n3A_681 : vector<16xi32> to vector<16x1xi32>
      %gather3A_683 = vector.shape_cast %broadcast_in_dim3A_682 : vector<16x1xi32> to vector<16xi32>
      %gather3A_684 = tpu.dynamic_gather %add3A_671[%gather3A_683] in [0] : vector<16xf32>, vector<16xi32> -> vector<16xf32>
      %add3A_685 = arith.addf %add3A_671, %gather3A_684 : vector<16xf32>
      %eq3A_686 = arith.constant 9 : i32
      %eq3A_687 = vector.broadcast %eq3A_686 : i32 to vector<16xi32>
      %eq3A_688 = arith.cmpi eq, %iota3A, %eq3A_687 : vector<16xi32>
      %select_n3A_689 = arith.select %eq3A_688, %add3A_685, %select_n3A_621 : vector<16xi1>, vector<16xf32>
      %broadcast_in_dim3A_690 = arith.constant 0.000000e+00 : f32
      %broadcast_in_dim3A_691 = vector.broadcast %broadcast_in_dim3A_690 : f32 to vector<16xf32>
      %scan3A_692 = arith.constant 0 : i32
      %scan3A_693 = arith.constant 64 : i32
      %scan3A_694 = arith.addi %scan3A_692, %scan3A_693 : i32
      %scan3A_695 = arith.constant 1 : i32
      %scan3A_696 = scf.for %scan3A_1104 = %scan3A_692 to %scan3A_694 step %scan3A_695 iter_args(%scan3A_1105 = %broadcast_in_dim3A_691) -> (vector<16xf32>)  : i32 {
        %mul3A_1106 = arith.constant 16 : i32
        %mul3A_1107 = arith.muli %scan3A_1104, %mul3A_1106 : i32
        %add3A_1108 = arith.constant 10240 : i32
        %add3A_1109 = arith.addi %add3A_1108, %mul3A_1107 : i32
        %get3A = arith.index_cast %add3A_1109 : i32 to index
        %get3A_1110 = tpu.vector_load %arg4[%get3A] {strides = array<i32>} : memref<16384xf32, #tpu.memory_space<vmem>>, vector<16xf32>,
        %get3A_1111 = vector.shape_cast %get3A_1110 : vector<16xf32> to vector<16xf32>
        %add3A_1112 = arith.addf %scan3A_1105, %get3A_1111 : vector<16xf32>
        scf.yield %add3A_1112 : vector<16xf32>
      }
      %scan3A_697 = arith.constant 64 : i32
      %xor3A_698 = arith.constant 8 : i32
      %xor3A_699 = vector.broadcast %xor3A_698 : i32 to vector<16xi32>
      %xor3A_700 = arith.xori %iota3A, %xor3A_699 : vector<16xi32>
      %lt3A_701 = arith.constant 0 : i32
      %lt3A_702 = vector.broadcast %lt3A_701 : i32 to vector<16xi32>
      %lt3A_703 = arith.cmpi slt, %xor3A_700, %lt3A_702 : vector<16xi32>
      %add3A_704 = arith.constant 16 : i32
      %add3A_705 = vector.broadcast %add3A_704 : i32 to vector<16xi32>
      %add3A_706 = arith.addi %xor3A_700, %add3A_705 : vector<16xi32>
      %select_n3A_707 = arith.select %lt3A_703, %add3A_706, %xor3A_700 : vector<16xi1>, vector<16xi32>
      %broadcast_in_dim3A_708 = vector.shape_cast %select_n3A_707 : vector<16xi32> to vector<16x1xi32>
      %gather3A_709 = vector.shape_cast %broadcast_in_dim3A_708 : vector<16x1xi32> to vector<16xi32>
      %gather3A_710 = tpu.dynamic_gather %scan3A_696[%gather3A_709] in [0] : vector<16xf32>, vector<16xi32> -> vector<16xf32>
      %add3A_711 = arith.addf %scan3A_696, %gather3A_710 : vector<16xf32>
      %xor3A_712 = arith.constant 4 : i32
      %xor3A_713 = vector.broadcast %xor3A_712 : i32 to vector<16xi32>
      %xor3A_714 = arith.xori %iota3A, %xor3A_713 : vector<16xi32>
      %lt3A_715 = arith.constant 0 : i32
      %lt3A_716 = vector.broadcast %lt3A_715 : i32 to vector<16xi32>
      %lt3A_717 = arith.cmpi slt, %xor3A_714, %lt3A_716 : vector<16xi32>
      %add3A_718 = arith.constant 16 : i32
      %add3A_719 = vector.broadcast %add3A_718 : i32 to vector<16xi32>
      %add3A_720 = arith.addi %xor3A_714, %add3A_719 : vector<16xi32>
      %select_n3A_721 = arith.select %lt3A_717, %add3A_720, %xor3A_714 : vector<16xi1>, vector<16xi32>
      %broadcast_in_dim3A_722 = vector.shape_cast %select_n3A_721 : vector<16xi32> to vector<16x1xi32>
      %gather3A_723 = vector.shape_cast %broadcast_in_dim3A_722 : vector<16x1xi32> to vector<16xi32>
      %gather3A_724 = tpu.dynamic_gather %add3A_711[%gather3A_723] in [0] : vector<16xf32>, vector<16xi32> -> vector<16xf32>
      %add3A_725 = arith.addf %add3A_711, %gather3A_724 : vector<16xf32>
      %xor3A_726 = arith.constant 2 : i32
      %xor3A_727 = vector.broadcast %xor3A_726 : i32 to vector<16xi32>
      %xor3A_728 = arith.xori %iota3A, %xor3A_727 : vector<16xi32>
      %lt3A_729 = arith.constant 0 : i32
      %lt3A_730 = vector.broadcast %lt3A_729 : i32 to vector<16xi32>
      %lt3A_731 = arith.cmpi slt, %xor3A_728, %lt3A_730 : vector<16xi32>
      %add3A_732 = arith.constant 16 : i32
      %add3A_733 = vector.broadcast %add3A_732 : i32 to vector<16xi32>
      %add3A_734 = arith.addi %xor3A_728, %add3A_733 : vector<16xi32>
      %select_n3A_735 = arith.select %lt3A_731, %add3A_734, %xor3A_728 : vector<16xi1>, vector<16xi32>
      %broadcast_in_dim3A_736 = vector.shape_cast %select_n3A_735 : vector<16xi32> to vector<16x1xi32>
      %gather3A_737 = vector.shape_cast %broadcast_in_dim3A_736 : vector<16x1xi32> to vector<16xi32>
      %gather3A_738 = tpu.dynamic_gather %add3A_725[%gather3A_737] in [0] : vector<16xf32>, vector<16xi32> -> vector<16xf32>
      %add3A_739 = arith.addf %add3A_725, %gather3A_738 : vector<16xf32>
      %xor3A_740 = arith.constant 1 : i32
      %xor3A_741 = vector.broadcast %xor3A_740 : i32 to vector<16xi32>
      %xor3A_742 = arith.xori %iota3A, %xor3A_741 : vector<16xi32>
      %lt3A_743 = arith.constant 0 : i32
      %lt3A_744 = vector.broadcast %lt3A_743 : i32 to vector<16xi32>
      %lt3A_745 = arith.cmpi slt, %xor3A_742, %lt3A_744 : vector<16xi32>
      %add3A_746 = arith.constant 16 : i32
      %add3A_747 = vector.broadcast %add3A_746 : i32 to vector<16xi32>
      %add3A_748 = arith.addi %xor3A_742, %add3A_747 : vector<16xi32>
      %select_n3A_749 = arith.select %lt3A_745, %add3A_748, %xor3A_742 : vector<16xi1>, vector<16xi32>
      %broadcast_in_dim3A_750 = vector.shape_cast %select_n3A_749 : vector<16xi32> to vector<16x1xi32>
      %gather3A_751 = vector.shape_cast %broadcast_in_dim3A_750 : vector<16x1xi32> to vector<16xi32>
      %gather3A_752 = tpu.dynamic_gather %add3A_739[%gather3A_751] in [0] : vector<16xf32>, vector<16xi32> -> vector<16xf32>
      %add3A_753 = arith.addf %add3A_739, %gather3A_752 : vector<16xf32>
      %eq3A_754 = arith.constant 10 : i32
      %eq3A_755 = vector.broadcast %eq3A_754 : i32 to vector<16xi32>
      %eq3A_756 = arith.cmpi eq, %iota3A, %eq3A_755 : vector<16xi32>
      %select_n3A_757 = arith.select %eq3A_756, %add3A_753, %select_n3A_689 : vector<16xi1>, vector<16xf32>
      %broadcast_in_dim3A_758 = arith.constant 0.000000e+00 : f32
      %broadcast_in_dim3A_759 = vector.broadcast %broadcast_in_dim3A_758 : f32 to vector<16xf32>
      %scan3A_760 = arith.constant 0 : i32
      %scan3A_761 = arith.constant 64 : i32
      %scan3A_762 = arith.addi %scan3A_760, %scan3A_761 : i32
      %scan3A_763 = arith.constant 1 : i32
      %scan3A_764 = scf.for %scan3A_1104 = %scan3A_760 to %scan3A_762 step %scan3A_763 iter_args(%scan3A_1105 = %broadcast_in_dim3A_759) -> (vector<16xf32>)  : i32 {
        %mul3A_1106 = arith.constant 16 : i32
        %mul3A_1107 = arith.muli %scan3A_1104, %mul3A_1106 : i32
        %add3A_1108 = arith.constant 11264 : i32
        %add3A_1109 = arith.addi %add3A_1108, %mul3A_1107 : i32
        %get3A = arith.index_cast %add3A_1109 : i32 to index
        %get3A_1110 = tpu.vector_load %arg4[%get3A] {strides = array<i32>} : memref<16384xf32, #tpu.memory_space<vmem>>, vector<16xf32>,
        %get3A_1111 = vector.shape_cast %get3A_1110 : vector<16xf32> to vector<16xf32>
        %add3A_1112 = arith.addf %scan3A_1105, %get3A_1111 : vector<16xf32>
        scf.yield %add3A_1112 : vector<16xf32>
      }
      %scan3A_765 = arith.constant 64 : i32
      %xor3A_766 = arith.constant 8 : i32
      %xor3A_767 = vector.broadcast %xor3A_766 : i32 to vector<16xi32>
      %xor3A_768 = arith.xori %iota3A, %xor3A_767 : vector<16xi32>
      %lt3A_769 = arith.constant 0 : i32
      %lt3A_770 = vector.broadcast %lt3A_769 : i32 to vector<16xi32>
      %lt3A_771 = arith.cmpi slt, %xor3A_768, %lt3A_770 : vector<16xi32>
      %add3A_772 = arith.constant 16 : i32
      %add3A_773 = vector.broadcast %add3A_772 : i32 to vector<16xi32>
      %add3A_774 = arith.addi %xor3A_768, %add3A_773 : vector<16xi32>
      %select_n3A_775 = arith.select %lt3A_771, %add3A_774, %xor3A_768 : vector<16xi1>, vector<16xi32>
      %broadcast_in_dim3A_776 = vector.shape_cast %select_n3A_775 : vector<16xi32> to vector<16x1xi32>
      %gather3A_777 = vector.shape_cast %broadcast_in_dim3A_776 : vector<16x1xi32> to vector<16xi32>
      %gather3A_778 = tpu.dynamic_gather %scan3A_764[%gather3A_777] in [0] : vector<16xf32>, vector<16xi32> -> vector<16xf32>
      %add3A_779 = arith.addf %scan3A_764, %gather3A_778 : vector<16xf32>
      %xor3A_780 = arith.constant 4 : i32
      %xor3A_781 = vector.broadcast %xor3A_780 : i32 to vector<16xi32>
      %xor3A_782 = arith.xori %iota3A, %xor3A_781 : vector<16xi32>
      %lt3A_783 = arith.constant 0 : i32
      %lt3A_784 = vector.broadcast %lt3A_783 : i32 to vector<16xi32>
      %lt3A_785 = arith.cmpi slt, %xor3A_782, %lt3A_784 : vector<16xi32>
      %add3A_786 = arith.constant 16 : i32
      %add3A_787 = vector.broadcast %add3A_786 : i32 to vector<16xi32>
      %add3A_788 = arith.addi %xor3A_782, %add3A_787 : vector<16xi32>
      %select_n3A_789 = arith.select %lt3A_785, %add3A_788, %xor3A_782 : vector<16xi1>, vector<16xi32>
      %broadcast_in_dim3A_790 = vector.shape_cast %select_n3A_789 : vector<16xi32> to vector<16x1xi32>
      %gather3A_791 = vector.shape_cast %broadcast_in_dim3A_790 : vector<16x1xi32> to vector<16xi32>
      %gather3A_792 = tpu.dynamic_gather %add3A_779[%gather3A_791] in [0] : vector<16xf32>, vector<16xi32> -> vector<16xf32>
      %add3A_793 = arith.addf %add3A_779, %gather3A_792 : vector<16xf32>
      %xor3A_794 = arith.constant 2 : i32
      %xor3A_795 = vector.broadcast %xor3A_794 : i32 to vector<16xi32>
      %xor3A_796 = arith.xori %iota3A, %xor3A_795 : vector<16xi32>
      %lt3A_797 = arith.constant 0 : i32
      %lt3A_798 = vector.broadcast %lt3A_797 : i32 to vector<16xi32>
      %lt3A_799 = arith.cmpi slt, %xor3A_796, %lt3A_798 : vector<16xi32>
      %add3A_800 = arith.constant 16 : i32
      %add3A_801 = vector.broadcast %add3A_800 : i32 to vector<16xi32>
      %add3A_802 = arith.addi %xor3A_796, %add3A_801 : vector<16xi32>
      %select_n3A_803 = arith.select %lt3A_799, %add3A_802, %xor3A_796 : vector<16xi1>, vector<16xi32>
      %broadcast_in_dim3A_804 = vector.shape_cast %select_n3A_803 : vector<16xi32> to vector<16x1xi32>
      %gather3A_805 = vector.shape_cast %broadcast_in_dim3A_804 : vector<16x1xi32> to vector<16xi32>
      %gather3A_806 = tpu.dynamic_gather %add3A_793[%gather3A_805] in [0] : vector<16xf32>, vector<16xi32> -> vector<16xf32>
      %add3A_807 = arith.addf %add3A_793, %gather3A_806 : vector<16xf32>
      %xor3A_808 = arith.constant 1 : i32
      %xor3A_809 = vector.broadcast %xor3A_808 : i32 to vector<16xi32>
      %xor3A_810 = arith.xori %iota3A, %xor3A_809 : vector<16xi32>
      %lt3A_811 = arith.constant 0 : i32
      %lt3A_812 = vector.broadcast %lt3A_811 : i32 to vector<16xi32>
      %lt3A_813 = arith.cmpi slt, %xor3A_810, %lt3A_812 : vector<16xi32>
      %add3A_814 = arith.constant 16 : i32
      %add3A_815 = vector.broadcast %add3A_814 : i32 to vector<16xi32>
      %add3A_816 = arith.addi %xor3A_810, %add3A_815 : vector<16xi32>
      %select_n3A_817 = arith.select %lt3A_813, %add3A_816, %xor3A_810 : vector<16xi1>, vector<16xi32>
      %broadcast_in_dim3A_818 = vector.shape_cast %select_n3A_817 : vector<16xi32> to vector<16x1xi32>
      %gather3A_819 = vector.shape_cast %broadcast_in_dim3A_818 : vector<16x1xi32> to vector<16xi32>
      %gather3A_820 = tpu.dynamic_gather %add3A_807[%gather3A_819] in [0] : vector<16xf32>, vector<16xi32> -> vector<16xf32>
      %add3A_821 = arith.addf %add3A_807, %gather3A_820 : vector<16xf32>
      %eq3A_822 = arith.constant 11 : i32
      %eq3A_823 = vector.broadcast %eq3A_822 : i32 to vector<16xi32>
      %eq3A_824 = arith.cmpi eq, %iota3A, %eq3A_823 : vector<16xi32>
      %select_n3A_825 = arith.select %eq3A_824, %add3A_821, %select_n3A_757 : vector<16xi1>, vector<16xf32>
      %broadcast_in_dim3A_826 = arith.constant 0.000000e+00 : f32
      %broadcast_in_dim3A_827 = vector.broadcast %broadcast_in_dim3A_826 : f32 to vector<16xf32>
      %scan3A_828 = arith.constant 0 : i32
      %scan3A_829 = arith.constant 64 : i32
      %scan3A_830 = arith.addi %scan3A_828, %scan3A_829 : i32
      %scan3A_831 = arith.constant 1 : i32
      %scan3A_832 = scf.for %scan3A_1104 = %scan3A_828 to %scan3A_830 step %scan3A_831 iter_args(%scan3A_1105 = %broadcast_in_dim3A_827) -> (vector<16xf32>)  : i32 {
        %mul3A_1106 = arith.constant 16 : i32
        %mul3A_1107 = arith.muli %scan3A_1104, %mul3A_1106 : i32
        %add3A_1108 = arith.constant 12288 : i32
        %add3A_1109 = arith.addi %add3A_1108, %mul3A_1107 : i32
        %get3A = arith.index_cast %add3A_1109 : i32 to index
        %get3A_1110 = tpu.vector_load %arg4[%get3A] {strides = array<i32>} : memref<16384xf32, #tpu.memory_space<vmem>>, vector<16xf32>,
        %get3A_1111 = vector.shape_cast %get3A_1110 : vector<16xf32> to vector<16xf32>
        %add3A_1112 = arith.addf %scan3A_1105, %get3A_1111 : vector<16xf32>
        scf.yield %add3A_1112 : vector<16xf32>
      }
      %scan3A_833 = arith.constant 64 : i32
      %xor3A_834 = arith.constant 8 : i32
      %xor3A_835 = vector.broadcast %xor3A_834 : i32 to vector<16xi32>
      %xor3A_836 = arith.xori %iota3A, %xor3A_835 : vector<16xi32>
      %lt3A_837 = arith.constant 0 : i32
      %lt3A_838 = vector.broadcast %lt3A_837 : i32 to vector<16xi32>
      %lt3A_839 = arith.cmpi slt, %xor3A_836, %lt3A_838 : vector<16xi32>
      %add3A_840 = arith.constant 16 : i32
      %add3A_841 = vector.broadcast %add3A_840 : i32 to vector<16xi32>
      %add3A_842 = arith.addi %xor3A_836, %add3A_841 : vector<16xi32>
      %select_n3A_843 = arith.select %lt3A_839, %add3A_842, %xor3A_836 : vector<16xi1>, vector<16xi32>
      %broadcast_in_dim3A_844 = vector.shape_cast %select_n3A_843 : vector<16xi32> to vector<16x1xi32>
      %gather3A_845 = vector.shape_cast %broadcast_in_dim3A_844 : vector<16x1xi32> to vector<16xi32>
      %gather3A_846 = tpu.dynamic_gather %scan3A_832[%gather3A_845] in [0] : vector<16xf32>, vector<16xi32> -> vector<16xf32>
      %add3A_847 = arith.addf %scan3A_832, %gather3A_846 : vector<16xf32>
      %xor3A_848 = arith.constant 4 : i32
      %xor3A_849 = vector.broadcast %xor3A_848 : i32 to vector<16xi32>
      %xor3A_850 = arith.xori %iota3A, %xor3A_849 : vector<16xi32>
      %lt3A_851 = arith.constant 0 : i32
      %lt3A_852 = vector.broadcast %lt3A_851 : i32 to vector<16xi32>
      %lt3A_853 = arith.cmpi slt, %xor3A_850, %lt3A_852 : vector<16xi32>
      %add3A_854 = arith.constant 16 : i32
      %add3A_855 = vector.broadcast %add3A_854 : i32 to vector<16xi32>
      %add3A_856 = arith.addi %xor3A_850, %add3A_855 : vector<16xi32>
      %select_n3A_857 = arith.select %lt3A_853, %add3A_856, %xor3A_850 : vector<16xi1>, vector<16xi32>
      %broadcast_in_dim3A_858 = vector.shape_cast %select_n3A_857 : vector<16xi32> to vector<16x1xi32>
      %gather3A_859 = vector.shape_cast %broadcast_in_dim3A_858 : vector<16x1xi32> to vector<16xi32>
      %gather3A_860 = tpu.dynamic_gather %add3A_847[%gather3A_859] in [0] : vector<16xf32>, vector<16xi32> -> vector<16xf32>
      %add3A_861 = arith.addf %add3A_847, %gather3A_860 : vector<16xf32>
      %xor3A_862 = arith.constant 2 : i32
      %xor3A_863 = vector.broadcast %xor3A_862 : i32 to vector<16xi32>
      %xor3A_864 = arith.xori %iota3A, %xor3A_863 : vector<16xi32>
      %lt3A_865 = arith.constant 0 : i32
      %lt3A_866 = vector.broadcast %lt3A_865 : i32 to vector<16xi32>
      %lt3A_867 = arith.cmpi slt, %xor3A_864, %lt3A_866 : vector<16xi32>
      %add3A_868 = arith.constant 16 : i32
      %add3A_869 = vector.broadcast %add3A_868 : i32 to vector<16xi32>
      %add3A_870 = arith.addi %xor3A_864, %add3A_869 : vector<16xi32>
      %select_n3A_871 = arith.select %lt3A_867, %add3A_870, %xor3A_864 : vector<16xi1>, vector<16xi32>
      %broadcast_in_dim3A_872 = vector.shape_cast %select_n3A_871 : vector<16xi32> to vector<16x1xi32>
      %gather3A_873 = vector.shape_cast %broadcast_in_dim3A_872 : vector<16x1xi32> to vector<16xi32>
      %gather3A_874 = tpu.dynamic_gather %add3A_861[%gather3A_873] in [0] : vector<16xf32>, vector<16xi32> -> vector<16xf32>
      %add3A_875 = arith.addf %add3A_861, %gather3A_874 : vector<16xf32>
      %xor3A_876 = arith.constant 1 : i32
      %xor3A_877 = vector.broadcast %xor3A_876 : i32 to vector<16xi32>
      %xor3A_878 = arith.xori %iota3A, %xor3A_877 : vector<16xi32>
      %lt3A_879 = arith.constant 0 : i32
      %lt3A_880 = vector.broadcast %lt3A_879 : i32 to vector<16xi32>
      %lt3A_881 = arith.cmpi slt, %xor3A_878, %lt3A_880 : vector<16xi32>
      %add3A_882 = arith.constant 16 : i32
      %add3A_883 = vector.broadcast %add3A_882 : i32 to vector<16xi32>
      %add3A_884 = arith.addi %xor3A_878, %add3A_883 : vector<16xi32>
      %select_n3A_885 = arith.select %lt3A_881, %add3A_884, %xor3A_878 : vector<16xi1>, vector<16xi32>
      %broadcast_in_dim3A_886 = vector.shape_cast %select_n3A_885 : vector<16xi32> to vector<16x1xi32>
      %gather3A_887 = vector.shape_cast %broadcast_in_dim3A_886 : vector<16x1xi32> to vector<16xi32>
      %gather3A_888 = tpu.dynamic_gather %add3A_875[%gather3A_887] in [0] : vector<16xf32>, vector<16xi32> -> vector<16xf32>
      %add3A_889 = arith.addf %add3A_875, %gather3A_888 : vector<16xf32>
      %eq3A_890 = arith.constant 12 : i32
      %eq3A_891 = vector.broadcast %eq3A_890 : i32 to vector<16xi32>
      %eq3A_892 = arith.cmpi eq, %iota3A, %eq3A_891 : vector<16xi32>
      %select_n3A_893 = arith.select %eq3A_892, %add3A_889, %select_n3A_825 : vector<16xi1>, vector<16xf32>
      %broadcast_in_dim3A_894 = arith.constant 0.000000e+00 : f32
      %broadcast_in_dim3A_895 = vector.broadcast %broadcast_in_dim3A_894 : f32 to vector<16xf32>
      %scan3A_896 = arith.constant 0 : i32
      %scan3A_897 = arith.constant 64 : i32
      %scan3A_898 = arith.addi %scan3A_896, %scan3A_897 : i32
      %scan3A_899 = arith.constant 1 : i32
      %scan3A_900 = scf.for %scan3A_1104 = %scan3A_896 to %scan3A_898 step %scan3A_899 iter_args(%scan3A_1105 = %broadcast_in_dim3A_895) -> (vector<16xf32>)  : i32 {
        %mul3A_1106 = arith.constant 16 : i32
        %mul3A_1107 = arith.muli %scan3A_1104, %mul3A_1106 : i32
        %add3A_1108 = arith.constant 13312 : i32
        %add3A_1109 = arith.addi %add3A_1108, %mul3A_1107 : i32
        %get3A = arith.index_cast %add3A_1109 : i32 to index
        %get3A_1110 = tpu.vector_load %arg4[%get3A] {strides = array<i32>} : memref<16384xf32, #tpu.memory_space<vmem>>, vector<16xf32>,
        %get3A_1111 = vector.shape_cast %get3A_1110 : vector<16xf32> to vector<16xf32>
        %add3A_1112 = arith.addf %scan3A_1105, %get3A_1111 : vector<16xf32>
        scf.yield %add3A_1112 : vector<16xf32>
      }
      %scan3A_901 = arith.constant 64 : i32
      %xor3A_902 = arith.constant 8 : i32
      %xor3A_903 = vector.broadcast %xor3A_902 : i32 to vector<16xi32>
      %xor3A_904 = arith.xori %iota3A, %xor3A_903 : vector<16xi32>
      %lt3A_905 = arith.constant 0 : i32
      %lt3A_906 = vector.broadcast %lt3A_905 : i32 to vector<16xi32>
      %lt3A_907 = arith.cmpi slt, %xor3A_904, %lt3A_906 : vector<16xi32>
      %add3A_908 = arith.constant 16 : i32
      %add3A_909 = vector.broadcast %add3A_908 : i32 to vector<16xi32>
      %add3A_910 = arith.addi %xor3A_904, %add3A_909 : vector<16xi32>
      %select_n3A_911 = arith.select %lt3A_907, %add3A_910, %xor3A_904 : vector<16xi1>, vector<16xi32>
      %broadcast_in_dim3A_912 = vector.shape_cast %select_n3A_911 : vector<16xi32> to vector<16x1xi32>
      %gather3A_913 = vector.shape_cast %broadcast_in_dim3A_912 : vector<16x1xi32> to vector<16xi32>
      %gather3A_914 = tpu.dynamic_gather %scan3A_900[%gather3A_913] in [0] : vector<16xf32>, vector<16xi32> -> vector<16xf32>
      %add3A_915 = arith.addf %scan3A_900, %gather3A_914 : vector<16xf32>
      %xor3A_916 = arith.constant 4 : i32
      %xor3A_917 = vector.broadcast %xor3A_916 : i32 to vector<16xi32>
      %xor3A_918 = arith.xori %iota3A, %xor3A_917 : vector<16xi32>
      %lt3A_919 = arith.constant 0 : i32
      %lt3A_920 = vector.broadcast %lt3A_919 : i32 to vector<16xi32>
      %lt3A_921 = arith.cmpi slt, %xor3A_918, %lt3A_920 : vector<16xi32>
      %add3A_922 = arith.constant 16 : i32
      %add3A_923 = vector.broadcast %add3A_922 : i32 to vector<16xi32>
      %add3A_924 = arith.addi %xor3A_918, %add3A_923 : vector<16xi32>
      %select_n3A_925 = arith.select %lt3A_921, %add3A_924, %xor3A_918 : vector<16xi1>, vector<16xi32>
      %broadcast_in_dim3A_926 = vector.shape_cast %select_n3A_925 : vector<16xi32> to vector<16x1xi32>
      %gather3A_927 = vector.shape_cast %broadcast_in_dim3A_926 : vector<16x1xi32> to vector<16xi32>
      %gather3A_928 = tpu.dynamic_gather %add3A_915[%gather3A_927] in [0] : vector<16xf32>, vector<16xi32> -> vector<16xf32>
      %add3A_929 = arith.addf %add3A_915, %gather3A_928 : vector<16xf32>
      %xor3A_930 = arith.constant 2 : i32
      %xor3A_931 = vector.broadcast %xor3A_930 : i32 to vector<16xi32>
      %xor3A_932 = arith.xori %iota3A, %xor3A_931 : vector<16xi32>
      %lt3A_933 = arith.constant 0 : i32
      %lt3A_934 = vector.broadcast %lt3A_933 : i32 to vector<16xi32>
      %lt3A_935 = arith.cmpi slt, %xor3A_932, %lt3A_934 : vector<16xi32>
      %add3A_936 = arith.constant 16 : i32
      %add3A_937 = vector.broadcast %add3A_936 : i32 to vector<16xi32>
      %add3A_938 = arith.addi %xor3A_932, %add3A_937 : vector<16xi32>
      %select_n3A_939 = arith.select %lt3A_935, %add3A_938, %xor3A_932 : vector<16xi1>, vector<16xi32>
      %broadcast_in_dim3A_940 = vector.shape_cast %select_n3A_939 : vector<16xi32> to vector<16x1xi32>
      %gather3A_941 = vector.shape_cast %broadcast_in_dim3A_940 : vector<16x1xi32> to vector<16xi32>
      %gather3A_942 = tpu.dynamic_gather %add3A_929[%gather3A_941] in [0] : vector<16xf32>, vector<16xi32> -> vector<16xf32>
      %add3A_943 = arith.addf %add3A_929, %gather3A_942 : vector<16xf32>
      %xor3A_944 = arith.constant 1 : i32
      %xor3A_945 = vector.broadcast %xor3A_944 : i32 to vector<16xi32>
      %xor3A_946 = arith.xori %iota3A, %xor3A_945 : vector<16xi32>
      %lt3A_947 = arith.constant 0 : i32
      %lt3A_948 = vector.broadcast %lt3A_947 : i32 to vector<16xi32>
      %lt3A_949 = arith.cmpi slt, %xor3A_946, %lt3A_948 : vector<16xi32>
      %add3A_950 = arith.constant 16 : i32
      %add3A_951 = vector.broadcast %add3A_950 : i32 to vector<16xi32>
      %add3A_952 = arith.addi %xor3A_946, %add3A_951 : vector<16xi32>
      %select_n3A_953 = arith.select %lt3A_949, %add3A_952, %xor3A_946 : vector<16xi1>, vector<16xi32>
      %broadcast_in_dim3A_954 = vector.shape_cast %select_n3A_953 : vector<16xi32> to vector<16x1xi32>
      %gather3A_955 = vector.shape_cast %broadcast_in_dim3A_954 : vector<16x1xi32> to vector<16xi32>
      %gather3A_956 = tpu.dynamic_gather %add3A_943[%gather3A_955] in [0] : vector<16xf32>, vector<16xi32> -> vector<16xf32>
      %add3A_957 = arith.addf %add3A_943, %gather3A_956 : vector<16xf32>
      %eq3A_958 = arith.constant 13 : i32
      %eq3A_959 = vector.broadcast %eq3A_958 : i32 to vector<16xi32>
      %eq3A_960 = arith.cmpi eq, %iota3A, %eq3A_959 : vector<16xi32>
      %select_n3A_961 = arith.select %eq3A_960, %add3A_957, %select_n3A_893 : vector<16xi1>, vector<16xf32>
      %broadcast_in_dim3A_962 = arith.constant 0.000000e+00 : f32
      %broadcast_in_dim3A_963 = vector.broadcast %broadcast_in_dim3A_962 : f32 to vector<16xf32>
      %scan3A_964 = arith.constant 0 : i32
      %scan3A_965 = arith.constant 64 : i32
      %scan3A_966 = arith.addi %scan3A_964, %scan3A_965 : i32
      %scan3A_967 = arith.constant 1 : i32
      %scan3A_968 = scf.for %scan3A_1104 = %scan3A_964 to %scan3A_966 step %scan3A_967 iter_args(%scan3A_1105 = %broadcast_in_dim3A_963) -> (vector<16xf32>)  : i32 {
        %mul3A_1106 = arith.constant 16 : i32
        %mul3A_1107 = arith.muli %scan3A_1104, %mul3A_1106 : i32
        %add3A_1108 = arith.constant 14336 : i32
        %add3A_1109 = arith.addi %add3A_1108, %mul3A_1107 : i32
        %get3A = arith.index_cast %add3A_1109 : i32 to index
        %get3A_1110 = tpu.vector_load %arg4[%get3A] {strides = array<i32>} : memref<16384xf32, #tpu.memory_space<vmem>>, vector<16xf32>,
        %get3A_1111 = vector.shape_cast %get3A_1110 : vector<16xf32> to vector<16xf32>
        %add3A_1112 = arith.addf %scan3A_1105, %get3A_1111 : vector<16xf32>
        scf.yield %add3A_1112 : vector<16xf32>
      }
      %scan3A_969 = arith.constant 64 : i32
      %xor3A_970 = arith.constant 8 : i32
      %xor3A_971 = vector.broadcast %xor3A_970 : i32 to vector<16xi32>
      %xor3A_972 = arith.xori %iota3A, %xor3A_971 : vector<16xi32>
      %lt3A_973 = arith.constant 0 : i32
      %lt3A_974 = vector.broadcast %lt3A_973 : i32 to vector<16xi32>
      %lt3A_975 = arith.cmpi slt, %xor3A_972, %lt3A_974 : vector<16xi32>
      %add3A_976 = arith.constant 16 : i32
      %add3A_977 = vector.broadcast %add3A_976 : i32 to vector<16xi32>
      %add3A_978 = arith.addi %xor3A_972, %add3A_977 : vector<16xi32>
      %select_n3A_979 = arith.select %lt3A_975, %add3A_978, %xor3A_972 : vector<16xi1>, vector<16xi32>
      %broadcast_in_dim3A_980 = vector.shape_cast %select_n3A_979 : vector<16xi32> to vector<16x1xi32>
      %gather3A_981 = vector.shape_cast %broadcast_in_dim3A_980 : vector<16x1xi32> to vector<16xi32>
      %gather3A_982 = tpu.dynamic_gather %scan3A_968[%gather3A_981] in [0] : vector<16xf32>, vector<16xi32> -> vector<16xf32>
      %add3A_983 = arith.addf %scan3A_968, %gather3A_982 : vector<16xf32>
      %xor3A_984 = arith.constant 4 : i32
      %xor3A_985 = vector.broadcast %xor3A_984 : i32 to vector<16xi32>
      %xor3A_986 = arith.xori %iota3A, %xor3A_985 : vector<16xi32>
      %lt3A_987 = arith.constant 0 : i32
      %lt3A_988 = vector.broadcast %lt3A_987 : i32 to vector<16xi32>
      %lt3A_989 = arith.cmpi slt, %xor3A_986, %lt3A_988 : vector<16xi32>
      %add3A_990 = arith.constant 16 : i32
      %add3A_991 = vector.broadcast %add3A_990 : i32 to vector<16xi32>
      %add3A_992 = arith.addi %xor3A_986, %add3A_991 : vector<16xi32>
      %select_n3A_993 = arith.select %lt3A_989, %add3A_992, %xor3A_986 : vector<16xi1>, vector<16xi32>
      %broadcast_in_dim3A_994 = vector.shape_cast %select_n3A_993 : vector<16xi32> to vector<16x1xi32>
      %gather3A_995 = vector.shape_cast %broadcast_in_dim3A_994 : vector<16x1xi32> to vector<16xi32>
      %gather3A_996 = tpu.dynamic_gather %add3A_983[%gather3A_995] in [0] : vector<16xf32>, vector<16xi32> -> vector<16xf32>
      %add3A_997 = arith.addf %add3A_983, %gather3A_996 : vector<16xf32>
      %xor3A_998 = arith.constant 2 : i32
      %xor3A_999 = vector.broadcast %xor3A_998 : i32 to vector<16xi32>
      %xor3A_1000 = arith.xori %iota3A, %xor3A_999 : vector<16xi32>
      %lt3A_1001 = arith.constant 0 : i32
      %lt3A_1002 = vector.broadcast %lt3A_1001 : i32 to vector<16xi32>
      %lt3A_1003 = arith.cmpi slt, %xor3A_1000, %lt3A_1002 : vector<16xi32>
      %add3A_1004 = arith.constant 16 : i32
      %add3A_1005 = vector.broadcast %add3A_1004 : i32 to vector<16xi32>
      %add3A_1006 = arith.addi %xor3A_1000, %add3A_1005 : vector<16xi32>
      %select_n3A_1007 = arith.select %lt3A_1003, %add3A_1006, %xor3A_1000 : vector<16xi1>, vector<16xi32>
      %broadcast_in_dim3A_1008 = vector.shape_cast %select_n3A_1007 : vector<16xi32> to vector<16x1xi32>
      %gather3A_1009 = vector.shape_cast %broadcast_in_dim3A_1008 : vector<16x1xi32> to vector<16xi32>
      %gather3A_1010 = tpu.dynamic_gather %add3A_997[%gather3A_1009] in [0] : vector<16xf32>, vector<16xi32> -> vector<16xf32>
      %add3A_1011 = arith.addf %add3A_997, %gather3A_1010 : vector<16xf32>
      %xor3A_1012 = arith.constant 1 : i32
      %xor3A_1013 = vector.broadcast %xor3A_1012 : i32 to vector<16xi32>
      %xor3A_1014 = arith.xori %iota3A, %xor3A_1013 : vector<16xi32>
      %lt3A_1015 = arith.constant 0 : i32
      %lt3A_1016 = vector.broadcast %lt3A_1015 : i32 to vector<16xi32>
      %lt3A_1017 = arith.cmpi slt, %xor3A_1014, %lt3A_1016 : vector<16xi32>
      %add3A_1018 = arith.constant 16 : i32
      %add3A_1019 = vector.broadcast %add3A_1018 : i32 to vector<16xi32>
      %add3A_1020 = arith.addi %xor3A_1014, %add3A_1019 : vector<16xi32>
      %select_n3A_1021 = arith.select %lt3A_1017, %add3A_1020, %xor3A_1014 : vector<16xi1>, vector<16xi32>
      %broadcast_in_dim3A_1022 = vector.shape_cast %select_n3A_1021 : vector<16xi32> to vector<16x1xi32>
      %gather3A_1023 = vector.shape_cast %broadcast_in_dim3A_1022 : vector<16x1xi32> to vector<16xi32>
      %gather3A_1024 = tpu.dynamic_gather %add3A_1011[%gather3A_1023] in [0] : vector<16xf32>, vector<16xi32> -> vector<16xf32>
      %add3A_1025 = arith.addf %add3A_1011, %gather3A_1024 : vector<16xf32>
      %eq3A_1026 = arith.constant 14 : i32
      %eq3A_1027 = vector.broadcast %eq3A_1026 : i32 to vector<16xi32>
      %eq3A_1028 = arith.cmpi eq, %iota3A, %eq3A_1027 : vector<16xi32>
      %select_n3A_1029 = arith.select %eq3A_1028, %add3A_1025, %select_n3A_961 : vector<16xi1>, vector<16xf32>
      %broadcast_in_dim3A_1030 = arith.constant 0.000000e+00 : f32
      %broadcast_in_dim3A_1031 = vector.broadcast %broadcast_in_dim3A_1030 : f32 to vector<16xf32>
      %scan3A_1032 = arith.constant 0 : i32
      %scan3A_1033 = arith.constant 64 : i32
      %scan3A_1034 = arith.addi %scan3A_1032, %scan3A_1033 : i32
      %scan3A_1035 = arith.constant 1 : i32
      %scan3A_1036 = scf.for %scan3A_1104 = %scan3A_1032 to %scan3A_1034 step %scan3A_1035 iter_args(%scan3A_1105 = %broadcast_in_dim3A_1031) -> (vector<16xf32>)  : i32 {
        %mul3A_1106 = arith.constant 16 : i32
        %mul3A_1107 = arith.muli %scan3A_1104, %mul3A_1106 : i32
        %add3A_1108 = arith.constant 15360 : i32
        %add3A_1109 = arith.addi %add3A_1108, %mul3A_1107 : i32
        %get3A = arith.index_cast %add3A_1109 : i32 to index
        %get3A_1110 = tpu.vector_load %arg4[%get3A] {strides = array<i32>} : memref<16384xf32, #tpu.memory_space<vmem>>, vector<16xf32>,
        %get3A_1111 = vector.shape_cast %get3A_1110 : vector<16xf32> to vector<16xf32>
        %add3A_1112 = arith.addf %scan3A_1105, %get3A_1111 : vector<16xf32>
        scf.yield %add3A_1112 : vector<16xf32>
      }
      %scan3A_1037 = arith.constant 64 : i32
      %xor3A_1038 = arith.constant 8 : i32
      %xor3A_1039 = vector.broadcast %xor3A_1038 : i32 to vector<16xi32>
      %xor3A_1040 = arith.xori %iota3A, %xor3A_1039 : vector<16xi32>
      %lt3A_1041 = arith.constant 0 : i32
      %lt3A_1042 = vector.broadcast %lt3A_1041 : i32 to vector<16xi32>
      %lt3A_1043 = arith.cmpi slt, %xor3A_1040, %lt3A_1042 : vector<16xi32>
      %add3A_1044 = arith.constant 16 : i32
      %add3A_1045 = vector.broadcast %add3A_1044 : i32 to vector<16xi32>
      %add3A_1046 = arith.addi %xor3A_1040, %add3A_1045 : vector<16xi32>
      %select_n3A_1047 = arith.select %lt3A_1043, %add3A_1046, %xor3A_1040 : vector<16xi1>, vector<16xi32>
      %broadcast_in_dim3A_1048 = vector.shape_cast %select_n3A_1047 : vector<16xi32> to vector<16x1xi32>
      %gather3A_1049 = vector.shape_cast %broadcast_in_dim3A_1048 : vector<16x1xi32> to vector<16xi32>
      %gather3A_1050 = tpu.dynamic_gather %scan3A_1036[%gather3A_1049] in [0] : vector<16xf32>, vector<16xi32> -> vector<16xf32>
      %add3A_1051 = arith.addf %scan3A_1036, %gather3A_1050 : vector<16xf32>
      %xor3A_1052 = arith.constant 4 : i32
      %xor3A_1053 = vector.broadcast %xor3A_1052 : i32 to vector<16xi32>
      %xor3A_1054 = arith.xori %iota3A, %xor3A_1053 : vector<16xi32>
      %lt3A_1055 = arith.constant 0 : i32
      %lt3A_1056 = vector.broadcast %lt3A_1055 : i32 to vector<16xi32>
      %lt3A_1057 = arith.cmpi slt, %xor3A_1054, %lt3A_1056 : vector<16xi32>
      %add3A_1058 = arith.constant 16 : i32
      %add3A_1059 = vector.broadcast %add3A_1058 : i32 to vector<16xi32>
      %add3A_1060 = arith.addi %xor3A_1054, %add3A_1059 : vector<16xi32>
      %select_n3A_1061 = arith.select %lt3A_1057, %add3A_1060, %xor3A_1054 : vector<16xi1>, vector<16xi32>
      %broadcast_in_dim3A_1062 = vector.shape_cast %select_n3A_1061 : vector<16xi32> to vector<16x1xi32>
      %gather3A_1063 = vector.shape_cast %broadcast_in_dim3A_1062 : vector<16x1xi32> to vector<16xi32>
      %gather3A_1064 = tpu.dynamic_gather %add3A_1051[%gather3A_1063] in [0] : vector<16xf32>, vector<16xi32> -> vector<16xf32>
      %add3A_1065 = arith.addf %add3A_1051, %gather3A_1064 : vector<16xf32>
      %xor3A_1066 = arith.constant 2 : i32
      %xor3A_1067 = vector.broadcast %xor3A_1066 : i32 to vector<16xi32>
      %xor3A_1068 = arith.xori %iota3A, %xor3A_1067 : vector<16xi32>
      %lt3A_1069 = arith.constant 0 : i32
      %lt3A_1070 = vector.broadcast %lt3A_1069 : i32 to vector<16xi32>
      %lt3A_1071 = arith.cmpi slt, %xor3A_1068, %lt3A_1070 : vector<16xi32>
      %add3A_1072 = arith.constant 16 : i32
      %add3A_1073 = vector.broadcast %add3A_1072 : i32 to vector<16xi32>
      %add3A_1074 = arith.addi %xor3A_1068, %add3A_1073 : vector<16xi32>
      %select_n3A_1075 = arith.select %lt3A_1071, %add3A_1074, %xor3A_1068 : vector<16xi1>, vector<16xi32>
      %broadcast_in_dim3A_1076 = vector.shape_cast %select_n3A_1075 : vector<16xi32> to vector<16x1xi32>
      %gather3A_1077 = vector.shape_cast %broadcast_in_dim3A_1076 : vector<16x1xi32> to vector<16xi32>
      %gather3A_1078 = tpu.dynamic_gather %add3A_1065[%gather3A_1077] in [0] : vector<16xf32>, vector<16xi32> -> vector<16xf32>
      %add3A_1079 = arith.addf %add3A_1065, %gather3A_1078 : vector<16xf32>
      %xor3A_1080 = arith.constant 1 : i32
      %xor3A_1081 = vector.broadcast %xor3A_1080 : i32 to vector<16xi32>
      %xor3A_1082 = arith.xori %iota3A, %xor3A_1081 : vector<16xi32>
      %lt3A_1083 = arith.constant 0 : i32
      %lt3A_1084 = vector.broadcast %lt3A_1083 : i32 to vector<16xi32>
      %lt3A_1085 = arith.cmpi slt, %xor3A_1082, %lt3A_1084 : vector<16xi32>
      %add3A_1086 = arith.constant 16 : i32
      %add3A_1087 = vector.broadcast %add3A_1086 : i32 to vector<16xi32>
      %add3A_1088 = arith.addi %xor3A_1082, %add3A_1087 : vector<16xi32>
      %select_n3A_1089 = arith.select %lt3A_1085, %add3A_1088, %xor3A_1082 : vector<16xi1>, vector<16xi32>
      %broadcast_in_dim3A_1090 = vector.shape_cast %select_n3A_1089 : vector<16xi32> to vector<16x1xi32>
      %gather3A_1091 = vector.shape_cast %broadcast_in_dim3A_1090 : vector<16x1xi32> to vector<16xi32>
      %gather3A_1092 = tpu.dynamic_gather %add3A_1079[%gather3A_1091] in [0] : vector<16xf32>, vector<16xi32> -> vector<16xf32>
      %add3A_1093 = arith.addf %add3A_1079, %gather3A_1092 : vector<16xf32>
      %eq3A_1094 = arith.constant 15 : i32
      %eq3A_1095 = vector.broadcast %eq3A_1094 : i32 to vector<16xi32>
      %eq3A_1096 = arith.cmpi eq, %iota3A, %eq3A_1095 : vector<16xi32>
      %select_n3A_1097 = arith.select %eq3A_1096, %add3A_1093, %select_n3A_1029 : vector<16xi1>, vector<16xf32>
      %mul3A_1098 = arith.constant 9.765625E-4 : f32
      %mul3A_1099 = vector.broadcast %mul3A_1098 : f32 to vector<16xf32>
      %mul3A_1100 = arith.mulf %select_n3A_1097, %mul3A_1099 : vector<16xf32>
      %swap3A = arith.constant 0 : index
      %swap3A_1101 = tpu.vector_load %arg5[%swap3A] {strides = array<i32>} : memref<16xf32, #tpu.memory_space<vmem>>, vector<16xf32>,
      %swap3A_1102 = vector.shape_cast %swap3A_1101 : vector<16xf32> to vector<16xf32>
      %swap3A_1103 = vector.shape_cast %mul3A_1100 : vector<16xf32> to vector<16xf32>
      tpu.vector_store %arg5[%swap3A], %swap3A_1103 {strides = array<i32>} : memref<16xf32, #tpu.memory_space<vmem>>, vector<16xf32>,
      "tpu.region"() ({
        %run_scoped3A = tpu.sem_alloc : memref<!tpu.dma_semaphore, #tpu.memory_space<semaphore_mem>>
        %dma_start3A = tpu.memref_slice %arg3[%add3A_11] : memref<16384xf32, #tpu.memory_space<hbm>> -> memref<16xf32, #tpu.memory_space<hbm>>
        %dma_start3A_1104 = tpu.memref_slice %arg3[%add3A_11] : memref<16384xf32, #tpu.memory_space<hbm>> -> memref<16xf32, #tpu.memory_space<hbm>>
        tpu.enqueue_dma source(%arg5 : memref<16xf32, #tpu.memory_space<vmem>>) target(%dma_start3A_1104 : memref<16xf32, #tpu.memory_space<hbm>>) target_semaphore(%run_scoped3A : memref<!tpu.dma_semaphore, #tpu.memory_space<semaphore_mem>>)
        %dma_wait3A = tpu.memref_slice %arg3[%add3A_11] : memref<16384xf32, #tpu.memory_space<hbm>> -> memref<16xf32, #tpu.memory_space<hbm>>
        %dma_wait3A_1105 = tpu.memref_slice %arg3[%add3A_11] : memref<16384xf32, #tpu.memory_space<hbm>> -> memref<16xf32, #tpu.memory_space<hbm>>
        tpu.wait_dma2 semaphore(%run_scoped3A : memref<!tpu.dma_semaphore, #tpu.memory_space<semaphore_mem>>) src(%arg5 : memref<16xf32, #tpu.memory_space<vmem>>) dst(%dma_wait3A_1105 : memref<16xf32, #tpu.memory_space<hbm>>)
        tpu.yield
      }) : () -> ()
    }
    %scan3A_7 = arith.constant 32 : i32
    return
  }
}

module attributes {stable_mosaic.version = 14 : i64} {
  func.func @_medoid_kernel(%arg0: i32, %arg1: memref<16384x512xf32, #tpu.memory_space<vmem>>, %arg2: memref<32x32x512xbf16, #tpu.memory_space<vmem>>, %arg3: memref<8x32x2048xbf16, #tpu.memory_space<vmem>>, %arg4: memref<32x512xf32, #tpu.memory_space<vmem>>, %arg5: memref<32x2048xf32, #tpu.memory_space<vmem>>, %arg6: memref<32x32x512xf32, #tpu.memory_space<vmem>>, %arg7: memref<32x32x512xf32, #tpu.memory_space<vmem>>) attributes {dimension_semantics = [#tpu.dimension_semantics<arbitrary>], iteration_bounds = array<i64: 8>, scalar_prefetch = 0 : i64, scratch_operands = 3 : i64, tpu.core_type = #tpu.core_type<tc>, window_params = [{pipeline_mode = #tpu.pipeline_mode<synchronous>, transform_indices = @transform_0, window_bounds = array<i64: 16384, 512>}, {pipeline_mode = #tpu.pipeline_mode<synchronous>, transform_indices = @transform_1, window_bounds = array<i64: 32, 32, 512>}, {pipeline_mode = #tpu.pipeline_mode<synchronous>, transform_indices = @transform_2, window_bounds = array<i64: 8, 32, 2048>}, {pipeline_mode = #tpu.pipeline_mode<synchronous>, transform_indices = @transform_3, window_bounds = array<i64: 32, 512>}]} {
    %eq3A = arith.constant 0 : i32
    %eq3A_0 = arith.cmpi eq, %arg0, %eq3A : i32
    %convert_element_type3A = arith.extui %eq3A_0 : i1 to i32
    %cond3A = arith.constant 0 : i32
    %cond3A_1 = arith.cmpi ne, %convert_element_type3A, %cond3A : i32
    scf.if %cond3A_1 {
      %broadcast_in_dim3A_84 = arith.constant 0.000000e+00 : f32
      %broadcast_in_dim3A_85 = vector.broadcast %broadcast_in_dim3A_84 : f32 to vector<32x32x512xf32>
      %swap3A_86 = arith.constant 0 : index
      %swap3A_87 = arith.constant 0 : index
      %swap3A_88 = arith.constant 0 : index
      %swap3A_89 = vector.load %arg7[%swap3A_86, %swap3A_87, %swap3A_88] : memref<32x32x512xf32, #tpu.memory_space<vmem>>, vector<32x32x512xf32>
      tpu.vector_store %arg7[%swap3A_86, %swap3A_87, %swap3A_88], %broadcast_in_dim3A_85 {strides = array<i32>} : memref<32x32x512xf32, #tpu.memory_space<vmem>>, vector<32x32x512xf32>,
    } else {
    }
    %mul3A = arith.constant 2048 : i32
    %mul3A_2 = arith.muli %arg0, %mul3A : i32
    %get3A = arith.index_cast %mul3A_2 : i32 to index
    %get3A_3 = arith.constant 0 : index
    %get3A_4 = vector.load %arg1[%get3A, %get3A_3] : memref<16384x512xf32, #tpu.memory_space<vmem>>, vector<2048x512xf32>
    %broadcast_in_dim3A = arith.constant 1.000000e+00 : f32
    %broadcast_in_dim3A_5 = vector.broadcast %broadcast_in_dim3A : f32 to vector<1x512xf32>
    %mul3A_6 = arith.mulf %get3A_4, %get3A_4 : vector<2048x512xf32>
    %dot_general3A = arith.constant dense<0.000000e+00> : vector<1x2048xf32>
    %dot_general3A_7 = tpu.matmul %broadcast_in_dim3A_5, %mul3A_6, %dot_general3A {dimension_numbers = #tpu.dot_dimension_numbers<[1], [1], [0], [0], [0, 0, 1, 0], [], []>, precision = #tpu.contract_precision<fp32>, transpose_lhs_hint = false} : vector<1x512xf32>, vector<2048x512xf32>, vector<1x2048xf32> -> vector<1x2048xf32>
    %get3A_8 = arith.index_cast %arg0 : i32 to index
    %get3A_9 = arith.constant 0 : index
    %get3A_10 = arith.constant 0 : index
    %get3A_11 = vector.load %arg3[%get3A_8, %get3A_9, %get3A_10] : memref<8x32x2048xbf16, #tpu.memory_space<vmem>>, vector<1x32x2048xbf16>
    %get3A_12 = vector.shape_cast %get3A_11 : vector<1x32x2048xbf16> to vector<32x2048xbf16>
    %broadcast_in_dim3A_13 = arith.constant 0.000000e+00 : f32
    %broadcast_in_dim3A_14 = vector.broadcast %broadcast_in_dim3A_13 : f32 to vector<32x2048xf32>
    %swap3A = arith.constant 0 : index
    %swap3A_15 = arith.constant 0 : index
    %swap3A_16 = vector.load %arg5[%swap3A, %swap3A_15] : memref<32x2048xf32, #tpu.memory_space<vmem>>, vector<32x2048xf32>
    tpu.vector_store %arg5[%swap3A, %swap3A_15], %broadcast_in_dim3A_14 {strides = array<i32>} : memref<32x2048xf32, #tpu.memory_space<vmem>>, vector<32x2048xf32>,
    %add3A = arith.constant 1 : i32
    %add3A_17 = arith.addi %arg0, %add3A : i32
    %while3A = arith.constant 0 : i32
    %while3A_18 = arith.constant 0 : i32
    %while3A_19 = arith.subi %add3A_17, %while3A_18 : i32
    %while3A_20 = arith.addi %while3A_18, %while3A_19 : i32
    %while3A_21 = arith.constant 1 : i32
    %while3A_22 = arith.divsi %while3A_19, %while3A_21 : i32
    %while3A_23 = arith.muli %while3A_22, %while3A_21 : i32
    %while3A_24 = arith.addi %while3A_18, %while3A_23 : i32
    %while3A_25 = arith.constant 1 : i32
    scf.for %while3A_84 = %while3A_18 to %while3A_24 step %while3A_25  : i32 {
      %mul3A_85 = arith.constant 4 : i32
      %mul3A_86 = arith.muli %mul3A_85, %while3A_84 : i32
      %add3A_87 = arith.constant 0 : i32
      %add3A_88 = arith.addi %mul3A_86, %add3A_87 : i32
      %mul3A_89 = arith.constant 512 : i32
      %mul3A_90 = arith.muli %add3A_88, %mul3A_89 : i32
      %get3A_91 = arith.index_cast %mul3A_90 : i32 to index
      %get3A_92 = arith.constant 0 : index
      %get3A_93 = vector.load %arg1[%get3A_91, %get3A_92] : memref<16384x512xf32, #tpu.memory_space<vmem>>, vector<512x512xf32>
      %mul3A_94 = arith.mulf %get3A_93, %get3A_93 : vector<512x512xf32>
      %reduce_sum3A = arith.constant dense<0.000000e+00> : vector<512xf32>
      %reduce_sum3A_95 = vector.multi_reduction <add>, %mul3A_94, %reduce_sum3A [1] : vector<512x512xf32> to vector<512xf32>
      %broadcast_in_dim3A_96 = vector.shape_cast %reduce_sum3A_95 : vector<512xf32> to vector<512x1xf32>
      %dot_general3A_97 = arith.constant dense<0.000000e+00> : vector<512x2048xf32>
      %dot_general3A_98 = tpu.matmul %get3A_93, %get3A_4, %dot_general3A_97 {dimension_numbers = #tpu.dot_dimension_numbers<[1], [1], [0], [0], [0, 0, 1, 0], [], []>, transpose_lhs_hint = false} : vector<512x512xf32>, vector<2048x512xf32>, vector<512x2048xf32> -> vector<512x2048xf32>
      %add3A_99 = vector.broadcast %broadcast_in_dim3A_96 : vector<512x1xf32> to vector<512x2048xf32>
      %add3A_100 = vector.broadcast %dot_general3A_7 : vector<1x2048xf32> to vector<512x2048xf32>
      %add3A_101 = arith.addf %add3A_99, %add3A_100 : vector<512x2048xf32>
      %mul3A_102 = arith.constant 2.000000e+00 : f32
      %mul3A_103 = vector.broadcast %mul3A_102 : f32 to vector<512x2048xf32>
      %mul3A_104 = arith.mulf %mul3A_103, %dot_general3A_98 : vector<512x2048xf32>
      %sub3A = arith.subf %add3A_101, %mul3A_104 : vector<512x2048xf32>
      %max3A = arith.constant 0.000000e+00 : f32
      %max3A_105 = vector.broadcast %max3A : f32 to vector<512x2048xf32>
      %max3A_106 = arith.maximumf %sub3A, %max3A_105 : vector<512x2048xf32>
      %sqrt3A = math.sqrt %max3A_106 : vector<512x2048xf32>
      %convert_element_type3A_107 = arith.truncf %sqrt3A : vector<512x2048xf32> to vector<512x2048xbf16>
      %get3A_108 = arith.index_cast %add3A_88 : i32 to index
      %get3A_109 = arith.constant 0 : index
      %get3A_110 = arith.constant 0 : index
      %get3A_111 = vector.load %arg2[%get3A_108, %get3A_109, %get3A_110] : memref<32x32x512xbf16, #tpu.memory_space<vmem>>, vector<1x32x512xbf16>
      %get3A_112 = vector.shape_cast %get3A_111 : vector<1x32x512xbf16> to vector<32x512xbf16>
      %dot_general3A_113 = arith.constant dense<0.000000e+00> : vector<32x2048xf32>
      %dot_general3A_114 = tpu.matmul %get3A_112, %convert_element_type3A_107, %dot_general3A_113 {dimension_numbers = #tpu.dot_dimension_numbers<[1], [0], [0], [1], [0, 0, 1, 1], [], []>, transpose_lhs_hint = false} : vector<32x512xbf16>, vector<512x2048xbf16>, vector<32x2048xf32> -> vector<32x2048xf32>
      %mul3A_115 = arith.constant 4 : i32
      %mul3A_116 = arith.muli %mul3A_115, %while3A_84 : i32
      %add3A_117 = arith.constant 1 : i32
      %add3A_118 = arith.addi %mul3A_116, %add3A_117 : i32
      %mul3A_119 = arith.constant 512 : i32
      %mul3A_120 = arith.muli %add3A_118, %mul3A_119 : i32
      %get3A_121 = arith.index_cast %mul3A_120 : i32 to index
      %get3A_122 = arith.constant 0 : index
      %get3A_123 = vector.load %arg1[%get3A_121, %get3A_122] : memref<16384x512xf32, #tpu.memory_space<vmem>>, vector<512x512xf32>
      %mul3A_124 = arith.mulf %get3A_123, %get3A_123 : vector<512x512xf32>
      %reduce_sum3A_125 = arith.constant dense<0.000000e+00> : vector<512xf32>
      %reduce_sum3A_126 = vector.multi_reduction <add>, %mul3A_124, %reduce_sum3A_125 [1] : vector<512x512xf32> to vector<512xf32>
      %broadcast_in_dim3A_127 = vector.shape_cast %reduce_sum3A_126 : vector<512xf32> to vector<512x1xf32>
      %dot_general3A_128 = arith.constant dense<0.000000e+00> : vector<512x2048xf32>
      %dot_general3A_129 = tpu.matmul %get3A_123, %get3A_4, %dot_general3A_128 {dimension_numbers = #tpu.dot_dimension_numbers<[1], [1], [0], [0], [0, 0, 1, 0], [], []>, transpose_lhs_hint = false} : vector<512x512xf32>, vector<2048x512xf32>, vector<512x2048xf32> -> vector<512x2048xf32>
      %add3A_130 = vector.broadcast %broadcast_in_dim3A_127 : vector<512x1xf32> to vector<512x2048xf32>
      %add3A_131 = vector.broadcast %dot_general3A_7 : vector<1x2048xf32> to vector<512x2048xf32>
      %add3A_132 = arith.addf %add3A_130, %add3A_131 : vector<512x2048xf32>
      %mul3A_133 = arith.constant 2.000000e+00 : f32
      %mul3A_134 = vector.broadcast %mul3A_133 : f32 to vector<512x2048xf32>
      %mul3A_135 = arith.mulf %mul3A_134, %dot_general3A_129 : vector<512x2048xf32>
      %sub3A_136 = arith.subf %add3A_132, %mul3A_135 : vector<512x2048xf32>
      %max3A_137 = arith.constant 0.000000e+00 : f32
      %max3A_138 = vector.broadcast %max3A_137 : f32 to vector<512x2048xf32>
      %max3A_139 = arith.maximumf %sub3A_136, %max3A_138 : vector<512x2048xf32>
      %sqrt3A_140 = math.sqrt %max3A_139 : vector<512x2048xf32>
      %convert_element_type3A_141 = arith.truncf %sqrt3A_140 : vector<512x2048xf32> to vector<512x2048xbf16>
      %get3A_142 = arith.index_cast %add3A_118 : i32 to index
      %get3A_143 = arith.constant 0 : index
      %get3A_144 = arith.constant 0 : index
      %get3A_145 = vector.load %arg2[%get3A_142, %get3A_143, %get3A_144] : memref<32x32x512xbf16, #tpu.memory_space<vmem>>, vector<1x32x512xbf16>
      %get3A_146 = vector.shape_cast %get3A_145 : vector<1x32x512xbf16> to vector<32x512xbf16>
      %dot_general3A_147 = arith.constant dense<0.000000e+00> : vector<32x2048xf32>
      %dot_general3A_148 = tpu.matmul %get3A_146, %convert_element_type3A_141, %dot_general3A_147 {dimension_numbers = #tpu.dot_dimension_numbers<[1], [0], [0], [1], [0, 0, 1, 1], [], []>, transpose_lhs_hint = false} : vector<32x512xbf16>, vector<512x2048xbf16>, vector<32x2048xf32> -> vector<32x2048xf32>
      %mul3A_149 = arith.constant 4 : i32
      %mul3A_150 = arith.muli %mul3A_149, %while3A_84 : i32
      %add3A_151 = arith.constant 2 : i32
      %add3A_152 = arith.addi %mul3A_150, %add3A_151 : i32
      %mul3A_153 = arith.constant 512 : i32
      %mul3A_154 = arith.muli %add3A_152, %mul3A_153 : i32
      %get3A_155 = arith.index_cast %mul3A_154 : i32 to index
      %get3A_156 = arith.constant 0 : index
      %get3A_157 = vector.load %arg1[%get3A_155, %get3A_156] : memref<16384x512xf32, #tpu.memory_space<vmem>>, vector<512x512xf32>
      %mul3A_158 = arith.mulf %get3A_157, %get3A_157 : vector<512x512xf32>
      %reduce_sum3A_159 = arith.constant dense<0.000000e+00> : vector<512xf32>
      %reduce_sum3A_160 = vector.multi_reduction <add>, %mul3A_158, %reduce_sum3A_159 [1] : vector<512x512xf32> to vector<512xf32>
      %broadcast_in_dim3A_161 = vector.shape_cast %reduce_sum3A_160 : vector<512xf32> to vector<512x1xf32>
      %dot_general3A_162 = arith.constant dense<0.000000e+00> : vector<512x2048xf32>
      %dot_general3A_163 = tpu.matmul %get3A_157, %get3A_4, %dot_general3A_162 {dimension_numbers = #tpu.dot_dimension_numbers<[1], [1], [0], [0], [0, 0, 1, 0], [], []>, transpose_lhs_hint = false} : vector<512x512xf32>, vector<2048x512xf32>, vector<512x2048xf32> -> vector<512x2048xf32>
      %add3A_164 = vector.broadcast %broadcast_in_dim3A_161 : vector<512x1xf32> to vector<512x2048xf32>
      %add3A_165 = vector.broadcast %dot_general3A_7 : vector<1x2048xf32> to vector<512x2048xf32>
      %add3A_166 = arith.addf %add3A_164, %add3A_165 : vector<512x2048xf32>
      %mul3A_167 = arith.constant 2.000000e+00 : f32
      %mul3A_168 = vector.broadcast %mul3A_167 : f32 to vector<512x2048xf32>
      %mul3A_169 = arith.mulf %mul3A_168, %dot_general3A_163 : vector<512x2048xf32>
      %sub3A_170 = arith.subf %add3A_166, %mul3A_169 : vector<512x2048xf32>
      %max3A_171 = arith.constant 0.000000e+00 : f32
      %max3A_172 = vector.broadcast %max3A_171 : f32 to vector<512x2048xf32>
      %max3A_173 = arith.maximumf %sub3A_170, %max3A_172 : vector<512x2048xf32>
      %sqrt3A_174 = math.sqrt %max3A_173 : vector<512x2048xf32>
      %convert_element_type3A_175 = arith.truncf %sqrt3A_174 : vector<512x2048xf32> to vector<512x2048xbf16>
      %get3A_176 = arith.index_cast %add3A_152 : i32 to index
      %get3A_177 = arith.constant 0 : index
      %get3A_178 = arith.constant 0 : index
      %get3A_179 = vector.load %arg2[%get3A_176, %get3A_177, %get3A_178] : memref<32x32x512xbf16, #tpu.memory_space<vmem>>, vector<1x32x512xbf16>
      %get3A_180 = vector.shape_cast %get3A_179 : vector<1x32x512xbf16> to vector<32x512xbf16>
      %dot_general3A_181 = arith.constant dense<0.000000e+00> : vector<32x2048xf32>
      %dot_general3A_182 = tpu.matmul %get3A_180, %convert_element_type3A_175, %dot_general3A_181 {dimension_numbers = #tpu.dot_dimension_numbers<[1], [0], [0], [1], [0, 0, 1, 1], [], []>, transpose_lhs_hint = false} : vector<32x512xbf16>, vector<512x2048xbf16>, vector<32x2048xf32> -> vector<32x2048xf32>
      %mul3A_183 = arith.constant 4 : i32
      %mul3A_184 = arith.muli %mul3A_183, %while3A_84 : i32
      %add3A_185 = arith.constant 3 : i32
      %add3A_186 = arith.addi %mul3A_184, %add3A_185 : i32
      %mul3A_187 = arith.constant 512 : i32
      %mul3A_188 = arith.muli %add3A_186, %mul3A_187 : i32
      %get3A_189 = arith.index_cast %mul3A_188 : i32 to index
      %get3A_190 = arith.constant 0 : index
      %get3A_191 = vector.load %arg1[%get3A_189, %get3A_190] : memref<16384x512xf32, #tpu.memory_space<vmem>>, vector<512x512xf32>
      %mul3A_192 = arith.mulf %get3A_191, %get3A_191 : vector<512x512xf32>
      %reduce_sum3A_193 = arith.constant dense<0.000000e+00> : vector<512xf32>
      %reduce_sum3A_194 = vector.multi_reduction <add>, %mul3A_192, %reduce_sum3A_193 [1] : vector<512x512xf32> to vector<512xf32>
      %broadcast_in_dim3A_195 = vector.shape_cast %reduce_sum3A_194 : vector<512xf32> to vector<512x1xf32>
      %dot_general3A_196 = arith.constant dense<0.000000e+00> : vector<512x2048xf32>
      %dot_general3A_197 = tpu.matmul %get3A_191, %get3A_4, %dot_general3A_196 {dimension_numbers = #tpu.dot_dimension_numbers<[1], [1], [0], [0], [0, 0, 1, 0], [], []>, transpose_lhs_hint = false} : vector<512x512xf32>, vector<2048x512xf32>, vector<512x2048xf32> -> vector<512x2048xf32>
      %add3A_198 = vector.broadcast %broadcast_in_dim3A_195 : vector<512x1xf32> to vector<512x2048xf32>
      %add3A_199 = vector.broadcast %dot_general3A_7 : vector<1x2048xf32> to vector<512x2048xf32>
      %add3A_200 = arith.addf %add3A_198, %add3A_199 : vector<512x2048xf32>
      %mul3A_201 = arith.constant 2.000000e+00 : f32
      %mul3A_202 = vector.broadcast %mul3A_201 : f32 to vector<512x2048xf32>
      %mul3A_203 = arith.mulf %mul3A_202, %dot_general3A_197 : vector<512x2048xf32>
      %sub3A_204 = arith.subf %add3A_200, %mul3A_203 : vector<512x2048xf32>
      %max3A_205 = arith.constant 0.000000e+00 : f32
      %max3A_206 = vector.broadcast %max3A_205 : f32 to vector<512x2048xf32>
      %max3A_207 = arith.maximumf %sub3A_204, %max3A_206 : vector<512x2048xf32>
      %sqrt3A_208 = math.sqrt %max3A_207 : vector<512x2048xf32>
      %convert_element_type3A_209 = arith.truncf %sqrt3A_208 : vector<512x2048xf32> to vector<512x2048xbf16>
      %get3A_210 = arith.index_cast %add3A_186 : i32 to index
      %get3A_211 = arith.constant 0 : index
      %get3A_212 = arith.constant 0 : index
      %get3A_213 = vector.load %arg2[%get3A_210, %get3A_211, %get3A_212] : memref<32x32x512xbf16, #tpu.memory_space<vmem>>, vector<1x32x512xbf16>
      %get3A_214 = vector.shape_cast %get3A_213 : vector<1x32x512xbf16> to vector<32x512xbf16>
      %dot_general3A_215 = arith.constant dense<0.000000e+00> : vector<32x2048xf32>
      %dot_general3A_216 = tpu.matmul %get3A_214, %convert_element_type3A_209, %dot_general3A_215 {dimension_numbers = #tpu.dot_dimension_numbers<[1], [0], [0], [1], [0, 0, 1, 1], [], []>, transpose_lhs_hint = false} : vector<32x512xbf16>, vector<512x2048xbf16>, vector<32x2048xf32> -> vector<32x2048xf32>
      %get3A_217 = arith.constant 0 : index
      %get3A_218 = arith.constant 0 : index
      %get3A_219 = vector.load %arg5[%get3A_217, %get3A_218] : memref<32x2048xf32, #tpu.memory_space<vmem>>, vector<32x2048xf32>
      %add3A_220 = arith.constant 0.000000e+00 : f32
      %add3A_221 = vector.broadcast %add3A_220 : f32 to vector<32x2048xf32>
      %add3A_222 = arith.addf %add3A_221, %dot_general3A_114 : vector<32x2048xf32>
      %add3A_223 = arith.addf %add3A_222, %dot_general3A_148 : vector<32x2048xf32>
      %add3A_224 = arith.addf %add3A_223, %dot_general3A_182 : vector<32x2048xf32>
      %add3A_225 = arith.addf %add3A_224, %dot_general3A_216 : vector<32x2048xf32>
      %add3A_226 = arith.addf %get3A_219, %add3A_225 : vector<32x2048xf32>
      %swap3A_227 = arith.constant 0 : index
      %swap3A_228 = arith.constant 0 : index
      %swap3A_229 = vector.load %arg5[%swap3A_227, %swap3A_228] : memref<32x2048xf32, #tpu.memory_space<vmem>>, vector<32x2048xf32>
      tpu.vector_store %arg5[%swap3A_227, %swap3A_228], %add3A_226 {strides = array<i32>} : memref<32x2048xf32, #tpu.memory_space<vmem>>, vector<32x2048xf32>,
      %lt3A = arith.cmpi slt, %while3A_84, %arg0 : i32
      %convert_element_type3A_230 = arith.extui %lt3A : i1 to i32
      %cond3A_231 = arith.constant 0 : i32
      %cond3A_232 = arith.cmpi ne, %convert_element_type3A_230, %cond3A_231 : i32
      scf.if %cond3A_232 {
        %dot_general3A_233 = arith.constant dense<0.000000e+00> : vector<32x512xf32>
        %dot_general3A_234 = tpu.matmul %get3A_12, %convert_element_type3A_107, %dot_general3A_233 {dimension_numbers = #tpu.dot_dimension_numbers<[1], [1], [0], [0], [0, 0, 1, 0], [], []>, transpose_lhs_hint = false} : vector<32x2048xbf16>, vector<512x2048xbf16>, vector<32x512xf32> -> vector<32x512xf32>
        %mul3A_235 = arith.constant 4 : i32
        %mul3A_236 = arith.muli %mul3A_235, %while3A_84 : i32
        %add3A_237 = arith.constant 0 : i32
        %add3A_238 = arith.addi %mul3A_236, %add3A_237 : i32
        %get3A_239 = arith.index_cast %add3A_238 : i32 to index
        %get3A_240 = arith.constant 0 : index
        %get3A_241 = arith.constant 0 : index
        %get3A_242 = vector.load %arg7[%get3A_239, %get3A_240, %get3A_241] : memref<32x32x512xf32, #tpu.memory_space<vmem>>, vector<1x32x512xf32>
        %get3A_243 = vector.shape_cast %get3A_242 : vector<1x32x512xf32> to vector<32x512xf32>
        %add3A_244 = arith.addf %get3A_243, %dot_general3A_234 : vector<32x512xf32>
        %swap3A_245 = arith.index_cast %add3A_238 : i32 to index
        %swap3A_246 = arith.constant 0 : index
        %swap3A_247 = arith.constant 0 : index
        %swap3A_248 = vector.load %arg7[%swap3A_245, %swap3A_246, %swap3A_247] : memref<32x32x512xf32, #tpu.memory_space<vmem>>, vector<1x32x512xf32>
        %swap3A_249 = vector.shape_cast %swap3A_248 : vector<1x32x512xf32> to vector<32x512xf32>
        %swap3A_250 = vector.shape_cast %add3A_244 : vector<32x512xf32> to vector<1x32x512xf32>
        tpu.vector_store %arg7[%swap3A_245, %swap3A_246, %swap3A_247], %swap3A_250 {strides = array<i32>} : memref<32x32x512xf32, #tpu.memory_space<vmem>>, vector<1x32x512xf32>,
        %dot_general3A_251 = arith.constant dense<0.000000e+00> : vector<32x512xf32>
        %dot_general3A_252 = tpu.matmul %get3A_12, %convert_element_type3A_141, %dot_general3A_251 {dimension_numbers = #tpu.dot_dimension_numbers<[1], [1], [0], [0], [0, 0, 1, 0], [], []>, transpose_lhs_hint = false} : vector<32x2048xbf16>, vector<512x2048xbf16>, vector<32x512xf32> -> vector<32x512xf32>
        %mul3A_253 = arith.constant 4 : i32
        %mul3A_254 = arith.muli %mul3A_253, %while3A_84 : i32
        %add3A_255 = arith.constant 1 : i32
        %add3A_256 = arith.addi %mul3A_254, %add3A_255 : i32
        %get3A_257 = arith.index_cast %add3A_256 : i32 to index
        %get3A_258 = arith.constant 0 : index
        %get3A_259 = arith.constant 0 : index
        %get3A_260 = vector.load %arg7[%get3A_257, %get3A_258, %get3A_259] : memref<32x32x512xf32, #tpu.memory_space<vmem>>, vector<1x32x512xf32>
        %get3A_261 = vector.shape_cast %get3A_260 : vector<1x32x512xf32> to vector<32x512xf32>
        %add3A_262 = arith.addf %get3A_261, %dot_general3A_252 : vector<32x512xf32>
        %swap3A_263 = arith.index_cast %add3A_256 : i32 to index
        %swap3A_264 = arith.constant 0 : index
        %swap3A_265 = arith.constant 0 : index
        %swap3A_266 = vector.load %arg7[%swap3A_263, %swap3A_264, %swap3A_265] : memref<32x32x512xf32, #tpu.memory_space<vmem>>, vector<1x32x512xf32>
        %swap3A_267 = vector.shape_cast %swap3A_266 : vector<1x32x512xf32> to vector<32x512xf32>
        %swap3A_268 = vector.shape_cast %add3A_262 : vector<32x512xf32> to vector<1x32x512xf32>
        tpu.vector_store %arg7[%swap3A_263, %swap3A_264, %swap3A_265], %swap3A_268 {strides = array<i32>} : memref<32x32x512xf32, #tpu.memory_space<vmem>>, vector<1x32x512xf32>,
        %dot_general3A_269 = arith.constant dense<0.000000e+00> : vector<32x512xf32>
        %dot_general3A_270 = tpu.matmul %get3A_12, %convert_element_type3A_175, %dot_general3A_269 {dimension_numbers = #tpu.dot_dimension_numbers<[1], [1], [0], [0], [0, 0, 1, 0], [], []>, transpose_lhs_hint = false} : vector<32x2048xbf16>, vector<512x2048xbf16>, vector<32x512xf32> -> vector<32x512xf32>
        %mul3A_271 = arith.constant 4 : i32
        %mul3A_272 = arith.muli %mul3A_271, %while3A_84 : i32
        %add3A_273 = arith.constant 2 : i32
        %add3A_274 = arith.addi %mul3A_272, %add3A_273 : i32
        %get3A_275 = arith.index_cast %add3A_274 : i32 to index
        %get3A_276 = arith.constant 0 : index
        %get3A_277 = arith.constant 0 : index
        %get3A_278 = vector.load %arg7[%get3A_275, %get3A_276, %get3A_277] : memref<32x32x512xf32, #tpu.memory_space<vmem>>, vector<1x32x512xf32>
        %get3A_279 = vector.shape_cast %get3A_278 : vector<1x32x512xf32> to vector<32x512xf32>
        %add3A_280 = arith.addf %get3A_279, %dot_general3A_270 : vector<32x512xf32>
        %swap3A_281 = arith.index_cast %add3A_274 : i32 to index
        %swap3A_282 = arith.constant 0 : index
        %swap3A_283 = arith.constant 0 : index
        %swap3A_284 = vector.load %arg7[%swap3A_281, %swap3A_282, %swap3A_283] : memref<32x32x512xf32, #tpu.memory_space<vmem>>, vector<1x32x512xf32>
        %swap3A_285 = vector.shape_cast %swap3A_284 : vector<1x32x512xf32> to vector<32x512xf32>
        %swap3A_286 = vector.shape_cast %add3A_280 : vector<32x512xf32> to vector<1x32x512xf32>
        tpu.vector_store %arg7[%swap3A_281, %swap3A_282, %swap3A_283], %swap3A_286 {strides = array<i32>} : memref<32x32x512xf32, #tpu.memory_space<vmem>>, vector<1x32x512xf32>,
        %dot_general3A_287 = arith.constant dense<0.000000e+00> : vector<32x512xf32>
        %dot_general3A_288 = tpu.matmul %get3A_12, %convert_element_type3A_209, %dot_general3A_287 {dimension_numbers = #tpu.dot_dimension_numbers<[1], [1], [0], [0], [0, 0, 1, 0], [], []>, transpose_lhs_hint = false} : vector<32x2048xbf16>, vector<512x2048xbf16>, vector<32x512xf32> -> vector<32x512xf32>
        %mul3A_289 = arith.constant 4 : i32
        %mul3A_290 = arith.muli %mul3A_289, %while3A_84 : i32
        %add3A_291 = arith.constant 3 : i32
        %add3A_292 = arith.addi %mul3A_290, %add3A_291 : i32
        %get3A_293 = arith.index_cast %add3A_292 : i32 to index
        %get3A_294 = arith.constant 0 : index
        %get3A_295 = arith.constant 0 : index
        %get3A_296 = vector.load %arg7[%get3A_293, %get3A_294, %get3A_295] : memref<32x32x512xf32, #tpu.memory_space<vmem>>, vector<1x32x512xf32>
        %get3A_297 = vector.shape_cast %get3A_296 : vector<1x32x512xf32> to vector<32x512xf32>
        %add3A_298 = arith.addf %get3A_297, %dot_general3A_288 : vector<32x512xf32>
        %swap3A_299 = arith.index_cast %add3A_292 : i32 to index
        %swap3A_300 = arith.constant 0 : index
        %swap3A_301 = arith.constant 0 : index
        %swap3A_302 = vector.load %arg7[%swap3A_299, %swap3A_300, %swap3A_301] : memref<32x32x512xf32, #tpu.memory_space<vmem>>, vector<1x32x512xf32>
        %swap3A_303 = vector.shape_cast %swap3A_302 : vector<1x32x512xf32> to vector<32x512xf32>
        %swap3A_304 = vector.shape_cast %add3A_298 : vector<32x512xf32> to vector<1x32x512xf32>
        tpu.vector_store %arg7[%swap3A_299, %swap3A_300, %swap3A_301], %swap3A_304 {strides = array<i32>} : memref<32x32x512xf32, #tpu.memory_space<vmem>>, vector<1x32x512xf32>,
      } else {
      }
    }
    %while3A_26 = arith.constant 1 : i32
    scf.for %while3A_84 = %while3A_24 to %while3A_20 step %while3A_26  : i32 {
      %mul3A_85 = arith.constant 4 : i32
      %mul3A_86 = arith.muli %mul3A_85, %while3A_84 : i32
      %add3A_87 = arith.constant 0 : i32
      %add3A_88 = arith.addi %mul3A_86, %add3A_87 : i32
      %mul3A_89 = arith.constant 512 : i32
      %mul3A_90 = arith.muli %add3A_88, %mul3A_89 : i32
      %get3A_91 = arith.index_cast %mul3A_90 : i32 to index
      %get3A_92 = arith.constant 0 : index
      %get3A_93 = vector.load %arg1[%get3A_91, %get3A_92] : memref<16384x512xf32, #tpu.memory_space<vmem>>, vector<512x512xf32>
      %mul3A_94 = arith.mulf %get3A_93, %get3A_93 : vector<512x512xf32>
      %reduce_sum3A = arith.constant dense<0.000000e+00> : vector<512xf32>
      %reduce_sum3A_95 = vector.multi_reduction <add>, %mul3A_94, %reduce_sum3A [1] : vector<512x512xf32> to vector<512xf32>
      %broadcast_in_dim3A_96 = vector.shape_cast %reduce_sum3A_95 : vector<512xf32> to vector<512x1xf32>
      %dot_general3A_97 = arith.constant dense<0.000000e+00> : vector<512x2048xf32>
      %dot_general3A_98 = tpu.matmul %get3A_93, %get3A_4, %dot_general3A_97 {dimension_numbers = #tpu.dot_dimension_numbers<[1], [1], [0], [0], [0, 0, 1, 0], [], []>, transpose_lhs_hint = false} : vector<512x512xf32>, vector<2048x512xf32>, vector<512x2048xf32> -> vector<512x2048xf32>
      %add3A_99 = vector.broadcast %broadcast_in_dim3A_96 : vector<512x1xf32> to vector<512x2048xf32>
      %add3A_100 = vector.broadcast %dot_general3A_7 : vector<1x2048xf32> to vector<512x2048xf32>
      %add3A_101 = arith.addf %add3A_99, %add3A_100 : vector<512x2048xf32>
      %mul3A_102 = arith.constant 2.000000e+00 : f32
      %mul3A_103 = vector.broadcast %mul3A_102 : f32 to vector<512x2048xf32>
      %mul3A_104 = arith.mulf %mul3A_103, %dot_general3A_98 : vector<512x2048xf32>
      %sub3A = arith.subf %add3A_101, %mul3A_104 : vector<512x2048xf32>
      %max3A = arith.constant 0.000000e+00 : f32
      %max3A_105 = vector.broadcast %max3A : f32 to vector<512x2048xf32>
      %max3A_106 = arith.maximumf %sub3A, %max3A_105 : vector<512x2048xf32>
      %sqrt3A = math.sqrt %max3A_106 : vector<512x2048xf32>
      %convert_element_type3A_107 = arith.truncf %sqrt3A : vector<512x2048xf32> to vector<512x2048xbf16>
      %get3A_108 = arith.index_cast %add3A_88 : i32 to index
      %get3A_109 = arith.constant 0 : index
      %get3A_110 = arith.constant 0 : index
      %get3A_111 = vector.load %arg2[%get3A_108, %get3A_109, %get3A_110] : memref<32x32x512xbf16, #tpu.memory_space<vmem>>, vector<1x32x512xbf16>
      %get3A_112 = vector.shape_cast %get3A_111 : vector<1x32x512xbf16> to vector<32x512xbf16>
      %dot_general3A_113 = arith.constant dense<0.000000e+00> : vector<32x2048xf32>
      %dot_general3A_114 = tpu.matmul %get3A_112, %convert_element_type3A_107, %dot_general3A_113 {dimension_numbers = #tpu.dot_dimension_numbers<[1], [0], [0], [1], [0, 0, 1, 1], [], []>, transpose_lhs_hint = false} : vector<32x512xbf16>, vector<512x2048xbf16>, vector<32x2048xf32> -> vector<32x2048xf32>
      %mul3A_115 = arith.constant 4 : i32
      %mul3A_116 = arith.muli %mul3A_115, %while3A_84 : i32
      %add3A_117 = arith.constant 1 : i32
      %add3A_118 = arith.addi %mul3A_116, %add3A_117 : i32
      %mul3A_119 = arith.constant 512 : i32
      %mul3A_120 = arith.muli %add3A_118, %mul3A_119 : i32
      %get3A_121 = arith.index_cast %mul3A_120 : i32 to index
      %get3A_122 = arith.constant 0 : index
      %get3A_123 = vector.load %arg1[%get3A_121, %get3A_122] : memref<16384x512xf32, #tpu.memory_space<vmem>>, vector<512x512xf32>
      %mul3A_124 = arith.mulf %get3A_123, %get3A_123 : vector<512x512xf32>
      %reduce_sum3A_125 = arith.constant dense<0.000000e+00> : vector<512xf32>
      %reduce_sum3A_126 = vector.multi_reduction <add>, %mul3A_124, %reduce_sum3A_125 [1] : vector<512x512xf32> to vector<512xf32>
      %broadcast_in_dim3A_127 = vector.shape_cast %reduce_sum3A_126 : vector<512xf32> to vector<512x1xf32>
      %dot_general3A_128 = arith.constant dense<0.000000e+00> : vector<512x2048xf32>
      %dot_general3A_129 = tpu.matmul %get3A_123, %get3A_4, %dot_general3A_128 {dimension_numbers = #tpu.dot_dimension_numbers<[1], [1], [0], [0], [0, 0, 1, 0], [], []>, transpose_lhs_hint = false} : vector<512x512xf32>, vector<2048x512xf32>, vector<512x2048xf32> -> vector<512x2048xf32>
      %add3A_130 = vector.broadcast %broadcast_in_dim3A_127 : vector<512x1xf32> to vector<512x2048xf32>
      %add3A_131 = vector.broadcast %dot_general3A_7 : vector<1x2048xf32> to vector<512x2048xf32>
      %add3A_132 = arith.addf %add3A_130, %add3A_131 : vector<512x2048xf32>
      %mul3A_133 = arith.constant 2.000000e+00 : f32
      %mul3A_134 = vector.broadcast %mul3A_133 : f32 to vector<512x2048xf32>
      %mul3A_135 = arith.mulf %mul3A_134, %dot_general3A_129 : vector<512x2048xf32>
      %sub3A_136 = arith.subf %add3A_132, %mul3A_135 : vector<512x2048xf32>
      %max3A_137 = arith.constant 0.000000e+00 : f32
      %max3A_138 = vector.broadcast %max3A_137 : f32 to vector<512x2048xf32>
      %max3A_139 = arith.maximumf %sub3A_136, %max3A_138 : vector<512x2048xf32>
      %sqrt3A_140 = math.sqrt %max3A_139 : vector<512x2048xf32>
      %convert_element_type3A_141 = arith.truncf %sqrt3A_140 : vector<512x2048xf32> to vector<512x2048xbf16>
      %get3A_142 = arith.index_cast %add3A_118 : i32 to index
      %get3A_143 = arith.constant 0 : index
      %get3A_144 = arith.constant 0 : index
      %get3A_145 = vector.load %arg2[%get3A_142, %get3A_143, %get3A_144] : memref<32x32x512xbf16, #tpu.memory_space<vmem>>, vector<1x32x512xbf16>
      %get3A_146 = vector.shape_cast %get3A_145 : vector<1x32x512xbf16> to vector<32x512xbf16>
      %dot_general3A_147 = arith.constant dense<0.000000e+00> : vector<32x2048xf32>
      %dot_general3A_148 = tpu.matmul %get3A_146, %convert_element_type3A_141, %dot_general3A_147 {dimension_numbers = #tpu.dot_dimension_numbers<[1], [0], [0], [1], [0, 0, 1, 1], [], []>, transpose_lhs_hint = false} : vector<32x512xbf16>, vector<512x2048xbf16>, vector<32x2048xf32> -> vector<32x2048xf32>
      %mul3A_149 = arith.constant 4 : i32
      %mul3A_150 = arith.muli %mul3A_149, %while3A_84 : i32
      %add3A_151 = arith.constant 2 : i32
      %add3A_152 = arith.addi %mul3A_150, %add3A_151 : i32
      %mul3A_153 = arith.constant 512 : i32
      %mul3A_154 = arith.muli %add3A_152, %mul3A_153 : i32
      %get3A_155 = arith.index_cast %mul3A_154 : i32 to index
      %get3A_156 = arith.constant 0 : index
      %get3A_157 = vector.load %arg1[%get3A_155, %get3A_156] : memref<16384x512xf32, #tpu.memory_space<vmem>>, vector<512x512xf32>
      %mul3A_158 = arith.mulf %get3A_157, %get3A_157 : vector<512x512xf32>
      %reduce_sum3A_159 = arith.constant dense<0.000000e+00> : vector<512xf32>
      %reduce_sum3A_160 = vector.multi_reduction <add>, %mul3A_158, %reduce_sum3A_159 [1] : vector<512x512xf32> to vector<512xf32>
      %broadcast_in_dim3A_161 = vector.shape_cast %reduce_sum3A_160 : vector<512xf32> to vector<512x1xf32>
      %dot_general3A_162 = arith.constant dense<0.000000e+00> : vector<512x2048xf32>
      %dot_general3A_163 = tpu.matmul %get3A_157, %get3A_4, %dot_general3A_162 {dimension_numbers = #tpu.dot_dimension_numbers<[1], [1], [0], [0], [0, 0, 1, 0], [], []>, transpose_lhs_hint = false} : vector<512x512xf32>, vector<2048x512xf32>, vector<512x2048xf32> -> vector<512x2048xf32>
      %add3A_164 = vector.broadcast %broadcast_in_dim3A_161 : vector<512x1xf32> to vector<512x2048xf32>
      %add3A_165 = vector.broadcast %dot_general3A_7 : vector<1x2048xf32> to vector<512x2048xf32>
      %add3A_166 = arith.addf %add3A_164, %add3A_165 : vector<512x2048xf32>
      %mul3A_167 = arith.constant 2.000000e+00 : f32
      %mul3A_168 = vector.broadcast %mul3A_167 : f32 to vector<512x2048xf32>
      %mul3A_169 = arith.mulf %mul3A_168, %dot_general3A_163 : vector<512x2048xf32>
      %sub3A_170 = arith.subf %add3A_166, %mul3A_169 : vector<512x2048xf32>
      %max3A_171 = arith.constant 0.000000e+00 : f32
      %max3A_172 = vector.broadcast %max3A_171 : f32 to vector<512x2048xf32>
      %max3A_173 = arith.maximumf %sub3A_170, %max3A_172 : vector<512x2048xf32>
      %sqrt3A_174 = math.sqrt %max3A_173 : vector<512x2048xf32>
      %convert_element_type3A_175 = arith.truncf %sqrt3A_174 : vector<512x2048xf32> to vector<512x2048xbf16>
      %get3A_176 = arith.index_cast %add3A_152 : i32 to index
      %get3A_177 = arith.constant 0 : index
      %get3A_178 = arith.constant 0 : index
      %get3A_179 = vector.load %arg2[%get3A_176, %get3A_177, %get3A_178] : memref<32x32x512xbf16, #tpu.memory_space<vmem>>, vector<1x32x512xbf16>
      %get3A_180 = vector.shape_cast %get3A_179 : vector<1x32x512xbf16> to vector<32x512xbf16>
      %dot_general3A_181 = arith.constant dense<0.000000e+00> : vector<32x2048xf32>
      %dot_general3A_182 = tpu.matmul %get3A_180, %convert_element_type3A_175, %dot_general3A_181 {dimension_numbers = #tpu.dot_dimension_numbers<[1], [0], [0], [1], [0, 0, 1, 1], [], []>, transpose_lhs_hint = false} : vector<32x512xbf16>, vector<512x2048xbf16>, vector<32x2048xf32> -> vector<32x2048xf32>
      %mul3A_183 = arith.constant 4 : i32
      %mul3A_184 = arith.muli %mul3A_183, %while3A_84 : i32
      %add3A_185 = arith.constant 3 : i32
      %add3A_186 = arith.addi %mul3A_184, %add3A_185 : i32
      %mul3A_187 = arith.constant 512 : i32
      %mul3A_188 = arith.muli %add3A_186, %mul3A_187 : i32
      %get3A_189 = arith.index_cast %mul3A_188 : i32 to index
      %get3A_190 = arith.constant 0 : index
      %get3A_191 = vector.load %arg1[%get3A_189, %get3A_190] : memref<16384x512xf32, #tpu.memory_space<vmem>>, vector<512x512xf32>
      %mul3A_192 = arith.mulf %get3A_191, %get3A_191 : vector<512x512xf32>
      %reduce_sum3A_193 = arith.constant dense<0.000000e+00> : vector<512xf32>
      %reduce_sum3A_194 = vector.multi_reduction <add>, %mul3A_192, %reduce_sum3A_193 [1] : vector<512x512xf32> to vector<512xf32>
      %broadcast_in_dim3A_195 = vector.shape_cast %reduce_sum3A_194 : vector<512xf32> to vector<512x1xf32>
      %dot_general3A_196 = arith.constant dense<0.000000e+00> : vector<512x2048xf32>
      %dot_general3A_197 = tpu.matmul %get3A_191, %get3A_4, %dot_general3A_196 {dimension_numbers = #tpu.dot_dimension_numbers<[1], [1], [0], [0], [0, 0, 1, 0], [], []>, transpose_lhs_hint = false} : vector<512x512xf32>, vector<2048x512xf32>, vector<512x2048xf32> -> vector<512x2048xf32>
      %add3A_198 = vector.broadcast %broadcast_in_dim3A_195 : vector<512x1xf32> to vector<512x2048xf32>
      %add3A_199 = vector.broadcast %dot_general3A_7 : vector<1x2048xf32> to vector<512x2048xf32>
      %add3A_200 = arith.addf %add3A_198, %add3A_199 : vector<512x2048xf32>
      %mul3A_201 = arith.constant 2.000000e+00 : f32
      %mul3A_202 = vector.broadcast %mul3A_201 : f32 to vector<512x2048xf32>
      %mul3A_203 = arith.mulf %mul3A_202, %dot_general3A_197 : vector<512x2048xf32>
      %sub3A_204 = arith.subf %add3A_200, %mul3A_203 : vector<512x2048xf32>
      %max3A_205 = arith.constant 0.000000e+00 : f32
      %max3A_206 = vector.broadcast %max3A_205 : f32 to vector<512x2048xf32>
      %max3A_207 = arith.maximumf %sub3A_204, %max3A_206 : vector<512x2048xf32>
      %sqrt3A_208 = math.sqrt %max3A_207 : vector<512x2048xf32>
      %convert_element_type3A_209 = arith.truncf %sqrt3A_208 : vector<512x2048xf32> to vector<512x2048xbf16>
      %get3A_210 = arith.index_cast %add3A_186 : i32 to index
      %get3A_211 = arith.constant 0 : index
      %get3A_212 = arith.constant 0 : index
      %get3A_213 = vector.load %arg2[%get3A_210, %get3A_211, %get3A_212] : memref<32x32x512xbf16, #tpu.memory_space<vmem>>, vector<1x32x512xbf16>
      %get3A_214 = vector.shape_cast %get3A_213 : vector<1x32x512xbf16> to vector<32x512xbf16>
      %dot_general3A_215 = arith.constant dense<0.000000e+00> : vector<32x2048xf32>
      %dot_general3A_216 = tpu.matmul %get3A_214, %convert_element_type3A_209, %dot_general3A_215 {dimension_numbers = #tpu.dot_dimension_numbers<[1], [0], [0], [1], [0, 0, 1, 1], [], []>, transpose_lhs_hint = false} : vector<32x512xbf16>, vector<512x2048xbf16>, vector<32x2048xf32> -> vector<32x2048xf32>
      %get3A_217 = arith.constant 0 : index
      %get3A_218 = arith.constant 0 : index
      %get3A_219 = vector.load %arg5[%get3A_217, %get3A_218] : memref<32x2048xf32, #tpu.memory_space<vmem>>, vector<32x2048xf32>
      %add3A_220 = arith.constant 0.000000e+00 : f32
      %add3A_221 = vector.broadcast %add3A_220 : f32 to vector<32x2048xf32>
      %add3A_222 = arith.addf %add3A_221, %dot_general3A_114 : vector<32x2048xf32>
      %add3A_223 = arith.addf %add3A_222, %dot_general3A_148 : vector<32x2048xf32>
      %add3A_224 = arith.addf %add3A_223, %dot_general3A_182 : vector<32x2048xf32>
      %add3A_225 = arith.addf %add3A_224, %dot_general3A_216 : vector<32x2048xf32>
      %add3A_226 = arith.addf %get3A_219, %add3A_225 : vector<32x2048xf32>
      %swap3A_227 = arith.constant 0 : index
      %swap3A_228 = arith.constant 0 : index
      %swap3A_229 = vector.load %arg5[%swap3A_227, %swap3A_228] : memref<32x2048xf32, #tpu.memory_space<vmem>>, vector<32x2048xf32>
      tpu.vector_store %arg5[%swap3A_227, %swap3A_228], %add3A_226 {strides = array<i32>} : memref<32x2048xf32, #tpu.memory_space<vmem>>, vector<32x2048xf32>,
      %lt3A = arith.cmpi slt, %while3A_84, %arg0 : i32
      %convert_element_type3A_230 = arith.extui %lt3A : i1 to i32
      %cond3A_231 = arith.constant 0 : i32
      %cond3A_232 = arith.cmpi ne, %convert_element_type3A_230, %cond3A_231 : i32
      scf.if %cond3A_232 {
        %dot_general3A_233 = arith.constant dense<0.000000e+00> : vector<32x512xf32>
        %dot_general3A_234 = tpu.matmul %get3A_12, %convert_element_type3A_107, %dot_general3A_233 {dimension_numbers = #tpu.dot_dimension_numbers<[1], [1], [0], [0], [0, 0, 1, 0], [], []>, transpose_lhs_hint = false} : vector<32x2048xbf16>, vector<512x2048xbf16>, vector<32x512xf32> -> vector<32x512xf32>
        %mul3A_235 = arith.constant 4 : i32
        %mul3A_236 = arith.muli %mul3A_235, %while3A_84 : i32
        %add3A_237 = arith.constant 0 : i32
        %add3A_238 = arith.addi %mul3A_236, %add3A_237 : i32
        %get3A_239 = arith.index_cast %add3A_238 : i32 to index
        %get3A_240 = arith.constant 0 : index
        %get3A_241 = arith.constant 0 : index
        %get3A_242 = vector.load %arg7[%get3A_239, %get3A_240, %get3A_241] : memref<32x32x512xf32, #tpu.memory_space<vmem>>, vector<1x32x512xf32>
        %get3A_243 = vector.shape_cast %get3A_242 : vector<1x32x512xf32> to vector<32x512xf32>
        %add3A_244 = arith.addf %get3A_243, %dot_general3A_234 : vector<32x512xf32>
        %swap3A_245 = arith.index_cast %add3A_238 : i32 to index
        %swap3A_246 = arith.constant 0 : index
        %swap3A_247 = arith.constant 0 : index
        %swap3A_248 = vector.load %arg7[%swap3A_245, %swap3A_246, %swap3A_247] : memref<32x32x512xf32, #tpu.memory_space<vmem>>, vector<1x32x512xf32>
        %swap3A_249 = vector.shape_cast %swap3A_248 : vector<1x32x512xf32> to vector<32x512xf32>
        %swap3A_250 = vector.shape_cast %add3A_244 : vector<32x512xf32> to vector<1x32x512xf32>
        tpu.vector_store %arg7[%swap3A_245, %swap3A_246, %swap3A_247], %swap3A_250 {strides = array<i32>} : memref<32x32x512xf32, #tpu.memory_space<vmem>>, vector<1x32x512xf32>,
        %dot_general3A_251 = arith.constant dense<0.000000e+00> : vector<32x512xf32>
        %dot_general3A_252 = tpu.matmul %get3A_12, %convert_element_type3A_141, %dot_general3A_251 {dimension_numbers = #tpu.dot_dimension_numbers<[1], [1], [0], [0], [0, 0, 1, 0], [], []>, transpose_lhs_hint = false} : vector<32x2048xbf16>, vector<512x2048xbf16>, vector<32x512xf32> -> vector<32x512xf32>
        %mul3A_253 = arith.constant 4 : i32
        %mul3A_254 = arith.muli %mul3A_253, %while3A_84 : i32
        %add3A_255 = arith.constant 1 : i32
        %add3A_256 = arith.addi %mul3A_254, %add3A_255 : i32
        %get3A_257 = arith.index_cast %add3A_256 : i32 to index
        %get3A_258 = arith.constant 0 : index
        %get3A_259 = arith.constant 0 : index
        %get3A_260 = vector.load %arg7[%get3A_257, %get3A_258, %get3A_259] : memref<32x32x512xf32, #tpu.memory_space<vmem>>, vector<1x32x512xf32>
        %get3A_261 = vector.shape_cast %get3A_260 : vector<1x32x512xf32> to vector<32x512xf32>
        %add3A_262 = arith.addf %get3A_261, %dot_general3A_252 : vector<32x512xf32>
        %swap3A_263 = arith.index_cast %add3A_256 : i32 to index
        %swap3A_264 = arith.constant 0 : index
        %swap3A_265 = arith.constant 0 : index
        %swap3A_266 = vector.load %arg7[%swap3A_263, %swap3A_264, %swap3A_265] : memref<32x32x512xf32, #tpu.memory_space<vmem>>, vector<1x32x512xf32>
        %swap3A_267 = vector.shape_cast %swap3A_266 : vector<1x32x512xf32> to vector<32x512xf32>
        %swap3A_268 = vector.shape_cast %add3A_262 : vector<32x512xf32> to vector<1x32x512xf32>
        tpu.vector_store %arg7[%swap3A_263, %swap3A_264, %swap3A_265], %swap3A_268 {strides = array<i32>} : memref<32x32x512xf32, #tpu.memory_space<vmem>>, vector<1x32x512xf32>,
        %dot_general3A_269 = arith.constant dense<0.000000e+00> : vector<32x512xf32>
        %dot_general3A_270 = tpu.matmul %get3A_12, %convert_element_type3A_175, %dot_general3A_269 {dimension_numbers = #tpu.dot_dimension_numbers<[1], [1], [0], [0], [0, 0, 1, 0], [], []>, transpose_lhs_hint = false} : vector<32x2048xbf16>, vector<512x2048xbf16>, vector<32x512xf32> -> vector<32x512xf32>
        %mul3A_271 = arith.constant 4 : i32
        %mul3A_272 = arith.muli %mul3A_271, %while3A_84 : i32
        %add3A_273 = arith.constant 2 : i32
        %add3A_274 = arith.addi %mul3A_272, %add3A_273 : i32
        %get3A_275 = arith.index_cast %add3A_274 : i32 to index
        %get3A_276 = arith.constant 0 : index
        %get3A_277 = arith.constant 0 : index
        %get3A_278 = vector.load %arg7[%get3A_275, %get3A_276, %get3A_277] : memref<32x32x512xf32, #tpu.memory_space<vmem>>, vector<1x32x512xf32>
        %get3A_279 = vector.shape_cast %get3A_278 : vector<1x32x512xf32> to vector<32x512xf32>
        %add3A_280 = arith.addf %get3A_279, %dot_general3A_270 : vector<32x512xf32>
        %swap3A_281 = arith.index_cast %add3A_274 : i32 to index
        %swap3A_282 = arith.constant 0 : index
        %swap3A_283 = arith.constant 0 : index
        %swap3A_284 = vector.load %arg7[%swap3A_281, %swap3A_282, %swap3A_283] : memref<32x32x512xf32, #tpu.memory_space<vmem>>, vector<1x32x512xf32>
        %swap3A_285 = vector.shape_cast %swap3A_284 : vector<1x32x512xf32> to vector<32x512xf32>
        %swap3A_286 = vector.shape_cast %add3A_280 : vector<32x512xf32> to vector<1x32x512xf32>
        tpu.vector_store %arg7[%swap3A_281, %swap3A_282, %swap3A_283], %swap3A_286 {strides = array<i32>} : memref<32x32x512xf32, #tpu.memory_space<vmem>>, vector<1x32x512xf32>,
        %dot_general3A_287 = arith.constant dense<0.000000e+00> : vector<32x512xf32>
        %dot_general3A_288 = tpu.matmul %get3A_12, %convert_element_type3A_209, %dot_general3A_287 {dimension_numbers = #tpu.dot_dimension_numbers<[1], [1], [0], [0], [0, 0, 1, 0], [], []>, transpose_lhs_hint = false} : vector<32x2048xbf16>, vector<512x2048xbf16>, vector<32x512xf32> -> vector<32x512xf32>
        %mul3A_289 = arith.constant 4 : i32
        %mul3A_290 = arith.muli %mul3A_289, %while3A_84 : i32
        %add3A_291 = arith.constant 3 : i32
        %add3A_292 = arith.addi %mul3A_290, %add3A_291 : i32
        %get3A_293 = arith.index_cast %add3A_292 : i32 to index
        %get3A_294 = arith.constant 0 : index
        %get3A_295 = arith.constant 0 : index
        %get3A_296 = vector.load %arg7[%get3A_293, %get3A_294, %get3A_295] : memref<32x32x512xf32, #tpu.memory_space<vmem>>, vector<1x32x512xf32>
        %get3A_297 = vector.shape_cast %get3A_296 : vector<1x32x512xf32> to vector<32x512xf32>
        %add3A_298 = arith.addf %get3A_297, %dot_general3A_288 : vector<32x512xf32>
        %swap3A_299 = arith.index_cast %add3A_292 : i32 to index
        %swap3A_300 = arith.constant 0 : index
        %swap3A_301 = arith.constant 0 : index
        %swap3A_302 = vector.load %arg7[%swap3A_299, %swap3A_300, %swap3A_301] : memref<32x32x512xf32, #tpu.memory_space<vmem>>, vector<1x32x512xf32>
        %swap3A_303 = vector.shape_cast %swap3A_302 : vector<1x32x512xf32> to vector<32x512xf32>
        %swap3A_304 = vector.shape_cast %add3A_298 : vector<32x512xf32> to vector<1x32x512xf32>
        tpu.vector_store %arg7[%swap3A_299, %swap3A_300, %swap3A_301], %swap3A_304 {strides = array<i32>} : memref<32x32x512xf32, #tpu.memory_space<vmem>>, vector<1x32x512xf32>,
      } else {
      }
    }
    %get3A_27 = arith.constant 0 : index
    %get3A_28 = arith.constant 0 : index
    %get3A_29 = vector.load %arg5[%get3A_27, %get3A_28] : memref<32x2048xf32, #tpu.memory_space<vmem>>, vector<32x512xf32>
    %mul3A_30 = arith.constant 4 : i32
    %mul3A_31 = arith.muli %arg0, %mul3A_30 : i32
    %add3A_32 = arith.constant 0 : i32
    %add3A_33 = arith.addi %mul3A_31, %add3A_32 : i32
    %swap3A_34 = arith.index_cast %add3A_33 : i32 to index
    %swap3A_35 = arith.constant 0 : index
    %swap3A_36 = arith.constant 0 : index
    %swap3A_37 = vector.load %arg6[%swap3A_34, %swap3A_35, %swap3A_36] : memref<32x32x512xf32, #tpu.memory_space<vmem>>, vector<1x32x512xf32>
    %swap3A_38 = vector.shape_cast %swap3A_37 : vector<1x32x512xf32> to vector<32x512xf32>
    %swap3A_39 = vector.shape_cast %get3A_29 : vector<32x512xf32> to vector<1x32x512xf32>
    tpu.vector_store %arg6[%swap3A_34, %swap3A_35, %swap3A_36], %swap3A_39 {strides = array<i32>} : memref<32x32x512xf32, #tpu.memory_space<vmem>>, vector<1x32x512xf32>,
    %get3A_40 = arith.constant 0 : index
    %get3A_41 = arith.constant 512 : index
    %get3A_42 = vector.load %arg5[%get3A_40, %get3A_41] : memref<32x2048xf32, #tpu.memory_space<vmem>>, vector<32x512xf32>
    %mul3A_43 = arith.constant 4 : i32
    %mul3A_44 = arith.muli %arg0, %mul3A_43 : i32
    %add3A_45 = arith.constant 1 : i32
    %add3A_46 = arith.addi %mul3A_44, %add3A_45 : i32
    %swap3A_47 = arith.index_cast %add3A_46 : i32 to index
    %swap3A_48 = arith.constant 0 : index
    %swap3A_49 = arith.constant 0 : index
    %swap3A_50 = vector.load %arg6[%swap3A_47, %swap3A_48, %swap3A_49] : memref<32x32x512xf32, #tpu.memory_space<vmem>>, vector<1x32x512xf32>
    %swap3A_51 = vector.shape_cast %swap3A_50 : vector<1x32x512xf32> to vector<32x512xf32>
    %swap3A_52 = vector.shape_cast %get3A_42 : vector<32x512xf32> to vector<1x32x512xf32>
    tpu.vector_store %arg6[%swap3A_47, %swap3A_48, %swap3A_49], %swap3A_52 {strides = array<i32>} : memref<32x32x512xf32, #tpu.memory_space<vmem>>, vector<1x32x512xf32>,
    %get3A_53 = arith.constant 0 : index
    %get3A_54 = arith.constant 1024 : index
    %get3A_55 = vector.load %arg5[%get3A_53, %get3A_54] : memref<32x2048xf32, #tpu.memory_space<vmem>>, vector<32x512xf32>
    %mul3A_56 = arith.constant 4 : i32
    %mul3A_57 = arith.muli %arg0, %mul3A_56 : i32
    %add3A_58 = arith.constant 2 : i32
    %add3A_59 = arith.addi %mul3A_57, %add3A_58 : i32
    %swap3A_60 = arith.index_cast %add3A_59 : i32 to index
    %swap3A_61 = arith.constant 0 : index
    %swap3A_62 = arith.constant 0 : index
    %swap3A_63 = vector.load %arg6[%swap3A_60, %swap3A_61, %swap3A_62] : memref<32x32x512xf32, #tpu.memory_space<vmem>>, vector<1x32x512xf32>
    %swap3A_64 = vector.shape_cast %swap3A_63 : vector<1x32x512xf32> to vector<32x512xf32>
    %swap3A_65 = vector.shape_cast %get3A_55 : vector<32x512xf32> to vector<1x32x512xf32>
    tpu.vector_store %arg6[%swap3A_60, %swap3A_61, %swap3A_62], %swap3A_65 {strides = array<i32>} : memref<32x32x512xf32, #tpu.memory_space<vmem>>, vector<1x32x512xf32>,
    %get3A_66 = arith.constant 0 : index
    %get3A_67 = arith.constant 1536 : index
    %get3A_68 = vector.load %arg5[%get3A_66, %get3A_67] : memref<32x2048xf32, #tpu.memory_space<vmem>>, vector<32x512xf32>
    %mul3A_69 = arith.constant 4 : i32
    %mul3A_70 = arith.muli %arg0, %mul3A_69 : i32
    %add3A_71 = arith.constant 3 : i32
    %add3A_72 = arith.addi %mul3A_70, %add3A_71 : i32
    %swap3A_73 = arith.index_cast %add3A_72 : i32 to index
    %swap3A_74 = arith.constant 0 : index
    %swap3A_75 = arith.constant 0 : index
    %swap3A_76 = vector.load %arg6[%swap3A_73, %swap3A_74, %swap3A_75] : memref<32x32x512xf32, #tpu.memory_space<vmem>>, vector<1x32x512xf32>
    %swap3A_77 = vector.shape_cast %swap3A_76 : vector<1x32x512xf32> to vector<32x512xf32>
    %swap3A_78 = vector.shape_cast %get3A_68 : vector<32x512xf32> to vector<1x32x512xf32>
    tpu.vector_store %arg6[%swap3A_73, %swap3A_74, %swap3A_75], %swap3A_78 {strides = array<i32>} : memref<32x32x512xf32, #tpu.memory_space<vmem>>, vector<1x32x512xf32>,
    %eq3A_79 = arith.constant 7 : i32
    %eq3A_80 = arith.cmpi eq, %arg0, %eq3A_79 : i32
    %convert_element_type3A_81 = arith.extui %eq3A_80 : i1 to i32
    %cond3A_82 = arith.constant 0 : i32
    %cond3A_83 = arith.cmpi ne, %convert_element_type3A_81, %cond3A_82 : i32
    scf.if %cond3A_83 {
      %iota3A = tpu.iota {dimensions = array<i32: 1>} : vector<32x512xi32>
      %broadcast_in_dim3A_84 = arith.constant 0x7F800000 : f32
      %broadcast_in_dim3A_85 = vector.broadcast %broadcast_in_dim3A_84 : f32 to vector<32x1xf32>
      %broadcast_in_dim3A_86 = arith.constant 0 : i32
      %broadcast_in_dim3A_87 = vector.broadcast %broadcast_in_dim3A_86 : i32 to vector<32x1xi32>
      %scan3A = arith.constant 0 : i32
      %scan3A_88 = arith.constant 32 : i32
      %scan3A_89 = arith.addi %scan3A, %scan3A_88 : i32
      %scan3A_90 = arith.constant 1 : i32
      %scan3A_91:2 = scf.for %scan3A_104 = %scan3A to %scan3A_89 step %scan3A_90 iter_args(%scan3A_105 = %broadcast_in_dim3A_85, %scan3A_106 = %broadcast_in_dim3A_87) -> (vector<32x1xf32>, vector<32x1xi32>)  : i32 {
        %get3A_107 = arith.index_cast %scan3A_104 : i32 to index
        %get3A_108 = arith.constant 0 : index
        %get3A_109 = arith.constant 0 : index
        %get3A_110 = vector.load %arg6[%get3A_107, %get3A_108, %get3A_109] : memref<32x32x512xf32, #tpu.memory_space<vmem>>, vector<1x32x512xf32>
        %get3A_111 = vector.shape_cast %get3A_110 : vector<1x32x512xf32> to vector<32x512xf32>
        %get3A_112 = arith.index_cast %scan3A_104 : i32 to index
        %get3A_113 = arith.constant 0 : index
        %get3A_114 = arith.constant 0 : index
        %get3A_115 = vector.load %arg7[%get3A_112, %get3A_113, %get3A_114] : memref<32x32x512xf32, #tpu.memory_space<vmem>>, vector<1x32x512xf32>
        %get3A_116 = vector.shape_cast %get3A_115 : vector<1x32x512xf32> to vector<32x512xf32>
        %add3A_117 = arith.addf %get3A_111, %get3A_116 : vector<32x512xf32>
        %get3A_118 = arith.index_cast %scan3A_104 : i32 to index
        %get3A_119 = arith.constant 0 : index
        %get3A_120 = arith.constant 0 : index
        %get3A_121 = vector.load %arg2[%get3A_118, %get3A_119, %get3A_120] : memref<32x32x512xbf16, #tpu.memory_space<vmem>>, vector<1x32x512xbf16>
        %get3A_122 = vector.shape_cast %get3A_121 : vector<1x32x512xbf16> to vector<32x512xbf16>
        %gt3A = arith.constant 0.000000e+00 : bf16
        %gt3A_123 = vector.broadcast %gt3A : bf16 to vector<32x512xbf16>
        %gt3A_124 = arith.cmpf ogt, %get3A_122, %gt3A_123 : vector<32x512xbf16>
        %jit3A = arith.constant 0x7F800000 : f32
        %broadcast_in_dim3A_125 = vector.broadcast %jit3A : f32 to vector<32x512xf32>
        %select_n3A = arith.select %gt3A_124, %add3A_117, %broadcast_in_dim3A_125 : vector<32x512xi1>, vector<32x512xf32>
        %reduce_min3A = arith.constant dense<0x7F800000> : vector<32xf32>
        %reduce_min3A_126 = vector.multi_reduction <minimumf>, %select_n3A, %reduce_min3A [1] : vector<32x512xf32> to vector<32xf32>
        %broadcast_in_dim3A_127 = vector.shape_cast %reduce_min3A_126 : vector<32xf32> to vector<32x1xf32>
        %eq3A_128 = vector.broadcast %broadcast_in_dim3A_127 : vector<32x1xf32> to vector<32x512xf32>
        %eq3A_129 = arith.cmpf oeq, %select_n3A, %eq3A_128 : vector<32x512xf32>
        %mul3A_130 = arith.constant 512 : i32
        %mul3A_131 = arith.muli %scan3A_104, %mul3A_130 : i32
        %add3A_132 = vector.broadcast %mul3A_131 : i32 to vector<32x512xi32>
        %add3A_133 = arith.addi %iota3A, %add3A_132 : vector<32x512xi32>
        %jit3A_134 = arith.constant 1073741824 : i32
        %broadcast_in_dim3A_135 = vector.broadcast %jit3A_134 : i32 to vector<32x512xi32>
        %select_n3A_136 = arith.select %eq3A_129, %add3A_133, %broadcast_in_dim3A_135 : vector<32x512xi1>, vector<32x512xi32>
        %reduce_min3A_137 = arith.constant dense<2147483647> : vector<32xi32>
        %reduce_min3A_138 = vector.multi_reduction <minsi>, %select_n3A_136, %reduce_min3A_137 [1] : vector<32x512xi32> to vector<32xi32>
        %broadcast_in_dim3A_139 = vector.shape_cast %reduce_min3A_138 : vector<32xi32> to vector<32x1xi32>
        %lt3A = arith.cmpf olt, %broadcast_in_dim3A_127, %scan3A_105 : vector<32x1xf32>
        %select_n3A_140 = arith.select %lt3A, %broadcast_in_dim3A_127, %scan3A_105 : vector<32x1xi1>, vector<32x1xf32>
        %select_n3A_141 = arith.select %lt3A, %broadcast_in_dim3A_139, %scan3A_106 : vector<32x1xi1>, vector<32x1xi32>
        scf.yield %select_n3A_140, %select_n3A_141 : vector<32x1xf32>, vector<32x1xi32>
      }
      %scan3A_92 = arith.constant 32 : i32
      %broadcast_in_dim3A_93 = arith.constant 0.000000e+00 : f32
      %broadcast_in_dim3A_94 = vector.broadcast %broadcast_in_dim3A_93 : f32 to vector<32x512xf32>
      %scan3A_95 = arith.constant 0 : i32
      %scan3A_96 = arith.constant 32 : i32
      %scan3A_97 = arith.addi %scan3A_95, %scan3A_96 : i32
      %scan3A_98 = arith.constant 1 : i32
      %scan3A_99 = scf.for %scan3A_104 = %scan3A_95 to %scan3A_97 step %scan3A_98 iter_args(%scan3A_105 = %broadcast_in_dim3A_94) -> (vector<32x512xf32>)  : i32 {
        %mul3A_106 = arith.constant 512 : i32
        %mul3A_107 = arith.muli %scan3A_104, %mul3A_106 : i32
        %get3A_108 = arith.index_cast %mul3A_107 : i32 to index
        %get3A_109 = arith.constant 0 : index
        %get3A_110 = vector.load %arg1[%get3A_108, %get3A_109] : memref<16384x512xf32, #tpu.memory_space<vmem>>, vector<512x512xf32>
        %add3A_111 = vector.broadcast %mul3A_107 : i32 to vector<32x512xi32>
        %add3A_112 = arith.addi %iota3A, %add3A_111 : vector<32x512xi32>
        %eq3A_113 = vector.broadcast %scan3A_91#1 : vector<32x1xi32> to vector<32x512xi32>
        %eq3A_114 = arith.cmpi eq, %add3A_112, %eq3A_113 : vector<32x512xi32>
        %convert_element_type3A_115 = arith.extui %eq3A_114 : vector<32x512xi1> to vector<32x512xi32>
        %convert_element_type3A_116 = arith.sitofp %convert_element_type3A_115 : vector<32x512xi32> to vector<32x512xf32>
        %dot_general3A_117 = arith.constant dense<0.000000e+00> : vector<32x512xf32>
        %dot_general3A_118 = tpu.matmul %convert_element_type3A_116, %get3A_110, %dot_general3A_117 {dimension_numbers = #tpu.dot_dimension_numbers<[1], [0], [0], [1], [0, 0, 1, 1], [], []>, precision = #tpu.contract_precision<fp32>, transpose_lhs_hint = false} : vector<32x512xf32>, vector<512x512xf32>, vector<32x512xf32> -> vector<32x512xf32>
        %add3A_119 = arith.addf %scan3A_105, %dot_general3A_118 : vector<32x512xf32>
        scf.yield %add3A_119 : vector<32x512xf32>
      }
      %scan3A_100 = arith.constant 32 : i32
      %swap3A_101 = arith.constant 0 : index
      %swap3A_102 = arith.constant 0 : index
      %swap3A_103 = vector.load %arg4[%swap3A_101, %swap3A_102] : memref<32x512xf32, #tpu.memory_space<vmem>>, vector<32x512xf32>
      tpu.vector_store %arg4[%swap3A_101, %swap3A_102], %scan3A_99 {strides = array<i32>} : memref<32x512xf32, #tpu.memory_space<vmem>>, vector<32x512xf32>,
    } else {
    }
    return
  }
  func.func @transform_0(%arg0: i32) -> (i32, i32) {
    %c0_i32 = arith.constant 0 : i32
    %c0_i32_0 = arith.constant 0 : i32
    %c0_i32_1 = arith.constant 0 : i32
    return %c0_i32, %c0_i32_0 : i32, i32
  }
  func.func @transform_1(%arg0: i32) -> (i32, i32, i32) {
    %c0_i32 = arith.constant 0 : i32
    %c0_i32_0 = arith.constant 0 : i32
    %c0_i32_1 = arith.constant 0 : i32
    %c0_i32_2 = arith.constant 0 : i32
    return %c0_i32, %c0_i32_0, %c0_i32_1 : i32, i32, i32
  }
  func.func @transform_2(%arg0: i32) -> (i32, i32, i32) {
    %c0_i32 = arith.constant 0 : i32
    %c0_i32_0 = arith.constant 0 : i32
    %c0_i32_1 = arith.constant 0 : i32
    %c0_i32_2 = arith.constant 0 : i32
    return %c0_i32, %c0_i32_0, %c0_i32_1 : i32, i32, i32
  }
  func.func @transform_3(%arg0: i32) -> (i32, i32) {
    %c0_i32 = arith.constant 0 : i32
    %c0_i32_0 = arith.constant 0 : i32
    %c0_i32_1 = arith.constant 0 : i32
    return %c0_i32, %c0_i32_0 : i32, i32
  }
}

module attributes {stable_mosaic.version = 14 : i64} {
  func.func @_loss_kernel(%arg0: i32, %arg1: memref<2048x512xbf16, #tpu.memory_space<vmem>>, %arg2: memref<2048x512xbf16, #tpu.memory_space<vmem>>, %arg3: memref<2048x1xi32, #tpu.memory_space<vmem>>, %arg4: memref<2048x1xf32, #tpu.memory_space<vmem>>, %arg5: memref<32x512xf32, #tpu.memory_space<vmem>>, %arg6: memref<1x1xf32, #tpu.memory_space<vmem>>, %arg7: memref<1x1xf32, #tpu.memory_space<vmem>>, %arg8: memref<1x1xf32, #tpu.memory_space<vmem>>) attributes {dimension_semantics = [#tpu.dimension_semantics<arbitrary>], iteration_bounds = array<i64: 8>, scalar_prefetch = 0 : i64, scratch_operands = 2 : i64, tpu.core_type = #tpu.core_type<tc>, window_params = [{transform_indices = @transform_0, window_bounds = array<i64: 2048, 512>}, {transform_indices = @transform_1, window_bounds = array<i64: 2048, 512>}, {transform_indices = @transform_2, window_bounds = array<i64: 2048, 1>}, {transform_indices = @transform_3, window_bounds = array<i64: 2048, 1>}, {pipeline_mode = #tpu.pipeline_mode<synchronous>, transform_indices = @transform_4, window_bounds = array<i64: 32, 512>}, {pipeline_mode = #tpu.pipeline_mode<synchronous>, transform_indices = @transform_5, window_bounds = array<i64: 1, 1>}]} {
    %eq3A = arith.constant 0 : i32
    %eq3A_0 = arith.cmpi eq, %arg0, %eq3A : i32
    %convert_element_type3A = arith.extui %eq3A_0 : i1 to i32
    %cond3A = arith.constant 0 : i32
    %cond3A_1 = arith.cmpi ne, %convert_element_type3A, %cond3A : i32
    scf.if %cond3A_1 {
      %broadcast_in_dim3A_95 = arith.constant 0.000000e+00 : f32
      %broadcast_in_dim3A_96 = vector.broadcast %broadcast_in_dim3A_95 : f32 to vector<1x1xf32>
      %swap3A_97 = arith.constant 0 : index
      %swap3A_98 = arith.constant 0 : index
      %swap3A_99 = vector.load %arg7[%swap3A_97, %swap3A_98] : memref<1x1xf32, #tpu.memory_space<vmem>>, vector<1x1xf32>
      tpu.vector_store %arg7[%swap3A_97, %swap3A_98], %broadcast_in_dim3A_96 {strides = array<i32>} : memref<1x1xf32, #tpu.memory_space<vmem>>, vector<1x1xf32>,
      %broadcast_in_dim3A_100 = arith.constant 0.000000e+00 : f32
      %broadcast_in_dim3A_101 = vector.broadcast %broadcast_in_dim3A_100 : f32 to vector<1x1xf32>
      %swap3A_102 = arith.constant 0 : index
      %swap3A_103 = arith.constant 0 : index
      %swap3A_104 = vector.load %arg8[%swap3A_102, %swap3A_103] : memref<1x1xf32, #tpu.memory_space<vmem>>, vector<1x1xf32>
      tpu.vector_store %arg8[%swap3A_102, %swap3A_103], %broadcast_in_dim3A_101 {strides = array<i32>} : memref<1x1xf32, #tpu.memory_space<vmem>>, vector<1x1xf32>,
    } else {
    }
    %get3A = arith.constant 0 : index
    %get3A_2 = arith.constant 0 : index
    %get3A_3 = vector.load %arg4[%get3A, %get3A_2] : memref<2048x1xf32, #tpu.memory_space<vmem>>, vector<2048x1xf32>
    %get3A_4 = arith.constant 0 : index
    %get3A_5 = arith.constant 0 : index
    %get3A_6 = vector.load %arg5[%get3A_4, %get3A_5] : memref<32x512xf32, #tpu.memory_space<vmem>>, vector<32x512xf32>
    %convert_element_type3A_7 = arith.truncf %get3A_6 : vector<32x512xf32> to vector<32x512xbf16>
    %iota3A = tpu.iota {dimensions = array<i32: 1>} : vector<2048x32xi32>
    %lt3A = arith.constant 28 : i32
    %lt3A_8 = vector.broadcast %lt3A : i32 to vector<2048x32xi32>
    %lt3A_9 = arith.cmpi slt, %iota3A, %lt3A_8 : vector<2048x32xi32>
    %get3A_10 = arith.constant 0 : index
    %get3A_11 = arith.constant 0 : index
    %get3A_12 = vector.load %arg3[%get3A_10, %get3A_11] : memref<2048x1xi32, #tpu.memory_space<vmem>>, vector<2048x1xi32>
    %get3A_13 = arith.constant 0 : index
    %get3A_14 = arith.constant 0 : index
    %get3A_15 = vector.load %arg7[%get3A_13, %get3A_14] : memref<1x1xf32, #tpu.memory_space<vmem>>, vector<1x1xf32>
    %get3A_16 = arith.constant 0 : index
    %get3A_17 = arith.constant 0 : index
    %get3A_18 = vector.load %arg1[%get3A_16, %get3A_17] : memref<2048x512xbf16, #tpu.memory_space<vmem>>, vector<2048x512xbf16>
    %dot_general3A = arith.constant dense<0.000000e+00> : vector<2048x32xf32>
    %dot_general3A_19 = tpu.matmul %get3A_18, %convert_element_type3A_7, %dot_general3A {dimension_numbers = #tpu.dot_dimension_numbers<[1], [1], [0], [0], [0, 0, 1, 0], [], []>, transpose_lhs_hint = false} : vector<2048x512xbf16>, vector<32x512xbf16>, vector<2048x32xf32> -> vector<2048x32xf32>
    %mul3A = arith.constant 14.2857141 : f32
    %mul3A_20 = vector.broadcast %mul3A : f32 to vector<2048x32xf32>
    %mul3A_21 = arith.mulf %dot_general3A_19, %mul3A_20 : vector<2048x32xf32>
    %jit3A = arith.constant 0xFF800000 : f32
    %broadcast_in_dim3A = vector.broadcast %jit3A : f32 to vector<2048x32xf32>
    %select_n3A = arith.select %lt3A_9, %mul3A_21, %broadcast_in_dim3A : vector<2048x32xi1>, vector<2048x32xf32>
    %reduce_max3A = arith.constant dense<0xFF800000> : vector<2048xf32>
    %reduce_max3A_22 = vector.multi_reduction <maximumf>, %select_n3A, %reduce_max3A [1] : vector<2048x32xf32> to vector<2048xf32>
    %broadcast_in_dim3A_23 = vector.shape_cast %reduce_max3A_22 : vector<2048xf32> to vector<2048x1xf32>
    %sub3A = vector.broadcast %broadcast_in_dim3A_23 : vector<2048x1xf32> to vector<2048x32xf32>
    %sub3A_24 = arith.subf %select_n3A, %sub3A : vector<2048x32xf32>
    %exp3A = math.exp %sub3A_24 : vector<2048x32xf32>
    %reduce_sum3A = arith.constant dense<0.000000e+00> : vector<2048xf32>
    %reduce_sum3A_25 = vector.multi_reduction <add>, %exp3A, %reduce_sum3A [1] : vector<2048x32xf32> to vector<2048xf32>
    %broadcast_in_dim3A_26 = vector.shape_cast %reduce_sum3A_25 : vector<2048xf32> to vector<2048x1xf32>
    %log3A = math.log %broadcast_in_dim3A_26 : vector<2048x1xf32>
    %add3A = arith.addf %broadcast_in_dim3A_23, %log3A : vector<2048x1xf32>
    %eq3A_27 = vector.broadcast %get3A_12 : vector<2048x1xi32> to vector<2048x32xi32>
    %eq3A_28 = arith.cmpi eq, %iota3A, %eq3A_27 : vector<2048x32xi32>
    %jit3A_29 = arith.constant 0.000000e+00 : f32
    %broadcast_in_dim3A_30 = vector.broadcast %jit3A_29 : f32 to vector<2048x32xf32>
    %select_n3A_31 = arith.select %eq3A_28, %mul3A_21, %broadcast_in_dim3A_30 : vector<2048x32xi1>, vector<2048x32xf32>
    %reduce_sum3A_32 = arith.constant dense<0.000000e+00> : vector<2048xf32>
    %reduce_sum3A_33 = vector.multi_reduction <add>, %select_n3A_31, %reduce_sum3A_32 [1] : vector<2048x32xf32> to vector<2048xf32>
    %broadcast_in_dim3A_34 = vector.shape_cast %reduce_sum3A_33 : vector<2048xf32> to vector<2048x1xf32>
    %sub3A_35 = arith.subf %add3A, %broadcast_in_dim3A_34 : vector<2048x1xf32>
    %mul3A_36 = arith.mulf %sub3A_35, %get3A_3 : vector<2048x1xf32>
    %reduce_sum3A_37 = vector.shape_cast %mul3A_36 : vector<2048x1xf32> to vector<1x2048x1xf32>
    %reduce_sum3A_38 = arith.constant dense<0.000000e+00> : vector<1xf32>
    %reduce_sum3A_39 = vector.multi_reduction <add>, %reduce_sum3A_37, %reduce_sum3A_38 [1, 2] : vector<1x2048x1xf32> to vector<1xf32>
    %reduce_sum3A_40 = vector.shape_cast %reduce_sum3A_39 : vector<1xf32> to vector<1x1x1xf32>
    %reduce_sum3A_41 = vector.extract %reduce_sum3A_40[0, 0, 0] : f32 from vector<1x1x1xf32>
    %reshape3A = vector.broadcast %reduce_sum3A_41 : f32 to vector<1x1xf32>
    %add3A_42 = arith.addf %get3A_15, %reshape3A : vector<1x1xf32>
    %swap3A = arith.constant 0 : index
    %swap3A_43 = arith.constant 0 : index
    %swap3A_44 = vector.load %arg7[%swap3A, %swap3A_43] : memref<1x1xf32, #tpu.memory_space<vmem>>, vector<1x1xf32>
    tpu.vector_store %arg7[%swap3A, %swap3A_43], %add3A_42 {strides = array<i32>} : memref<1x1xf32, #tpu.memory_space<vmem>>, vector<1x1xf32>,
    %get3A_45 = arith.constant 0 : index
    %get3A_46 = arith.constant 0 : index
    %get3A_47 = vector.load %arg8[%get3A_45, %get3A_46] : memref<1x1xf32, #tpu.memory_space<vmem>>, vector<1x1xf32>
    %get3A_48 = arith.constant 0 : index
    %get3A_49 = arith.constant 0 : index
    %get3A_50 = vector.load %arg2[%get3A_48, %get3A_49] : memref<2048x512xbf16, #tpu.memory_space<vmem>>, vector<2048x512xbf16>
    %dot_general3A_51 = arith.constant dense<0.000000e+00> : vector<2048x32xf32>
    %dot_general3A_52 = tpu.matmul %get3A_50, %convert_element_type3A_7, %dot_general3A_51 {dimension_numbers = #tpu.dot_dimension_numbers<[1], [1], [0], [0], [0, 0, 1, 0], [], []>, transpose_lhs_hint = false} : vector<2048x512xbf16>, vector<32x512xbf16>, vector<2048x32xf32> -> vector<2048x32xf32>
    %mul3A_53 = arith.constant 14.2857141 : f32
    %mul3A_54 = vector.broadcast %mul3A_53 : f32 to vector<2048x32xf32>
    %mul3A_55 = arith.mulf %dot_general3A_52, %mul3A_54 : vector<2048x32xf32>
    %jit3A_56 = arith.constant 0xFF800000 : f32
    %broadcast_in_dim3A_57 = vector.broadcast %jit3A_56 : f32 to vector<2048x32xf32>
    %select_n3A_58 = arith.select %lt3A_9, %mul3A_55, %broadcast_in_dim3A_57 : vector<2048x32xi1>, vector<2048x32xf32>
    %reduce_max3A_59 = arith.constant dense<0xFF800000> : vector<2048xf32>
    %reduce_max3A_60 = vector.multi_reduction <maximumf>, %select_n3A_58, %reduce_max3A_59 [1] : vector<2048x32xf32> to vector<2048xf32>
    %broadcast_in_dim3A_61 = vector.shape_cast %reduce_max3A_60 : vector<2048xf32> to vector<2048x1xf32>
    %sub3A_62 = vector.broadcast %broadcast_in_dim3A_61 : vector<2048x1xf32> to vector<2048x32xf32>
    %sub3A_63 = arith.subf %select_n3A_58, %sub3A_62 : vector<2048x32xf32>
    %exp3A_64 = math.exp %sub3A_63 : vector<2048x32xf32>
    %reduce_sum3A_65 = arith.constant dense<0.000000e+00> : vector<2048xf32>
    %reduce_sum3A_66 = vector.multi_reduction <add>, %exp3A_64, %reduce_sum3A_65 [1] : vector<2048x32xf32> to vector<2048xf32>
    %broadcast_in_dim3A_67 = vector.shape_cast %reduce_sum3A_66 : vector<2048xf32> to vector<2048x1xf32>
    %log3A_68 = math.log %broadcast_in_dim3A_67 : vector<2048x1xf32>
    %add3A_69 = arith.addf %broadcast_in_dim3A_61, %log3A_68 : vector<2048x1xf32>
    %eq3A_70 = vector.broadcast %get3A_12 : vector<2048x1xi32> to vector<2048x32xi32>
    %eq3A_71 = arith.cmpi eq, %iota3A, %eq3A_70 : vector<2048x32xi32>
    %jit3A_72 = arith.constant 0.000000e+00 : f32
    %broadcast_in_dim3A_73 = vector.broadcast %jit3A_72 : f32 to vector<2048x32xf32>
    %select_n3A_74 = arith.select %eq3A_71, %mul3A_55, %broadcast_in_dim3A_73 : vector<2048x32xi1>, vector<2048x32xf32>
    %reduce_sum3A_75 = arith.constant dense<0.000000e+00> : vector<2048xf32>
    %reduce_sum3A_76 = vector.multi_reduction <add>, %select_n3A_74, %reduce_sum3A_75 [1] : vector<2048x32xf32> to vector<2048xf32>
    %broadcast_in_dim3A_77 = vector.shape_cast %reduce_sum3A_76 : vector<2048xf32> to vector<2048x1xf32>
    %sub3A_78 = arith.subf %add3A_69, %broadcast_in_dim3A_77 : vector<2048x1xf32>
    %mul3A_79 = arith.mulf %sub3A_78, %get3A_3 : vector<2048x1xf32>
    %reduce_sum3A_80 = vector.shape_cast %mul3A_79 : vector<2048x1xf32> to vector<1x2048x1xf32>
    %reduce_sum3A_81 = arith.constant dense<0.000000e+00> : vector<1xf32>
    %reduce_sum3A_82 = vector.multi_reduction <add>, %reduce_sum3A_80, %reduce_sum3A_81 [1, 2] : vector<1x2048x1xf32> to vector<1xf32>
    %reduce_sum3A_83 = vector.shape_cast %reduce_sum3A_82 : vector<1xf32> to vector<1x1x1xf32>
    %reduce_sum3A_84 = vector.extract %reduce_sum3A_83[0, 0, 0] : f32 from vector<1x1x1xf32>
    %reshape3A_85 = vector.broadcast %reduce_sum3A_84 : f32 to vector<1x1xf32>
    %add3A_86 = arith.addf %get3A_47, %reshape3A_85 : vector<1x1xf32>
    %swap3A_87 = arith.constant 0 : index
    %swap3A_88 = arith.constant 0 : index
    %swap3A_89 = vector.load %arg8[%swap3A_87, %swap3A_88] : memref<1x1xf32, #tpu.memory_space<vmem>>, vector<1x1xf32>
    tpu.vector_store %arg8[%swap3A_87, %swap3A_88], %add3A_86 {strides = array<i32>} : memref<1x1xf32, #tpu.memory_space<vmem>>, vector<1x1xf32>,
    %eq3A_90 = arith.constant 7 : i32
    %eq3A_91 = arith.cmpi eq, %arg0, %eq3A_90 : i32
    %convert_element_type3A_92 = arith.extui %eq3A_91 : i1 to i32
    %cond3A_93 = arith.constant 0 : i32
    %cond3A_94 = arith.cmpi ne, %convert_element_type3A_92, %cond3A_93 : i32
    scf.if %cond3A_94 {
      %get3A_95 = arith.constant 0 : index
      %get3A_96 = arith.constant 0 : index
      %get3A_97 = vector.load %arg7[%get3A_95, %get3A_96] : memref<1x1xf32, #tpu.memory_space<vmem>>, vector<1x1xf32>
      %get3A_98 = vector.extract %get3A_97[0, 0] : f32 from vector<1x1xf32>
      %mul3A_99 = arith.constant 6.10351563E-5 : f32
      %mul3A_100 = arith.mulf %get3A_98, %mul3A_99 : f32
      %get3A_101 = arith.constant 0 : index
      %get3A_102 = arith.constant 0 : index
      %get3A_103 = vector.load %arg8[%get3A_101, %get3A_102] : memref<1x1xf32, #tpu.memory_space<vmem>>, vector<1x1xf32>
      %get3A_104 = vector.extract %get3A_103[0, 0] : f32 from vector<1x1xf32>
      %mul3A_105 = arith.constant 6.10351563E-5 : f32
      %mul3A_106 = arith.mulf %get3A_104, %mul3A_105 : f32
      %mul3A_107 = arith.constant 3.000000e-01 : f32
      %mul3A_108 = arith.mulf %mul3A_107, %mul3A_100 : f32
      %mul3A_109 = arith.constant 0.699999988 : f32
      %mul3A_110 = arith.mulf %mul3A_109, %mul3A_106 : f32
      %add3A_111 = arith.addf %mul3A_108, %mul3A_110 : f32
      %mul3A_112 = arith.constant 5.000000e-01 : f32
      %mul3A_113 = arith.mulf %add3A_111, %mul3A_112 : f32
      %reshape3A_114 = vector.broadcast %mul3A_113 : f32 to vector<1x1xf32>
      %swap3A_115 = arith.constant 0 : index
      %swap3A_116 = arith.constant 0 : index
      %swap3A_117 = vector.load %arg6[%swap3A_115, %swap3A_116] : memref<1x1xf32, #tpu.memory_space<vmem>>, vector<1x1xf32>
      tpu.vector_store %arg6[%swap3A_115, %swap3A_116], %reshape3A_114 {strides = array<i32>} : memref<1x1xf32, #tpu.memory_space<vmem>>, vector<1x1xf32>,
    } else {
    }
    return
  }
  func.func @transform_0(%arg0: i32) -> (i32, i32) {
    %c0_i32 = arith.constant 0 : i32
    %c0_i32_0 = arith.constant 0 : i32
    return %arg0, %c0_i32 : i32, i32
  }
  func.func @transform_1(%arg0: i32) -> (i32, i32) {
    %c0_i32 = arith.constant 0 : i32
    %c0_i32_0 = arith.constant 0 : i32
    return %arg0, %c0_i32 : i32, i32
  }
  func.func @transform_2(%arg0: i32) -> (i32, i32) {
    %c0_i32 = arith.constant 0 : i32
    %c0_i32_0 = arith.constant 0 : i32
    return %arg0, %c0_i32 : i32, i32
  }
  func.func @transform_3(%arg0: i32) -> (i32, i32) {
    %c0_i32 = arith.constant 0 : i32
    %c0_i32_0 = arith.constant 0 : i32
    return %arg0, %c0_i32 : i32, i32
  }
  func.func @transform_4(%arg0: i32) -> (i32, i32) {
    %c0_i32 = arith.constant 0 : i32
    %c0_i32_0 = arith.constant 0 : i32
    %c0_i32_1 = arith.constant 0 : i32
    return %c0_i32, %c0_i32_0 : i32, i32
  }
  func.func @transform_5(%arg0: i32) -> (i32, i32) {
    %c0_i32 = arith.constant 0 : i32
    %c0_i32_0 = arith.constant 0 : i32
    %c0_i32_1 = arith.constant 0 : i32
    return %c0_i32, %c0_i32_0 : i32, i32
  }
}

</mosaic_0001>

<sc_bundles>
// kernel: kernel.5.cloned.1.call-start
scs
__scs_entry_jumppad:
0x0: {  	(pc) =	sbr.rel $0x88, $3  }
0x1: {  	(tag) =	ssettag $0x0;
	lr =	simm.s32 $0x1  }
0x2: {  	[smem:$0x3F9D] =	sst lr;
	_ =	strace $0xD0000000  }
0x3: {  	_ = 	snop  }
0x4: {  	_ = 	snop  }
0x5: {  	_ = 	snop  }
0x6: {  	_ = 	snop  }
0x7: {  	_ = 	snop  }
__scs_overlays_trampoline_lowered:
0x8: {  	[smem:$0x3FAC] =	sst s0  }
0x9: {  	[smem:$0x3FAD] =	sst s1  }
0xa: {  	[smem:$0x3FAE] =	sst s2  }
0xb: {  	[smem:$0x3FAF] =	sst s3  }
0xc: {  	[smem:$0x3FB0] =	sst s4  }
0xd: {  	[smem:$0x3FB1] =	sst s5  }
0xe: {  	[smem:$0x3FB2] =	sst s6  }
0xf: {  	[smem:$0x3FB3] =	sst s7  }
0x10: {  	[smem:$0x3FB4] =	sst s8  }
0x11: {  	[smem:$0x3FB5] =	sst s9;
	s0 =	simm.s32 @!p0 $0x0  }
0x12: {  	s1 =	sld [smem:$0x3F9B];
	s0 =	simm.s32 @p0 $0x1  }
0x13: {  	[smem:$0x3FB6] =	sst s0;
	s0 =	simm.s32 @!p1 $0x0  }
0x14: {  	s2 =	sld [smem:$0x3F9A];
	s0 =	simm.s32 @p1 $0x1  }
0x15: {  	[smem:$0x3FB7] =	sst s0;
	s0 =	simm.s32 @!p2 $0x0  }
0x16: {  	s3 =	sld [smem:$0x3FDB];
	s0 =	simm.s32 @p2 $0x1  }
0x17: {  	s4 =	simm.s32 $0x1BF5;
	[smem:$0x3FB9] =	sst s0  }
0x18: {  	s0 =	sld [smem:$0x3F9C];
	_ =	swait.ge [sflag:s4], $0x0  }
0x19: {  	s7 =	sld [smem:$0x3F9D]  }
0x1a: {  	s8 =	sadd.s32 $0xFFFFE003, lr  }
0x1b: {  	s9 =	sadd.s32 $0xFFFFFEF7, lr;
	s5 =	simm.s32 $0xFFFFFFFF;
	p2 =	slt.u32 s8, $0xFFFFF086  }
0x1c: {  	p1 =	slt.u32 s9, $0xF7A;
	s5 =	simm.s32 @!p2 $0x0  }
0x1d: {  	s5 =	simm.s32 @p1 $0x1;
	p0 =	seq.s32 s7, s2  }
0x1e: {  	s7 =	smul.u32 @!p0 $0xF7A, s2;
	p2 =	seq.s32 @!p0 s5, $0x0  }
0x1f: {  	s9 =	smul.u32 $0xF7A, s1;
	s8 =	simm.s32 @!p0 $0x1BF5;
	p2 =	por !p2, p0  }
0x20: {  	[sflag:s8] =	ssyncset.s32 @!p0 $0xFFFFF086;
	s6 =	sadd.s32 @!p0 s3, s7;
	s7 =	simm.s32 @!p0 $0x108  }
0x21: {  	s3 =	sadd.s32 s3, s9;
	s6 =	sadd.s32 @!p0 $0x88, s6;
	s7 =	simm.s32 @p2 $0x1082  }
0x22: {  	[simem:s7], [sflag:s8] =	dma.local @!p0 [hbm:s6], $0xF7A  }
0x23: {  	s9 =	sor.u32 $0xD0000000, s2;
	s6 =	simm.s32 $0x108;
	_ =	swait.ge @!p0 [sflag:s8], $0x0  }
0x24: {  	s3 =	sadd.s32 $0x88, s3;
	s6 =	simm.s32 @!p1 $0x1082;
	[sflag:s4] =	ssyncset.s32 $0xFFFFF086  }
0x25: {  	[simem:s6], [sflag:s4] =	dma.local [hbm:s3], $0xF7A  }
0x26: {  	[smem:$0x3F9D] =	sst s1;
	(tag) =	ssettag s2;
	_ =	strace s9  }
0x27: {  	s1 =	sld [smem:$0x3FAD]  }
0x28: {  	s2 =	sld [smem:$0x3FAE]  }
0x29: {  	s4 =	sld [smem:$0x3FB0]  }
0x2a: {  	p0 =	seq.s32 s5, $0x0;
	s5 =	sld [smem:$0x3FB1]  }
0x2b: {  	s6 =	sld [smem:$0x3FB2]  }
0x2c: {  	s7 =	sld [smem:$0x3FB3]  }
0x2d: {  	s3 =	simm.s32 $0x108;
	s8 =	sld [smem:$0x3FB4]  }
0x2e: {  	s3 =	simm.s32 @!p0 $0x1082;
	s9 =	sld [smem:$0x3FB5]  }
0x2f: {  	lr =	sadd.s32 s0, s3;
	s0 =	sld [smem:$0x3FAC]  }
0x30: {  	s3 =	sld [smem:$0x3FAF]  }
0x31: {  	[smem:$0x3FB8] =	sst s10  }
0x32: {  	s10 =	sld [smem:$0x3FB6];
	_ =	sdelay $0x3  }
0x33: {  	p0 =	seq.s32 s10, $0x1;
	s10 =	sld [smem:$0x3FB8];
	_ =	sdelay $0x3  }
0x34: {  	[smem:$0x3FB8] =	sst s10  }
0x35: {  	s10 =	sld [smem:$0x3FB7];
	_ =	sdelay $0x3  }
0x36: {  	p1 =	seq.s32 s10, $0x1;
	s10 =	sld [smem:$0x3FB8];
	_ =	sdelay $0x3  }
0x37: {  	[smem:$0x3FB8] =	sst s10  }
0x38: {  	s10 =	sld [smem:$0x3FB9]  }
0x39: {  	_ = 	snop;
	(pc) =	sbr.ind lr, $3  }
0x3a: {  	_ = 	snop  }
0x3b: {  	_ = 	snop  }
0x3c: {  	p2 =	seq.s32 s10, $0x1;
	s10 =	sld [smem:$0x3FB8]  }
0x3d: {  	_ =	shalt  }
0x3e: {  	_ =	shalt  }
0x3f: {  	_ =	shalt  }
0x40: {  	_ =	shalt  }
0x41: {  	_ =	shalt  }
0x42: {  	_ =	shalt  }
0x43: {  	_ =	shalt  }
0x44: {  	_ =	shalt  }
0x45: {  	_ =	shalt  }
0x46: {  	_ =	shalt  }
0x47: {  	_ =	shalt  }
0x48: {  	_ =	shalt  }
0x49: {  	_ =	shalt  }
0x4a: {  	_ =	shalt  }
0x4b: {  	_ =	shalt  }
0x4c: {  	_ =	shalt  }
0x4d: {  	_ =	shalt  }
0x4e: {  	_ =	shalt  }
0x4f: {  	_ =	shalt  }
0x50: {  	_ =	shalt  }
0x51: {  	_ =	shalt  }
0x52: {  	_ =	shalt  }
0x53: {  	_ =	shalt  }
0x54: {  	_ =	shalt  }
0x55: {  	_ =	shalt  }
0x56: {  	_ =	shalt  }
0x57: {  	_ =	shalt  }
0x58: {  	_ =	shalt  }
0x59: {  	_ =	shalt  }
0x5a: {  	_ =	shalt  }
0x5b: {  	_ =	shalt  }
0x5c: {  	_ =	shalt  }
0x5d: {  	_ =	shalt  }
0x5e: {  	_ =	shalt  }
0x5f: {  	_ =	shalt  }
0x60: {  	_ =	shalt  }
0x61: {  	_ =	shalt  }
0x62: {  	_ =	shalt  }
0x63: {  	_ =	shalt  }
0x64: {  	_ =	shalt  }
0x65: {  	_ =	shalt  }
0x66: {  	_ =	shalt  }
0x67: {  	_ =	shalt  }
0x68: {  	_ =	shalt  }
0x69: {  	_ =	shalt  }
0x6a: {  	_ =	shalt  }
0x6b: {  	_ =	shalt  }
0x6c: {  	_ =	shalt  }
0x6d: {  	_ =	shalt  }
0x6e: {  	_ =	shalt  }
0x6f: {  	_ =	shalt  }
0x70: {  	_ =	shalt  }
0x71: {  	_ =	shalt  }
0x72: {  	_ =	shalt  }
0x73: {  	_ =	shalt  }
0x74: {  	_ =	shalt  }
0x75: {  	_ =	shalt  }
0x76: {  	_ =	shalt  }
0x77: {  	_ =	shalt  }
0x78: {  	_ =	shalt  }
0x79: {  	_ =	shalt  }
0x7a: {  	_ =	shalt  }
0x7b: {  	_ =	shalt  }
0x7c: {  	_ =	shalt  }
0x7d: {  	_ =	shalt  }
0x7e: {  	_ =	shalt  }
0x7f: {  	_ =	shalt  }
0x80: {  	_ =	shalt  }
0x81: {  	_ =	shalt  }
0x82: {  	_ =	shalt  }
0x83: {  	_ =	shalt  }
0x84: {  	_ =	shalt  }
0x85: {  	_ =	shalt  }
0x86: {  	_ =	shalt  }
0x87: {  	_ =	shalt  }
.Lfunc_end0:
.L_simem_size_0:
called_computation.1_lowered:
.L_overlay_start_0:
0x88: {  	s2 =	sld [smem:$0x3FD9]  }
0x89: {  	s3 =	sld [smem:$0x3FFE];
	_ =	sdelay $0x1  }
0x8a: {  	s1 =	srdreg.scid  }
0x8b: {  	s0 =	sand.u32 $0x1, s1  }
0x8c: {  	s16 =	sshll.u32 s0, $0xA;
	s2 =	sadd.s32 s3, s2  }
0x8d: {  	s2 =	sadd.s32 s2, s16  }
0x8e: {  	[smem:$0x3FC4] =	sst s2  }
0x8f: {  	_ = 	snop  }
0x90: {  	(tm) =	ssettm $0x1  }
0x91: {  	s17 =	sld [smem:$0x3FFB];
	_ =	sdelay $0x3  }
0x92: {  	_ =	strace s17  }
0x93: {  	s2 =	sld [smem:$0x3FFC];
	_ =	sdelay $0x3  }
0x94: {  	_ =	strace s2  }
0x95: {  	s2 =	sld [smem:$0x3FFD];
	_ =	sdelay $0x3  }
0x96: {  	_ =	strace s2  }
0x97: {  	_ =	strace $0x8FFFFFFF  }
0x98: {  	s18 =	sld [smem:$0x3FDB];
	_ =	sdelay $0x1  }
0x99: {  	s19 =	simm.s32 $_scs_section_size  }
0x9a: {  	s4 =	simm.s32 $_size__tile_overlayer_lowered;
	s5 =	simm.s32 $_tile_overlayer_lowered  }
0x9b: {  	s22 =	simm.s32 $0x1BFF;
	s21 =	sshll.u32 s5, $0x1;
	s2 =	sadd.s32 s19, s18  }
0x9c: {  	s6 =	simm.s32 $0x0;
	s20 =	sshll.u32 s4, $0x1;
	s4 =	sadd.s32 s21, s2  }
0x9d: {  	[timem:s6], [sflag:s22] =	dma.local [hbm:s4], s20  }
0x9e: {  	_ =	swait.ge [sflag:s22], s20  }
0x9f: {  	s3 =	ssub.s32 $0x0, s20;
	[sflag:s22] =	ssyncset.done $0x0  }
0xa0: {  	[sflag:s22] =	ssyncadd.s32 s3;
	_ =	sdelay $0x1  }
0xa1: {  	s23 =	simm.s32 $0x1B8B  }
0xa2: {  	_ =	swait.ge [sflag:s23], $0x1  }
0xa3: {  	[sflag:s23] =	ssyncset.done $0x0  }
0xa4: {  	s25 =	simm.s32 $0x1B8E;
	s24 =	sld [smem:$0x3FFE];
	[sflag:s23] =	ssyncadd.s32 $0xFFFFFFFF  }
0xa5: {  	s26 =	simm.s32 $execute0_lowered;
	[smem:$0x3FD2] =	sst s25  }
0xa6: {  	s4 =	sshll.u32 s26, $0x1;
	_ =	strace $0x80000049;
	[dreg:$0x1] =	wrdreg $0xFFFFFFFF  }
0xa7: {  	s28 =	simm.s32 $_size_execute0_lowered;
	s2 =	sadd.s32 s2, s4;
	[dreg:$0x0] =	wrdreg $0x0  }
0xa8: {  	s4 =	sshll.u32 s28, $0x1;
	[dreg:$0x2] =	wrdreg s2  }
0xa9: {  	[dreg:$0x3] =	wrdreg s4  }
0xaa: {  	[dreg:$0x4] =	wrdreg $0xC0  }
0xab: {  	_ =	task [dreg:s6], $0x5FFFF  }
0xac: {  	[dreg:$0x1] =	wrdreg $0xFFFFFFFF  }
0xad: {  	[dreg:$0x0] =	wrdreg $0x60  }
0xae: {  	[dreg:$0x2] =	wrdreg s24  }
0xaf: {  	[dreg:$0x3] =	wrdreg $0x9  }
0xb0: {  	_ =	task.clear_ibuf [dreg:s6], $0x4FFFF;
	_ =	strace $0x90000049  }
0xb1: {  	s29 =	simm.s32 $0x9;
	_ =	strace $0x8000004B  }
0xb2: {  	_ =	swait.ge [sflag:s29], $0x1  }
0xb3: {  	[sflag:s29] =	ssyncadd.s32 $0xFFFFFFFF  }
0xb4: {  	_ =	strace $0x9000004B  }
0xb5: {  	_ =	sfence  }
0xb6: {  	s30 =	sld [smem:$0x0];
	_ =	sdelay $0x2  }
0xb7: {  	s31 =	sshll.u32 s1, $0xD;
	s1 =	sshrl.u32 s1, $0x2  }
0xb8: {  	s3 =	sand.u32 $0x4000, s31;
	s1 =	sadd.s32 s1, s30  }
0xb9: {  	s0 =	sor.u32 s3, s0;
	s1 =	sshll.u32 s1, $0x11  }
0xba: {  	s0 =	sor.u32 s1, s0  }
0xbb: {  	s0 =	sadd.s32 $0x8F2B, s0  }
0xbc: {  	[sflag:s0] =	ssyncadd.remote.s32 $0x1  }
0xbd: {  	_ =	sfence.sel $0xFFFF  }
0xbe: {  	[dreg:$0x0] =	wrdreg $0xFFFFFFFF;
	(pc) =	sbr.abs _section_cstart, $3  }
0xbf: {  	[dreg:$0x1] =	wrdreg $0xFFFFFFFF  }
0xc0: {  	_ =	task.clear_ibuf [dreg:s6], $0x2FFFF;
	_ =	strace $0x9FFFFFFF  }
0xc1: {  	(tm) =	ssettm $0x7FFFFFFF  }
tec
execute0_lowered:
.L_overlay_start_1:
0x0: {  	(tag) =	ssettag $0x1  }
0x1: {  	v0 =	vimm.s32 $0xFEDCBA98;
	v1 =	vimm.s32 $0x76543210;
	v2 =	vimm.s32 $0xBA98FEDC  }
0x2: {  	v3 =	vimm.s32 $0x32107654;
	v4 =	vimm.s32 $0xDCFE98BA;
	v5 =	vimm.s32 $0x54761032  }
0x3: {  	v6 =	vimm.s32 $0xEFCDAB89;
	v7 =	vimm.s32 $0x67452301;
	vm0 =	vmmov $0x1  }
0x4: {  	s4 =	rddreg [dreg:$0x0];
	vm1 =	vmmov $0x3;
	v0 =	vunpack.c.l.s4.s8 v0;
	v1 =	vunpack.c.l.s4.s8 v1  }
0x5: {  	s0 =	rddreg [dreg:$0x1];
	v2 =	vunpack.c.l.s4.s8 v2;
	v3 =	vunpack.c.l.s4.s8 v3;
	v4 =	vunpack.c.l.s4.s8 v4  }
0x6: {  	s1 =	simm.s32 $0x0;
	s2 =	srdreg.scid;
	s8 =	simm.s32 $0x4000;
	v5 =	vunpack.c.l.s4.s8 v5;
	v6 =	vunpack.c.l.s4.s8 v6;
	v7 =	vunpack.c.l.s4.s8 v7  }
0x7: {  	s9 =	simm.s32 $0x0;
	[smem:$0x7FF] =	sst s1;
	s5 =	sand.u32 $0x1, s2;
	v0 =	vunpack.c.0.s8.s32 v0;
	v1 =	vunpack.c.0.s8.s32 v1;
	v2 =	vunpack.c.0.s8.s32 v2  }
0x8: {  	s3 =	sadd.s32 $0x2E00, s4;
	s2 =	stileid.u32;
	s6 =	ssub.s32 $0x2, s5;
	v3 =	vunpack.c.0.s8.s32 v3;
	v4 =	vunpack.c.0.s8.s32 v4;
	v5 =	vunpack.c.0.s8.s32 v5  }
0x9: {  	s4 =	sadd.s32 $0x202E00, s4;
	_ =	strace $0x8000004A;
	s7 =	sshrl.u32 s6, $0x1;
	v6 =	vunpack.c.0.s8.s32 v6;
	v7 =	vunpack.c.0.s8.s32 v7;
	v0 =	vand.u32 $0xF, v0  }
0xa: {  	vm2 =	vmmov $0x7;
	s31 =	sshll.u32 s2, $0xA;
	s5 =	sshll.u32 s5, $0x9;
	s6 =	ssub.s32 s6, s7;
	v0 =	vcombine.low v0, v1;
	v1 =	vcombine.low v3, v2  }
0xb: {  	vm3 =	vmmov $0xf;
	s5 =	sor.u32 s5, s31;
	s7 =	simm.s32 $0x1;
	s6 =	smax.u32 s6, $0x1;
	v2 =	vcombine.low v5, v4;
	v3 =	vcombine.low v7, v6  }
.LBB2_1:
0xc: {  	s10 =	simm.s32 $0x0  }
.LBB2_2:
0xd: {  	s11 =	sshll.u32 s10, $0x4  }
0xe: {  	s11 =	sadd.s32 s5, s11  }
0xf: {  	s12 =	sshll.u32 s11, $0x7  }
0x10: {  	s13 =	simm.s32 $0x0;
	s12 =	sadd.s32 s3, s12  }
0x11: {  	[tilespmem:s13], [sflag:$0x1] =	stream.linear.gather [hbm4b:s12+s13], $0x4000, $0x38;
	[tilespmem:$0x4080] =	vst v63  }
0x12: {  	_ =	swait.ge [sflag:s7], $0x4000  }
0x13: {  	[sflag:s7] =	ssyncset.done $0x0  }
0x14: {  	s31 =	simm.s32 $0x0;
	[sflag:s7] =	ssyncadd.s32 $0xFFFFC000  }
0x15: {  	v4 =	vimm.f32 $0.0e+00;
	s12 =	simm.s32 $0x40;
	v5 =	vld [tilespmem:s31+$0x0]  }
.LBB2_3:
0x16: {  	p0 =	sne.s32 s12, $0xFC0  }
.Ltmp0:
0x17: {  	_ = 	snop;
	(pc) =	sbr.rel @p0 .LBB2_3-.Ltmp0, $3  }
0x18: {  	_ =	sdelay $0x1  }
0x19: {  	s13 =	sshra.s32 s12, $0x2;
	s12 =	sadd.s32 $0x40, s12;
	v4 =	vadd.f32 v5, v4  }
0x1a: {  	v5 =	vld [tilespmem:s13+$0x0]  }
0x1b: {  	_ =	sdelay $0x3  }
0x1c: {  	v4 =	vadd.f32 v5, v4;
	_ =	sdelay $0x1  }
0x1d: {  	v5 =	vperm.xlane v4, v0;
	_ =	sdelay $0x1  }
0x1e: {  	v4 =	vadd.f32 v5, v4;
	_ =	sdelay $0x1  }
0x1f: {  	v5 =	vperm.xlane v4, v1;
	_ =	sdelay $0x1  }
0x20: {  	v4 =	vadd.f32 v5, v4;
	_ =	sdelay $0x1  }
0x21: {  	v5 =	vperm.xlane v4, v2;
	_ =	sdelay $0x1  }
0x22: {  	s12 =	simm.s32 $0x0;
	v4 =	vadd.f32 v5, v4  }
0x23: {  	s13 =	sand.u32 $0x3F0, s12  }
0x24: {  	v6 =	vimm.f32 $0.0e+00;
	s12 =	simm.s32 $0x10;
	v7 =	vld [tilespmem:s13+$0x400];
	v5 =	vperm.xlane v4, v3  }
.LBB2_5:
0x25: {  	p0 =	sne.s32 s12, $0x3F0  }
.Ltmp1:
0x26: {  	_ = 	snop;
	(pc) =	sbr.rel @p0 .LBB2_5-.Ltmp1, $3  }
0x27: {  	_ =	sdelay $0x1  }
0x28: {  	s13 =	sand.u32 $0x3F0, s12;
	s12 =	sadd.s32 $0x10, s12;
	v6 =	vadd.f32 v7, v6  }
0x29: {  	v7 =	vld [tilespmem:s13+$0x400]  }
0x2a: {  	_ =	sdelay $0x3  }
0x2b: {  	v6 =	vadd.f32 v7, v6;
	_ =	sdelay $0x1  }
0x2c: {  	v7 =	vperm.xlane v6, v0;
	_ =	sdelay $0x1  }
0x2d: {  	v6 =	vadd.f32 v7, v6;
	_ =	sdelay $0x1  }
0x2e: {  	v7 =	vperm.xlane v6, v1;
	_ =	sdelay $0x1  }
0x2f: {  	v6 =	vadd.f32 v7, v6;
	_ =	sdelay $0x1  }
0x30: {  	v7 =	vperm.xlane v6, v2;
	_ =	sdelay $0x1  }
0x31: {  	s12 =	simm.s32 $0x0;
	v6 =	vadd.f32 v7, v6  }
0x32: {  	s13 =	sand.u32 $0x3F0, s12  }
0x33: {  	v8 =	vimm.f32 $0.0e+00;
	s12 =	simm.s32 $0x10;
	v9 =	vld [tilespmem:s13+$0x800];
	v7 =	vperm.xlane v6, v3  }
.LBB2_7:
0x34: {  	p0 =	sne.s32 s12, $0x3F0  }
.Ltmp2:
0x35: {  	_ = 	snop;
	(pc) =	sbr.rel @p0 .LBB2_7-.Ltmp2, $3  }
0x36: {  	_ =	sdelay $0x1  }
0x37: {  	s13 =	sand.u32 $0x3F0, s12;
	s12 =	sadd.s32 $0x10, s12;
	v8 =	vadd.f32 v9, v8  }
0x38: {  	v9 =	vld [tilespmem:s13+$0x800]  }
0x39: {  	_ =	sdelay $0x3  }
0x3a: {  	v8 =	vadd.f32 v9, v8;
	_ =	sdelay $0x1  }
0x3b: {  	v9 =	vperm.xlane v8, v0;
	_ =	sdelay $0x1  }
0x3c: {  	v8 =	vadd.f32 v9, v8;
	_ =	sdelay $0x1  }
0x3d: {  	v9 =	vperm.xlane v8, v1;
	_ =	sdelay $0x1  }
0x3e: {  	v8 =	vadd.f32 v9, v8;
	_ =	sdelay $0x1  }
0x3f: {  	v9 =	vperm.xlane v8, v2;
	_ =	sdelay $0x1  }
0x40: {  	s12 =	simm.s32 $0x0;
	v8 =	vadd.f32 v9, v8  }
0x41: {  	s13 =	sand.u32 $0x3F0, s12  }
0x42: {  	v10 =	vimm.f32 $0.0e+00;
	s12 =	simm.s32 $0x10;
	v11 =	vld [tilespmem:s13+$0xC00];
	v9 =	vperm.xlane v8, v3  }
.LBB2_9:
0x43: {  	p0 =	sne.s32 s12, $0x3F0  }
.Ltmp3:
0x44: {  	_ = 	snop;
	(pc) =	sbr.rel @p0 .LBB2_9-.Ltmp3, $3  }
0x45: {  	_ =	sdelay $0x1  }
0x46: {  	s13 =	sand.u32 $0x3F0, s12;
	s12 =	sadd.s32 $0x10, s12;
	v10 =	vadd.f32 v11, v10  }
0x47: {  	v11 =	vld [tilespmem:s13+$0xC00]  }
0x48: {  	_ =	sdelay $0x3  }
0x49: {  	v10 =	vadd.f32 v11, v10;
	_ =	sdelay $0x1  }
0x4a: {  	v11 =	vperm.xlane v10, v0;
	_ =	sdelay $0x1  }
0x4b: {  	v10 =	vadd.f32 v11, v10;
	_ =	sdelay $0x1  }
0x4c: {  	v11 =	vperm.xlane v10, v1;
	_ =	sdelay $0x1  }
0x4d: {  	v10 =	vadd.f32 v11, v10;
	_ =	sdelay $0x1  }
0x4e: {  	v11 =	vperm.xlane v10, v2;
	_ =	sdelay $0x1  }
0x4f: {  	s12 =	simm.s32 $0x0;
	v10 =	vadd.f32 v11, v10  }
0x50: {  	s13 =	sand.u32 $0x3F0, s12  }
0x51: {  	v12 =	vimm.f32 $0.0e+00;
	s12 =	simm.s32 $0x10;
	v13 =	vld [tilespmem:s13+$0x1000];
	v11 =	vperm.xlane v10, v3  }
.LBB2_11:
0x52: {  	p0 =	sne.s32 s12, $0x3F0  }
.Ltmp4:
0x53: {  	_ = 	snop;
	(pc) =	sbr.rel @p0 .LBB2_11-.Ltmp4, $3  }
0x54: {  	_ =	sdelay $0x1  }
0x55: {  	s13 =	sand.u32 $0x3F0, s12;
	s12 =	sadd.s32 $0x10, s12;
	v12 =	vadd.f32 v13, v12  }
0x56: {  	v13 =	vld [tilespmem:s13+$0x1000]  }
0x57: {  	_ =	sdelay $0x3  }
0x58: {  	v12 =	vadd.f32 v13, v12;
	_ =	sdelay $0x1  }
0x59: {  	v13 =	vperm.xlane v12, v0;
	_ =	sdelay $0x1  }
0x5a: {  	v12 =	vadd.f32 v13, v12;
	_ =	sdelay $0x1  }
0x5b: {  	v13 =	vperm.xlane v12, v1;
	_ =	sdelay $0x1  }
0x5c: {  	v12 =	vadd.f32 v13, v12;
	_ =	sdelay $0x1  }
0x5d: {  	v13 =	vperm.xlane v12, v2;
	_ =	sdelay $0x1  }
0x5e: {  	s12 =	simm.s32 $0x0;
	v12 =	vadd.f32 v13, v12  }
0x5f: {  	s13 =	sand.u32 $0x3F0, s12  }
0x60: {  	v14 =	vimm.f32 $0.0e+00;
	s12 =	simm.s32 $0x10;
	v15 =	vld [tilespmem:s13+$0x1400];
	v13 =	vperm.xlane v12, v3  }
.LBB2_13:
0x61: {  	p0 =	sne.s32 s12, $0x3F0  }
.Ltmp5:
0x62: {  	_ = 	snop;
	(pc) =	sbr.rel @p0 .LBB2_13-.Ltmp5, $3  }
0x63: {  	_ =	sdelay $0x1  }
0x64: {  	s13 =	sand.u32 $0x3F0, s12;
	s12 =	sadd.s32 $0x10, s12;
	v14 =	vadd.f32 v15, v14  }
0x65: {  	v15 =	vld [tilespmem:s13+$0x1400]  }
0x66: {  	_ =	sdelay $0x3  }
0x67: {  	v14 =	vadd.f32 v15, v14;
	_ =	sdelay $0x1  }
0x68: {  	v15 =	vperm.xlane v14, v0;
	_ =	sdelay $0x1  }
0x69: {  	v14 =	vadd.f32 v15, v14;
	_ =	sdelay $0x1  }
0x6a: {  	v15 =	vperm.xlane v14, v1;
	_ =	sdelay $0x1  }
0x6b: {  	v14 =	vadd.f32 v15, v14;
	_ =	sdelay $0x1  }
0x6c: {  	v15 =	vperm.xlane v14, v2;
	_ =	sdelay $0x1  }
0x6d: {  	s12 =	simm.s32 $0x0;
	v14 =	vadd.f32 v15, v14  }
0x6e: {  	s13 =	sand.u32 $0x3F0, s12  }
0x6f: {  	v16 =	vimm.f32 $0.0e+00;
	s12 =	simm.s32 $0x10;
	v17 =	vld [tilespmem:s13+$0x1800];
	v15 =	vperm.xlane v14, v3  }
.LBB2_15:
0x70: {  	p0 =	sne.s32 s12, $0x3F0  }
.Ltmp6:
0x71: {  	_ = 	snop;
	(pc) =	sbr.rel @p0 .LBB2_15-.Ltmp6, $3  }
0x72: {  	_ =	sdelay $0x1  }
0x73: {  	s13 =	sand.u32 $0x3F0, s12;
	s12 =	sadd.s32 $0x10, s12;
	v16 =	vadd.f32 v17, v16  }
0x74: {  	v17 =	vld [tilespmem:s13+$0x1800]  }
0x75: {  	_ =	sdelay $0x3  }
0x76: {  	v16 =	vadd.f32 v17, v16;
	_ =	sdelay $0x1  }
0x77: {  	v17 =	vperm.xlane v16, v0;
	_ =	sdelay $0x1  }
0x78: {  	v16 =	vadd.f32 v17, v16;
	_ =	sdelay $0x1  }
0x79: {  	v17 =	vperm.xlane v16, v1;
	_ =	sdelay $0x1  }
0x7a: {  	v16 =	vadd.f32 v17, v16;
	_ =	sdelay $0x1  }
0x7b: {  	v17 =	vperm.xlane v16, v2;
	_ =	sdelay $0x1  }
0x7c: {  	s12 =	simm.s32 $0x0;
	v16 =	vadd.f32 v17, v16  }
0x7d: {  	s13 =	sand.u32 $0x3F0, s12  }
0x7e: {  	v18 =	vimm.f32 $0.0e+00;
	s12 =	simm.s32 $0x10;
	v19 =	vld [tilespmem:s13+$0x1C00];
	v17 =	vperm.xlane v16, v3  }
.LBB2_17:
0x7f: {  	p0 =	sne.s32 s12, $0x3F0  }
.Ltmp7:
0x80: {  	_ = 	snop;
	(pc) =	sbr.rel @p0 .LBB2_17-.Ltmp7, $3  }
0x81: {  	_ =	sdelay $0x1  }
0x82: {  	s13 =	sand.u32 $0x3F0, s12;
	s12 =	sadd.s32 $0x10, s12;
	v18 =	vadd.f32 v19, v18  }
0x83: {  	v19 =	vld [tilespmem:s13+$0x1C00]  }
0x84: {  	_ =	sdelay $0x3  }
0x85: {  	v18 =	vadd.f32 v19, v18;
	_ =	sdelay $0x1  }
0x86: {  	v19 =	vperm.xlane v18, v0;
	_ =	sdelay $0x1  }
0x87: {  	v18 =	vadd.f32 v19, v18;
	_ =	sdelay $0x1  }
0x88: {  	v19 =	vperm.xlane v18, v1;
	_ =	sdelay $0x1  }
0x89: {  	v18 =	vadd.f32 v19, v18;
	_ =	sdelay $0x1  }
0x8a: {  	v19 =	vperm.xlane v18, v2;
	_ =	sdelay $0x1  }
0x8b: {  	s12 =	simm.s32 $0x0;
	v18 =	vadd.f32 v19, v18  }
0x8c: {  	s13 =	sand.u32 $0x3F0, s12  }
0x8d: {  	v20 =	vimm.f32 $0.0e+00;
	s12 =	simm.s32 $0x10;
	v21 =	vld [tilespmem:s13+$0x2000];
	v19 =	vperm.xlane v18, v3  }
.LBB2_19:
0x8e: {  	p0 =	sne.s32 s12, $0x3F0  }
.Ltmp8:
0x8f: {  	_ = 	snop;
	(pc) =	sbr.rel @p0 .LBB2_19-.Ltmp8, $3  }
0x90: {  	_ =	sdelay $0x1  }
0x91: {  	s13 =	sand.u32 $0x3F0, s12;
	s12 =	sadd.s32 $0x10, s12;
	v20 =	vadd.f32 v21, v20  }
0x92: {  	v21 =	vld [tilespmem:s13+$0x2000]  }
0x93: {  	_ =	sdelay $0x3  }
0x94: {  	v20 =	vadd.f32 v21, v20;
	_ =	sdelay $0x1  }
0x95: {  	v21 =	vperm.xlane v20, v0;
	_ =	sdelay $0x1  }
0x96: {  	v20 =	vadd.f32 v21, v20;
	_ =	sdelay $0x1  }
0x97: {  	v21 =	vperm.xlane v20, v1;
	_ =	sdelay $0x1  }
0x98: {  	v20 =	vadd.f32 v21, v20;
	_ =	sdelay $0x1  }
0x99: {  	v21 =	vperm.xlane v20, v2;
	_ =	sdelay $0x1  }
0x9a: {  	s12 =	simm.s32 $0x0;
	v20 =	vadd.f32 v21, v20  }
0x9b: {  	s13 =	sand.u32 $0x3F0, s12  }
0x9c: {  	v22 =	vimm.f32 $0.0e+00;
	s12 =	simm.s32 $0x10;
	v23 =	vld [tilespmem:s13+$0x2400];
	v21 =	vperm.xlane v20, v3  }
.LBB2_21:
0x9d: {  	p0 =	sne.s32 s12, $0x3F0  }
.Ltmp9:
0x9e: {  	_ = 	snop;
	(pc) =	sbr.rel @p0 .LBB2_21-.Ltmp9, $3  }
0x9f: {  	_ =	sdelay $0x1  }
0xa0: {  	s13 =	sand.u32 $0x3F0, s12;
	s12 =	sadd.s32 $0x10, s12;
	v22 =	vadd.f32 v23, v22  }
0xa1: {  	v23 =	vld [tilespmem:s13+$0x2400]  }
0xa2: {  	_ =	sdelay $0x3  }
0xa3: {  	v22 =	vadd.f32 v23, v22;
	_ =	sdelay $0x1  }
0xa4: {  	v23 =	vperm.xlane v22, v0;
	_ =	sdelay $0x1  }
0xa5: {  	v22 =	vadd.f32 v23, v22;
	_ =	sdelay $0x1  }
0xa6: {  	v23 =	vperm.xlane v22, v1;
	_ =	sdelay $0x1  }
0xa7: {  	v22 =	vadd.f32 v23, v22;
	_ =	sdelay $0x1  }
0xa8: {  	v23 =	vperm.xlane v22, v2;
	_ =	sdelay $0x1  }
0xa9: {  	s12 =	simm.s32 $0x0;
	v22 =	vadd.f32 v23, v22  }
0xaa: {  	s13 =	sand.u32 $0x3F0, s12  }
0xab: {  	v24 =	vimm.f32 $0.0e+00;
	s12 =	simm.s32 $0x10;
	v25 =	vld [tilespmem:s13+$0x2800];
	v23 =	vperm.xlane v22, v3  }
.LBB2_23:
0xac: {  	p0 =	sne.s32 s12, $0x3F0  }
.Ltmp10:
0xad: {  	_ = 	snop;
	(pc) =	sbr.rel @p0 .LBB2_23-.Ltmp10, $3  }
0xae: {  	_ =	sdelay $0x1  }
0xaf: {  	s13 =	sand.u32 $0x3F0, s12;
	s12 =	sadd.s32 $0x10, s12;
	v24 =	vadd.f32 v25, v24  }
0xb0: {  	v25 =	vld [tilespmem:s13+$0x2800]  }
0xb1: {  	_ =	sdelay $0x3  }
0xb2: {  	v24 =	vadd.f32 v25, v24;
	_ =	sdelay $0x1  }
0xb3: {  	v25 =	vperm.xlane v24, v0;
	_ =	sdelay $0x1  }
0xb4: {  	v24 =	vadd.f32 v25, v24;
	_ =	sdelay $0x1  }
0xb5: {  	v25 =	vperm.xlane v24, v1;
	_ =	sdelay $0x1  }
0xb6: {  	v24 =	vadd.f32 v25, v24;
	_ =	sdelay $0x1  }
0xb7: {  	v25 =	vperm.xlane v24, v2;
	_ =	sdelay $0x1  }
0xb8: {  	s12 =	simm.s32 $0x0;
	v24 =	vadd.f32 v25, v24  }
0xb9: {  	s13 =	sand.u32 $0x3F0, s12  }
0xba: {  	v26 =	vimm.f32 $0.0e+00;
	s12 =	simm.s32 $0x10;
	v27 =	vld [tilespmem:s13+$0x2C00];
	v25 =	vperm.xlane v24, v3  }
.LBB2_25:
0xbb: {  	p0 =	sne.s32 s12, $0x3F0  }
.Ltmp11:
0xbc: {  	_ = 	snop;
	(pc) =	sbr.rel @p0 .LBB2_25-.Ltmp11, $3  }
0xbd: {  	_ =	sdelay $0x1  }
0xbe: {  	s13 =	sand.u32 $0x3F0, s12;
	s12 =	sadd.s32 $0x10, s12;
	v26 =	vadd.f32 v27, v26  }
0xbf: {  	v27 =	vld [tilespmem:s13+$0x2C00]  }
0xc0: {  	_ =	sdelay $0x3  }
0xc1: {  	v26 =	vadd.f32 v27, v26;
	_ =	sdelay $0x1  }
0xc2: {  	v27 =	vperm.xlane v26, v0;
	_ =	sdelay $0x1  }
0xc3: {  	v26 =	vadd.f32 v27, v26;
	_ =	sdelay $0x1  }
0xc4: {  	v27 =	vperm.xlane v26, v1;
	_ =	sdelay $0x1  }
0xc5: {  	v26 =	vadd.f32 v27, v26;
	_ =	sdelay $0x1  }
0xc6: {  	v27 =	vperm.xlane v26, v2;
	_ =	sdelay $0x1  }
0xc7: {  	s12 =	simm.s32 $0x0;
	v26 =	vadd.f32 v27, v26  }
0xc8: {  	s13 =	sand.u32 $0x3F0, s12  }
0xc9: {  	v28 =	vimm.f32 $0.0e+00;
	s12 =	simm.s32 $0x10;
	v29 =	vld [tilespmem:s13+$0x3000];
	v27 =	vperm.xlane v26, v3  }
.LBB2_27:
0xca: {  	p0 =	sne.s32 s12, $0x3F0  }
.Ltmp12:
0xcb: {  	_ = 	snop;
	(pc) =	sbr.rel @p0 .LBB2_27-.Ltmp12, $3  }
0xcc: {  	_ =	sdelay $0x1  }
0xcd: {  	s13 =	sand.u32 $0x3F0, s12;
	s12 =	sadd.s32 $0x10, s12;
	v28 =	vadd.f32 v29, v28  }
0xce: {  	v29 =	vld [tilespmem:s13+$0x3000]  }
0xcf: {  	_ =	sdelay $0x3  }
0xd0: {  	v28 =	vadd.f32 v29, v28;
	_ =	sdelay $0x1  }
0xd1: {  	v29 =	vperm.xlane v28, v0;
	_ =	sdelay $0x1  }
0xd2: {  	v28 =	vadd.f32 v29, v28;
	_ =	sdelay $0x1  }
0xd3: {  	v29 =	vperm.xlane v28, v1;
	_ =	sdelay $0x1  }
0xd4: {  	v28 =	vadd.f32 v29, v28;
	_ =	sdelay $0x1  }
0xd5: {  	v29 =	vperm.xlane v28, v2;
	_ =	sdelay $0x1  }
0xd6: {  	s12 =	simm.s32 $0x0;
	v28 =	vadd.f32 v29, v28  }
0xd7: {  	s13 =	sand.u32 $0x3F0, s12  }
0xd8: {  	v30 =	vimm.f32 $0.0e+00;
	s12 =	simm.s32 $0x10;
	v31 =	vld [tilespmem:s13+$0x3400];
	v29 =	vperm.xlane v28, v3  }
.LBB2_29:
0xd9: {  	p0 =	sne.s32 s12, $0x3F0  }
.Ltmp13:
0xda: {  	_ = 	snop;
	(pc) =	sbr.rel @p0 .LBB2_29-.Ltmp13, $3  }
0xdb: {  	_ =	sdelay $0x1  }
0xdc: {  	s13 =	sand.u32 $0x3F0, s12;
	s12 =	sadd.s32 $0x10, s12;
	v30 =	vadd.f32 v31, v30  }
0xdd: {  	v31 =	vld [tilespmem:s13+$0x3400]  }
0xde: {  	_ =	sdelay $0x3  }
0xdf: {  	v30 =	vadd.f32 v31, v30;
	_ =	sdelay $0x1  }
0xe0: {  	v31 =	vperm.xlane v30, v0;
	_ =	sdelay $0x1  }
0xe1: {  	v30 =	vadd.f32 v31, v30;
	_ =	sdelay $0x1  }
0xe2: {  	v31 =	vperm.xlane v30, v1;
	_ =	sdelay $0x1  }
0xe3: {  	v30 =	vadd.f32 v31, v30;
	_ =	sdelay $0x1  }
0xe4: {  	v31 =	vperm.xlane v30, v2;
	_ =	sdelay $0x1  }
0xe5: {  	s12 =	simm.s32 $0x0;
	v30 =	vadd.f32 v31, v30  }
0xe6: {  	s13 =	sand.u32 $0x3F0, s12  }
0xe7: {  	v32 =	vimm.f32 $0.0e+00;
	s12 =	simm.s32 $0x10;
	v33 =	vld [tilespmem:s13+$0x3800];
	v31 =	vperm.xlane v30, v3  }
.LBB2_31:
0xe8: {  	p0 =	sne.s32 s12, $0x3F0  }
.Ltmp14:
0xe9: {  	_ = 	snop;
	(pc) =	sbr.rel @p0 .LBB2_31-.Ltmp14, $3  }
0xea: {  	_ =	sdelay $0x1  }
0xeb: {  	s13 =	sand.u32 $0x3F0, s12;
	s12 =	sadd.s32 $0x10, s12;
	v32 =	vadd.f32 v33, v32  }
0xec: {  	v33 =	vld [tilespmem:s13+$0x3800]  }
0xed: {  	_ =	sdelay $0x3  }
0xee: {  	v32 =	vadd.f32 v33, v32;
	_ =	sdelay $0x1  }
0xef: {  	v33 =	vperm.xlane v32, v0;
	_ =	sdelay $0x1  }
0xf0: {  	v32 =	vadd.f32 v33, v32;
	_ =	sdelay $0x1  }
0xf1: {  	v33 =	vperm.xlane v32, v1;
	_ =	sdelay $0x1  }
0xf2: {  	v32 =	vadd.f32 v33, v32;
	_ =	sdelay $0x1  }
0xf3: {  	v33 =	vperm.xlane v32, v2;
	_ =	sdelay $0x1  }
0xf4: {  	s12 =	simm.s32 $0x0;
	v32 =	vadd.f32 v33, v32  }
0xf5: {  	s13 =	sand.u32 $0x3F0, s12  }
0xf6: {  	v34 =	vimm.f32 $0.0e+00;
	s12 =	simm.s32 $0x10;
	v35 =	vld [tilespmem:s13+$0x3C00];
	v33 =	vperm.xlane v32, v3  }
.LBB2_33:
0xf7: {  	p0 =	sne.s32 s12, $0x3F0  }
.Ltmp15:
0xf8: {  	_ = 	snop;
	(pc) =	sbr.rel @p0 .LBB2_33-.Ltmp15, $3  }
0xf9: {  	_ =	sdelay $0x1  }
0xfa: {  	s13 =	sand.u32 $0x3F0, s12;
	s12 =	sadd.s32 $0x10, s12;
	v34 =	vadd.f32 v35, v34  }
0xfb: {  	v35 =	vld [tilespmem:s13+$0x3C00]  }
0xfc: {  	_ =	sdelay $0x2  }
0xfd: {  	v4 =	vadd.f32 v5, v4;
	v5 =	vadd.f32 v7, v6  }
0xfe: {  	v58 =	vadd.f32 v9, v8;
	v57 =	vadd.f32 v35, v34  }
0xff: {  	v4 =	vsel vm0, v4, v5;
	v5 =	vadd.f32 v11, v10  }
0x100: {  	v59 =	vadd.f32 v13, v12;
	v4 =	vsel vm1, v4, v58;
	v60 =	vperm.xlane v57, v0  }
0x101: {  	v4 =	vsel vm2, v4, v5;
	v5 =	vadd.f32 v15, v14  }
0x102: {  	vm4 =	vmmov $0x1f;
	v4 =	vsel vm3, v4, v59;
	v6 =	vadd.f32 v60, v57  }
0x103: {  	v4 =	vsel vm4, v4, v5;
	v5 =	vadd.f32 v17, v16  }
0x104: {  	v61 =	vadd.f32 v19, v18;
	vm4 =	vmmov $0x3f;
	v8 =	vperm.xlane v6, v1  }
0x105: {  	v4 =	vsel vm4, v4, v5;
	vm4 =	vmmov $0x7f;
	v5 =	vadd.f32 v21, v20  }
0x106: {  	v4 =	vsel vm4, v4, v61;
	vm4 =	vmmov $0xff;
	v6 =	vadd.f32 v8, v6  }
0x107: {  	v4 =	vsel vm4, v4, v5;
	v5 =	vadd.f32 v23, v22  }
0x108: {  	v62 =	vadd.f32 v25, v24;
	vm4 =	vmmov $0x1ff;
	v8 =	vperm.xlane v6, v2  }
0x109: {  	v4 =	vsel vm4, v4, v5;
	vm4 =	vmmov $0x3ff;
	v5 =	vadd.f32 v27, v26  }
0x10a: {  	v4 =	vsel vm4, v4, v62;
	vm4 =	vmmov $0x7ff;
	v6 =	vadd.f32 v8, v6  }
0x10b: {  	v4 =	vsel vm4, v4, v5;
	v5 =	vadd.f32 v29, v28  }
0x10c: {  	v63 =	vadd.f32 v31, v30;
	vm4 =	vmmov $0xfff;
	v8 =	vperm.xlane v6, v3  }
0x10d: {  	v4 =	vsel vm4, v4, v5;
	vm4 =	vmmov $0x1fff;
	v5 =	vadd.f32 v33, v32  }
0x10e: {  	v4 =	vsel vm4, v4, v63;
	vm4 =	vmmov $0x3fff;
	v6 =	vadd.f32 v8, v6  }
0x10f: {  	v4 =	vsel vm4, v4, v5;
	vm4 =	vmmov $0x7fff  }
0x110: {  	v4 =	vsel vm4, v4, v6  }
0x111: {  	s10 =	sadd.s32 $0x1, s10;
	v4 =	vmul.f32 $9.765625000e-04, v4  }
0x112: {  	s11 =	sshrl.u32 s11, $0x3;
	p0 =	sne.s32 s10, $0x20  }
.Ltmp16:
0x113: {  	s11 =	sadd.s32 s4, s11;
	[tilespmem:$0x4000] =	vst v4;
	(pc) =	sbr.rel @p0 .LBB2_2-.Ltmp16, $4  }
0x114: {  	[hbm4b:s11+s1] =	stream.linear.scatter [tilespmem:s8], [sflag:$0x1], $0x10, $0x38;
	[tilespmem:$0x4080] =	vst v63  }
0x115: {  	_ =	swait.ge [sflag:s7], $0x10  }
0x116: {  	[sflag:s7] =	ssyncset.done $0x0  }
0x117: {  	[sflag:s7] =	ssyncadd.s32 $0xFFFFFFF0  }
0x118: {  	s9 =	sadd.s32 $0x1, s9  }
0x119: {  	p0 =	sne.s32 s9, s6  }
.Ltmp17:
0x11a: {  	_ = 	snop;
	(pc) =	sbr.rel @p0 .LBB2_1-.Ltmp17, $1  }
0x11b: {  	_ =	sdelay $0x3  }
0x11c: {  	_ =	sfence.sel $0x180000  }
0x11d: {  	[bflag:$0x0] =	sbarrier.arrive $0xFFFF  }
0x11e: {  	p0 =	sne.s32 s2, $0x0;
	_ =	strace $0x9000004A  }
0x11f: {  	s0 =	sadd.s32 @!p0 $0x100000, s0;
	[bflag:$0x2] =	sbarrier.arrive $0xFFFF  }
0x120: {  	[sflag:s0] =	ssyncadd.tile.s32 @!p0 $0x1;
	_ =	shalt  }
.Lfunc_end2:
_tile_overlayer_lowered:
.L_overlay_start_2:
0x121: {  	(tag) =	ssettag $0x2  }
0x122: {  	s0 =	rddreg [dreg:$0x0];
	s2 =	stileid.u32  }
0x123: {  	s1 =	rddreg [dreg:$0x1];
	p0 =	sne.s32 s2, $0x0  }
0x124: {  	s3 =	rddreg [dreg:$0x2];
	[bflag:$0x3] =	sbarrier.arrive $0xFFFF;
	s2 =	simm.s32 @!p0 $0x1C01  }
0x125: {  	[timem:s3], [sflag:s2] =	dma.local @!p0 [hbm:s0], s1  }
0x126: {  	s0 =	simm.s32 @!p0 $0x1  }
0x127: {  	_ =	swait.ge @!p0 [sflag:s0], s1  }
0x128: {  	s1 =	ssub.s32 @!p0 $0x0, s1;
	[sflag:s0] =	ssyncset.done @!p0 $0x0  }
0x129: {  	[sflag:s0] =	ssyncadd.s32 @!p0 s1  }
0x12a: {  	[bflag:$0x3] =	sbarrier.arrive $0xFFFF  }
0x12b: {  	_ =	shalt  }

// kernel: sparse-core-data-format-call.cloned.1.call-start
scs
called_computation_lowered:
.L_overlay_start_0:
0x0: {  	s2 =	sld [smem:$0x3FD9]  }
0x1: {  	s3 =	sld [smem:$0x3FFE];
	_ =	sdelay $0x1  }
0x2: {  	s1 =	srdreg.scid  }
0x3: {  	s0 =	sand.u32 $0x1, s1  }
0x4: {  	s18 =	sshll.u32 s0, $0xA;
	s2 =	sadd.s32 s3, s2  }
0x5: {  	s2 =	sadd.s32 s2, s18  }
0x6: {  	[smem:$0x3FC4] =	sst s2  }
0x7: {  	_ = 	snop  }
0x8: {  	s2 =	sld [smem:$0x3FC6];
	(tm) =	ssettm $0x1  }
0x9: {  	s19 =	sld [smem:$0x3FFB];
	_ =	sdelay $0x3  }
0xa: {  	_ =	strace s19  }
0xb: {  	s3 =	sld [smem:$0x3FFC];
	_ =	sdelay $0x3  }
0xc: {  	_ =	strace s3  }
0xd: {  	s3 =	sld [smem:$0x3FFD];
	_ =	sdelay $0x3  }
0xe: {  	_ =	strace s3  }
0xf: {  	_ =	strace $0x8FFFFFFF  }
0x10: {  	s20 =	sld [smem:$0x3FDB];
	_ =	sdelay $0x1  }
0x11: {  	s4 =	simm.s32 $_scs_section_size  }
0x12: {  	s5 =	simm.s32 $_size__tile_overlayer_lowered;
	s6 =	simm.s32 $_tile_overlayer_lowered  }
0x13: {  	s23 =	simm.s32 $0x1BFF;
	s22 =	sshll.u32 s6, $0x1;
	s3 =	sadd.s32 s4, s20  }
0x14: {  	s7 =	simm.s32 $0x0;
	s21 =	sshll.u32 s5, $0x1;
	s5 =	sadd.s32 s22, s3  }
0x15: {  	[timem:s7], [sflag:s23] =	dma.local [hbm:s5], s21  }
0x16: {  	_ =	swait.ge [sflag:s23], s21  }
0x17: {  	s4 =	ssub.s32 $0x0, s21;
	[sflag:s23] =	ssyncset.done $0x0  }
0x18: {  	[sflag:s23] =	ssyncadd.s32 s4;
	_ =	sdelay $0x1  }
0x19: {  	s24 =	simm.s32 $0x1B8B  }
0x1a: {  	_ =	swait.ge [sflag:s24], $0x1  }
0x1b: {  	[sflag:s24] =	ssyncset.done $0x0  }
0x1c: {  	s26 =	simm.s32 $0x1B8E;
	s25 =	sld [smem:$0x3FFE];
	[sflag:s24] =	ssyncadd.s32 $0xFFFFFFFF  }
0x1d: {  	s27 =	simm.s32 $execute0_lowered;
	[smem:$0x3FD2] =	sst s26  }
0x1e: {  	s5 =	sshll.u32 s27, $0x1;
	_ =	strace $0x80000046;
	[dreg:$0x1] =	wrdreg $0xFFFFFFFF  }
0x1f: {  	s28 =	simm.s32 $_size_execute0_lowered;
	s3 =	sadd.s32 s3, s5;
	[dreg:$0x0] =	wrdreg $0x0  }
0x20: {  	s5 =	sshll.u32 s28, $0x1;
	[dreg:$0x2] =	wrdreg s3  }
0x21: {  	[dreg:$0x3] =	wrdreg s5  }
0x22: {  	[dreg:$0x4] =	wrdreg $0xC0  }
0x23: {  	_ =	task [dreg:s7], $0x5FFFF  }
0x24: {  	[dreg:$0x1] =	wrdreg $0xFFFFFFFF  }
0x25: {  	[dreg:$0x0] =	wrdreg $0x60  }
0x26: {  	[dreg:$0x2] =	wrdreg s2  }
0x27: {  	[dreg:$0x3] =	wrdreg s25  }
0x28: {  	[dreg:$0x4] =	wrdreg $0x9  }
0x29: {  	_ =	task.clear_ibuf [dreg:s7], $0x5FFFF;
	_ =	strace $0x90000046  }
0x2a: {  	s29 =	simm.s32 $0x9;
	_ =	strace $0x80000048  }
0x2b: {  	_ =	swait.ge [sflag:s29], $0x1  }
0x2c: {  	[sflag:s29] =	ssyncadd.s32 $0xFFFFFFFF  }
0x2d: {  	_ =	strace $0x90000048  }
0x2e: {  	_ =	sfence  }
0x2f: {  	s30 =	sld [smem:$0x0];
	_ =	sdelay $0x2  }
0x30: {  	s31 =	sshll.u32 s1, $0xD;
	s1 =	sshrl.u32 s1, $0x2  }
0x31: {  	s3 =	sand.u32 $0x4000, s31;
	s1 =	sadd.s32 s1, s30  }
0x32: {  	s0 =	sor.u32 s3, s0;
	s1 =	sshll.u32 s1, $0x11  }
0x33: {  	s0 =	sor.u32 s1, s0  }
0x34: {  	s0 =	sadd.s32 $0x8F2B, s0  }
0x35: {  	[sflag:s0] =	ssyncadd.remote.s32 $0x1  }
0x36: {  	_ =	sfence.sel $0xFFFF  }
0x37: {  	[dreg:$0x0] =	wrdreg $0xFFFFFFFF;
	(pc) =	sbr.abs _section_cstart, $3  }
0x38: {  	[dreg:$0x1] =	wrdreg $0xFFFFFFFF  }
0x39: {  	_ =	task.clear_ibuf [dreg:s7], $0x2FFFF;
	_ =	strace $0x9FFFFFFF  }
0x3a: {  	(tm) =	ssettm $0x7FFFFFFF  }
0x3b: {  	_ =	shalt  }
tec
execute0_lowered:
.L_overlay_start_1:
0x0: {  	(tag) =	ssettag $0x1  }
0x1: {  	s0 =	srdreg.scid  }
0x2: {  	s1 =	sshll.u32 s0, $0x4  }
0x3: {  	s2 =	rddreg [dreg:$0x0];
	s0 =	stileid.u32;
	s1 =	sand.u32 $0x10, s1  }
0x4: {  	s4 =	rddreg [dreg:$0x1];
	s7 =	simm.s32 $0x1;
	s1 =	sor.u32 s0, s1  }
0x5: {  	s8 =	simm.s32 $0x2;
	s9 =	simm.s32 $0x0;
	s3 =	sshll.u32 s1, $0x1  }
0x6: {  	s12 =	simm.s32 $0x0;
	s11 =	simm.s32 $0x0;
	s6 =	ssub.s32 $0x800, s3  }
.Ltmp0:
0x7: {  	s4 =	sadd.s32 $0x2E00, s4;
	s5 =	sand.u32 $0x3E, s6;
	(pc) =	sbr.rel .LBB1_1-.Ltmp0, $4  }
0x8: {  	s1 =	rddreg [dreg:$0x2];
	_ =	strace $0x80000047;
	p0 =	sne.s32 s5, $0x0  }
0x9: {  	s6 =	sshrl.u32 s6, $0x6;
	s5 =	simm.s32 $0x1;
	s7 =	simm.s32 @!p0 $0x0  }
0xa: {  	s10 =	smov.u32 s3;
	[sflag:s5] =	ssyncpa.u1 $0x0;
	s6 =	sadd.s32 s7, s6  }
0xb: {  	[sflag:s8] =	ssyncpa.u1 $0x0;
	s8 =	simm.s32 $0x0;
	s7 =	sadd.s32 $0x1, s6  }
.LBB1_9:
0xc: {  	s14 =	sadd.s32 $0x40, s10  }
0xd: {  	p1 =	sgt.s32 s14, $0x7FF  }
0xe: {  	s14 =	smov.u32 @p1 s3;
	p1 =	sne.s32 s11, s7  }
.Ltmp1:
0xf: {  	p0 =	slt.u32 s11, $0x2;
	(pc) =	sbr.rel @!p1 .LBB1_10-.Ltmp1, $4  }
0x10: {  	s13 =	simm.s32 @!p0 $0x2  }
0x11: {  	s15 =	sadd.s32 $0x1, s11;
	_ =	swait.ge @!p0 [sflag:s13], $0x4000  }
0x12: {  	s12 =	smov.u32 s10;
	s9 =	sadd.s32 $0x4000, s9;
	[sflag:s13] =	ssyncset.done @!p0 $0x0  }
0x13: {  	s11 =	smov.u32 s15;
	s10 =	smov.u32 s14;
	[sflag:s13] =	ssyncadd.s32 @!p0 $0xFFFFC000  }
.LBB1_1:
0x14: {  	p0 =	sge.u32 s11, s6  }
0x15: {  	s13 =	sxor.u32 @!p0 $0xFFFFFFFF, s11  }
0x16: {  	s31 =	sadd.s32 $0xFFFFFFFF, s11;
	s14 =	sshll.u32 @!p0 s10, $0xA;
	s13 =	sshll.u32 @!p0 s13, $0xE  }
0x17: {  	s15 =	simm.s32 @!p0 $0x0;
	s14 =	sadd.s32 @!p0 s2, s14;
	s13 =	sand.u32 @!p0 $0x4000, s13  }
0x18: {  	[tilespmem:s13], [sflag:$0x1] =	stream.linear.gather @!p0 [hbm4b:s14+s15], $0x4000, $0x38;
	[tilespmem:$0x10000] =	vst v63  }
0x19: {  	p0 =	sge.u32 s31, s6  }
.Ltmp2:
0x1a: {  	_ = 	snop;
	(pc) =	sbr.rel @p0 .LBB1_9-.Ltmp2, $1  }
0x1b: {  	_ =	sdelay $0x3  }
0x1c: {  	s13 =	sshll.u32 s9, $0x2  }
0x1d: {  	_ =	swait.ge [sflag:s5], $0x4000;
	s14 =	sshll.u32 s11, $0xE;
	s16 =	simm.s32 $0x0  }
0x1e: {  	p1 =	por $0x1, $0x1;
	s13 =	sand.u32 $0x10000, s13;
	[sflag:s5] =	ssyncset.done $0x0  }
0x1f: {  	s14 =	sand.u32 $0x4000, s14;
	s15 =	sshrl.u32 s13, $0x2;
	[sflag:s5] =	ssyncadd.s32 $0xFFFFC000  }
0x20: {  	s13 =	sor.u32 $0x8000, s14;
	s14 =	sadd.s32 $0x8040, s15;
	s15 =	sadd.s32 $0x40, s15  }
.LBB1_3:
0x21: {  	s16 =	sshll.u32 s16, $0x2  }
0x22: {  	p0 =	por p1, p1;
	s17 =	sshra.s32 s16, $0x2  }
0x23: {  	s18 =	simm.s32 $0x0;
	s16 =	sadd.s32 s17, s14;
	s17 =	sadd.s32 s17, s15  }
.LBB1_4:
0x24: {  	v0 =	vmov s17;
	_ =	sdelay $0x3  }
0x25: {  	s20 =	simm.s32 $0x0  }
0x26: {  	v6 =	vld.idx.msk [tilespmem:v0+s20+$0x30 ss:$0x1], $0xffff  }
0x27: {  	v7 =	vld.idx.msk [tilespmem:v0+s20+$0xFFFFFFC0 ss:$0x1], $0xffff  }
0x28: {  	v5 =	vld.idx.msk [tilespmem:v0+s20+$0xFFFFFFD0 ss:$0x1], $0xffff  }
0x29: {  	v4 =	vld.idx.msk [tilespmem:v0+s20+$0xFFFFFFE0 ss:$0x1], $0xffff  }
0x2a: {  	v3 =	vld.idx.msk [tilespmem:v0+s20+$0xFFFFFFF0 ss:$0x1], $0xffff  }
0x2b: {  	v1 =	vld.idx.msk [tilespmem:v0+s20+$0x0 ss:$0x1], $0xffff  }
0x2c: {  	v2 =	vld.idx.msk [tilespmem:v0+s20+$0x10 ss:$0x1], $0xffff;
	[tilespmem:s16+$0x30] =	vst v6  }
0x2d: {  	s19 =	simm.s32 $0x80;
	s21 =	simm.s32 $0x400;
	[tilespmem:s16+$0xFFFFFFC0] =	vst v7;
	v6 =	vld.idx.msk [tilespmem:v0+s20+$0x20 ss:$0x1], $0xffff;
	s20 =	smov.u32 s16  }
.LBB1_5:
0x2e: {  	p1 =	sne.s32 s21, $0xE00;
	v7 =	vld.idx.msk [tilespmem:v0+s19+$0x30 ss:$0x1], $0xffff;
	[tilespmem:s20+$0xFFFFFFD0] =	vst v5  }
0x2f: {  	v8 =	vld.idx.msk [tilespmem:v0+s19+$0xFFFFFFC0 ss:$0x1], $0xffff;
	[tilespmem:s20+$0xFFFFFFE0] =	vst v4  }
0x30: {  	v5 =	vld.idx.msk [tilespmem:v0+s19+$0xFFFFFFD0 ss:$0x1], $0xffff;
	[tilespmem:s20+$0xFFFFFFF0] =	vst v3  }
.Ltmp3:
0x31: {  	v4 =	vld.idx.msk [tilespmem:v0+s19+$0xFFFFFFE0 ss:$0x1], $0xffff;
	[tilespmem:s20+$0x0] =	vst v1;
	(pc) =	sbr.rel @p1 .LBB1_5-.Ltmp3, $4  }
0x32: {  	v3 =	vld.idx.msk [tilespmem:v0+s19+$0xFFFFFFF0 ss:$0x1], $0xffff;
	[tilespmem:s20+$0x10] =	vst v2  }
0x33: {  	v1 =	vld.idx.msk [tilespmem:v0+s19+$0x0 ss:$0x1], $0xffff;
	[tilespmem:s20+$0x20] =	vst v6;
	s20 =	sadd.s32 $0x400, s20  }
0x34: {  	v2 =	vld.idx.msk [tilespmem:v0+s19+$0x10 ss:$0x1], $0xffff;
	[tilespmem:s20+$0x30] =	vst v7  }
0x35: {  	[tilespmem:s20+$0xFFFFFFC0] =	vst v8;
	v6 =	vld.idx.msk [tilespmem:v0+s19+$0x20 ss:$0x1], $0xffff;
	s19 =	sshra.s32 s21, $0x2;
	s21 =	sadd.s32 $0x200, s21  }
0x36: {  	_ =	sdelay $0x2  }
0x37: {  	[tilespmem:s20+$0xFFFFFFD0] =	vst v5  }
0x38: {  	v56 =	vld.idx.msk [tilespmem:v0+s19+$0x30 ss:$0x1], $0xffff;
	[tilespmem:s20+$0xFFFFFFE0] =	vst v4  }
0x39: {  	v57 =	vld.idx.msk [tilespmem:v0+s19+$0xFFFFFFC0 ss:$0x1], $0xffff;
	[tilespmem:s20+$0xFFFFFFF0] =	vst v3  }
0x3a: {  	v58 =	vld.idx.msk [tilespmem:v0+s19+$0xFFFFFFD0 ss:$0x1], $0xffff;
	[tilespmem:s20+$0x0] =	vst v1  }
0x3b: {  	v59 =	vld.idx.msk [tilespmem:v0+s19+$0xFFFFFFE0 ss:$0x1], $0xffff;
	[tilespmem:s20+$0x10] =	vst v2  }
0x3c: {  	v60 =	vld.idx.msk [tilespmem:v0+s19+$0xFFFFFFF0 ss:$0x1], $0xffff;
	s31 =	sadd.s32 $0x400, s20;
	[tilespmem:s20+$0x20] =	vst v6  }
0x3d: {  	v61 =	vld.idx.msk [tilespmem:v0+s19+$0x0 ss:$0x1], $0xffff;
	[tilespmem:s31+$0x30] =	vst v56  }
0x3e: {  	v62 =	vld.idx.msk [tilespmem:v0+s19+$0x10 ss:$0x1], $0xffff;
	s18 =	sadd.s32 $0x1, s18;
	[tilespmem:s31+$0xFFFFFFC0] =	vst v57  }
0x3f: {  	v63 =	vld.idx.msk [tilespmem:v0+s19+$0x20 ss:$0x1], $0xffff;
	p1 =	sne.s32 s18, $0x8;
	[tilespmem:s31+$0xFFFFFFD0] =	vst v58  }
.Ltmp4:
0x40: {  	[tilespmem:s31+$0xFFFFFFE0] =	vst v59;
	(pc) =	sbr.rel @p1 .LBB1_4-.Ltmp4, $4  }
0x41: {  	[tilespmem:s31+$0xFFFFFFF0] =	vst v60  }
0x42: {  	[tilespmem:s31+$0x0] =	vst v61  }
0x43: {  	[tilespmem:s31+$0x10] =	vst v62  }
0x44: {  	s16 =	sadd.s32 $0x80, s16;
	s17 =	sadd.s32 $0x400, s17;
	[tilespmem:s31+$0x20] =	vst v63  }
.Ltmp5:
0x45: {  	(pc) =	sbr.rel @p0 .LBB1_3-.Ltmp5, $2  }
0x46: {  	_ =	sdelay $0x2  }
0x47: {  	s16 =	simm.s32 $0x2000;
	p1 =	por $0x0, $0x0  }
.Ltmp6:
0x48: {  	(pc) =	sbr.rel .LBB1_9-.Ltmp6, $4  }
0x49: {  	_ = 	snop  }
0x4a: {  	s12 =	sshll.u32 s12, $0xA  }
0x4b: {  	s12 =	sadd.s32 s4, s12  }
0x4c: {  	[hbm4b:s12+s8] =	stream.linear.scatter [tilespmem:s13], [sflag:$0x2], $0x4000, $0x38;
	[tilespmem:$0x10000] =	vst v63  }
.LBB1_10:
0x4d: {  	_ =	sfence.sel $0x180000  }
0x4e: {  	s2 =	simm.s32 $0x1;
	[bflag:$0x0] =	sbarrier.arrive $0xFFFF  }
0x4f: {  	s31 =	simm.s32 $0x2;
	[sflag:s2] =	ssyncpa.u1 $0x1  }
0x50: {  	[sflag:s31] =	ssyncpa.u1 $0x1  }
0x51: {  	p0 =	sne.s32 s0, $0x0;
	_ =	strace $0x90000047  }
0x52: {  	s0 =	sadd.s32 @!p0 $0x100000, s1;
	[bflag:$0x2] =	sbarrier.arrive $0xFFFF  }
0x53: {  	[sflag:s0] =	ssyncadd.tile.s32 @!p0 $0x1;
	_ =	shalt  }
.Lfunc_end1:
_tile_overlayer_lowered:
.L_overlay_start_2:
0x54: {  	(tag) =	ssettag $0x2  }
0x55: {  	s0 =	rddreg [dreg:$0x0];
	s2 =	stileid.u32  }
0x56: {  	s1 =	rddreg [dreg:$0x1];
	p0 =	sne.s32 s2, $0x0  }
0x57: {  	s3 =	rddreg [dreg:$0x2];
	[bflag:$0x3] =	sbarrier.arrive $0xFFFF;
	s2 =	simm.s32 @!p0 $0x1C01  }
0x58: {  	[timem:s3], [sflag:s2] =	dma.local @!p0 [hbm:s0], s1  }
0x59: {  	s0 =	simm.s32 @!p0 $0x1  }
0x5a: {  	_ =	swait.ge @!p0 [sflag:s0], s1  }
0x5b: {  	s1 =	ssub.s32 @!p0 $0x0, s1;
	[sflag:s0] =	ssyncset.done @!p0 $0x0  }
0x5c: {  	[sflag:s0] =	ssyncadd.s32 @!p0 s1  }
0x5d: {  	[bflag:$0x3] =	sbarrier.arrive $0xFFFF  }
0x5e: {  	_ =	shalt  }

</sc_bundles>
